<compile_context>
chip_gen: v7x
topology: tpu7x:2x2x1
jax: 0.10.2.dev20260603
libtpu: 0.0.44.dev20260713+nightly
codegen_flags: <defaults>
</compile_context>

<pallas_src>
import jax
import jax.numpy as jnp
from jax import lax
from jax.experimental import pallas as pl
from jax.experimental.pallas import tpu as pltpu
from jax.experimental.pallas import tpu_sc as plsc

N = 10000
D = 128
E = 320000
NPAD = 10240
ROWS_PER_TILE = 640
CH = 80
NCHUNK = E // CH
NC, NS = 2, 16
NT = NC * NS
BLK_ROWS = NCHUNK // NT

_MESH = dict(mesh=plsc.VectorSubcoreMesh(core_axis_name="c", subcore_axis_name="s"))


def _deg_body(e6, out, deg_sh, idx_v, ones_v, ssem):
    cid = lax.axis_index("c")
    sid = lax.axis_index("s")
    for i in range(CH // 16):
        ones_v[pl.ds(i * 16, 16)] = jnp.ones((16,), jnp.float32)
    for i in range(ROWS_PER_TILE // CH):
        pltpu.sync_copy(ones_v,
                        deg_sh.at[pl.ds(sid * ROWS_PER_TILE + i * CH, CH)])
    for q in range(2):
        pltpu.sync_copy(e6.at[cid, 2 * sid + q], idx_v.at[q])
    plsc.subcore_barrier()

    k = 25

    for q in range(2):
        def step(i, carry, q=q):
            for b in range(k):
                pltpu.async_copy(ones_v, deg_sh.at[idx_v.at[q, i * k + b]], ssem, add=True)
            for b in range(k):
                pltpu.make_async_copy(ones_v, deg_sh.at[idx_v.at[q, i * k + b]], ssem).wait()
            return carry

        lax.fori_loop(0, BLK_ROWS // k, step, 0)
    plsc.subcore_barrier()
    pltpu.sync_copy(deg_sh.at[pl.ds(sid * ROWS_PER_TILE, ROWS_PER_TILE)],
                    out.at[cid, 0, pl.ds(sid * ROWS_PER_TILE, ROWS_PER_TILE)])


@jax.jit
def _deg_kernel(e6):
    return pl.kernel(
        _deg_body,
        out_type=jax.ShapeDtypeStruct((2, 1, NPAD), jnp.float32),
        scratch_types=[
            pltpu.VMEM_SHARED((NPAD,), jnp.float32),
            pltpu.VMEM((2, BLK_ROWS, CH), jnp.int32),
            pltpu.VMEM((CH,), jnp.float32),
            pltpu.SemaphoreType.DMA,
        ],
        **_MESH,
    )(e6)


def _scale_body(x_ref, dsrc_ref, ddst_ref, xs_ref, ndst_ref):
    ns = lax.rsqrt(dsrc_ref[...])
    xs_ref[...] = x_ref[...] * ns
    ndst_ref[...] = lax.rsqrt(ddst_ref[...])


@jax.jit
def _scale_kernel(x, dsrc, ddst):
    blk = 1000
    grid = N // blk
    return pl.pallas_call(
        _scale_body,
        grid=(grid,),
        in_specs=[
            pl.BlockSpec((blk, D), lambda w: (w, 0)),
            pl.BlockSpec((blk, 1), lambda w: (w, 0)),
            pl.BlockSpec((blk, 1), lambda w: (w, 0)),
        ],
        out_specs=[
            pl.BlockSpec((blk, D), lambda w: (w, 0)),
            pl.BlockSpec((blk, 1), lambda w: (w, 0)),
        ],
        out_shape=[
            jax.ShapeDtypeStruct((N, D), jnp.float32),
            jax.ShapeDtypeStruct((N, 1), jnp.float32),
        ],
    )(x, dsrc, ddst)


def _agg_body(xs, e1, e6, out, acc_sh, sidx, didx, msg, *gsems):
    cid = lax.axis_index("c")
    sid = lax.axis_index("s")
    tile_rows = BLK_ROWS
    tid = cid * NS + sid
    for i in range(CH * D // 16):
        msg[0, i // (D // 16), pl.ds((i % (D // 16)) * 16, 16)] = jnp.zeros((16,), jnp.float32)
    for i in range(ROWS_PER_TILE // CH):
        pltpu.sync_copy(msg.at[0],
                        acc_sh.at[pl.ds(sid * ROWS_PER_TILE + i * CH, CH), :])
    pltpu.sync_copy(e1.at[0, tid], sidx)
    pltpu.sync_copy(e6.at[1, tid], didx)
    plsc.subcore_barrier()

    H = CH // 2

    def gather_halves(j, b):
        for h in range(2):
            pltpu.async_copy(
                xs.at[sidx.at[pl.ds(pl.multiple_of(j * CH + h * H, 8), H)]],
                msg.at[b, pl.ds(h * H, H), :], gsems[2 * b + h])

    def wait_halves(j, b):
        for h in range(2):
            pltpu.make_async_copy(
                xs.at[sidx.at[pl.ds(pl.multiple_of(j * CH + h * H, 8), H)]],
                msg.at[b, pl.ds(h * H, H), :], gsems[2 * b + h]).wait()

    for b in range(2):
        gather_halves(b, b)

    def step(i, carry):
        for b in range(2):
            j = 2 * i + b
            wait_halves(j, b)
            pltpu.sync_copy(msg.at[b], acc_sh.at[didx.at[j]], add=True)

            @pl.when(j + 2 < tile_rows)
            def _():
                gather_halves(j + 2, b)
        return carry

    lax.fori_loop(0, (tile_rows - 1) // 2, step, 0)
    j = tile_rows - 1
    wait_halves(j, 0)
    pltpu.sync_copy(msg.at[0], acc_sh.at[didx.at[j]], add=True)
    plsc.subcore_barrier()
    pltpu.sync_copy(acc_sh.at[pl.ds(sid * ROWS_PER_TILE, ROWS_PER_TILE), :],
                    out.at[cid, pl.ds(sid * ROWS_PER_TILE, ROWS_PER_TILE), :])


@jax.jit
def _agg_kernel(xs, e1, e6):
    return pl.kernel(
        _agg_body,
        out_type=jax.ShapeDtypeStruct((2, NPAD, D), jnp.float32),
        scratch_types=[
            pltpu.VMEM_SHARED((NPAD, D), jnp.float32),
            pltpu.VMEM((BLK_ROWS * CH,), jnp.int32),
            pltpu.VMEM((BLK_ROWS, CH), jnp.int32),
            pltpu.VMEM((2, CH, D), jnp.float32),
        ] + [pltpu.SemaphoreType.DMA] * 4,
        **_MESH,
    )(xs, e1, e6)


def _head_body(acc0, acc1, xs, nd, Wc, bc, W1, b1, W2, b2, W3, b3, out, mx):
    w = pl.program_id(0)
    s = acc0[0] + acc1[0] + xs[...]
    t = jnp.dot(s, Wc[...], preferred_element_type=jnp.float32)
    z = jnp.maximum(t * nd[...] + bc[...], 0.0)
    zm = jnp.max(z, axis=0, keepdims=True)

    @pl.when(w == 0)
    def _():
        mx[...] = zm

    @pl.when(w > 0)
    def _():
        mx[...] = jnp.maximum(mx[...], zm)

    @pl.when(w == pl.num_programs(0) - 1)
    def _():
        hg = mx[...]
        a = jnp.maximum(jnp.dot(hg, W1[...], preferred_element_type=jnp.float32) + b1[...], 0.0)
        a = jnp.maximum(jnp.dot(a, W2[...], preferred_element_type=jnp.float32) + b2[...], 0.0)
        out[...] = jnp.dot(a, W3[...], preferred_element_type=jnp.float32) + b3[...]


@jax.jit
def _head_kernel(acc, xs, ndst, Wc, bc, W1, b1, W2, b2, W3, b3):
    blk = 1000
    grid = N // blk
    full = lambda a, b: pl.BlockSpec((a, b), lambda w: (0, 0))
    return pl.pallas_call(
        _head_body,
        grid=(grid,),
        in_specs=[
            pl.BlockSpec((1, blk, D), lambda w: (0, w, 0)),
            pl.BlockSpec((1, blk, D), lambda w: (1, w, 0)),
            pl.BlockSpec((blk, D), lambda w: (w, 0)),
            pl.BlockSpec((blk, 1), lambda w: (w, 0)),
            full(128, 128), full(1, 128),
            full(128, 256), full(1, 256),
            full(256, 128), full(1, 128),
            full(128, 10), full(1, 10),
        ],
        out_specs=pl.BlockSpec((1, 10), lambda w: (0, 0)),
        out_shape=jax.ShapeDtypeStruct((1, 10), jnp.float32),
        scratch_shapes=[pltpu.VMEM((1, D), jnp.float32)],
    )(acc, acc, xs, ndst, Wc, bc, W1, b1, W2, b2, W3, b3)


def kernel(x, edge_index, Wc, bc, W1, b1, W2, b2, W3, b3):
    e6 = edge_index.reshape(2, NT, BLK_ROWS, CH)
    e1 = edge_index.reshape(2, NT, BLK_ROWS * CH)
    deg = _deg_kernel(e6)
    dsrc = deg[0, 0, :N, None]
    ddst = deg[1, 0, :N, None]
    xs, ndst = _scale_kernel(x, dsrc, ddst)
    acc = _agg_kernel(xs, e1, e6)
    out = _head_kernel(acc, xs, ndst,
                       Wc, bc[None, :], W1, b1[None, :], W2, b2[None, :],
                       W3, b3[None, :])
    return jnp.squeeze(out)

# --- scband reference (transcript-rebuilt; emitter-appended) ---
"""Pipeline reference for scband-model-nn1-layer-7834020348010 (READ-ONLY COPY).

The authoritative reference and input builder live on the scoring server;
editing this copy changes nothing except your own understanding.
"""

import jax, jax.numpy as jnp
import numpy as np

N, E, D, H1, F1, F2, OUT = 10000, 320000, 128, 128, 256, 128, 10

def _xavier(key, shape):
    fan_in, fan_out = shape[0], shape[1]
    a = (6.0 / (fan_in + fan_out)) ** 0.5
    return jax.random.uniform(key, shape, dtype=jnp.float32, minval=-a, maxval=a)

def setup_inputs(seed: int = 0) -> dict:
    key = jax.random.key(seed)
    ks = jax.random.split(key, 10)
    x = jax.random.normal(ks[0], (N, D), dtype=jnp.float32)
    edge_index = jax.random.randint(ks[1], (2, E), 0, N, dtype=jnp.int32)
    Wc = _xavier(ks[2], (D, H1))
    bc = jnp.zeros((H1,), dtype=jnp.float32)
    W1 = _xavier(ks[3], (H1, F1))
    b1 = jnp.zeros((F1,), dtype=jnp.float32)
    W2 = _xavier(ks[4], (F1, F2))
    b2 = jnp.zeros((F2,), dtype=jnp.float32)
    W3 = _xavier(ks[5], (F2, OUT))
    b3 = jnp.zeros((OUT,), dtype=jnp.float32)
    return {"x": x, "edge_index": edge_index, "Wc": Wc, "bc": bc, "W1": W1, "b1": b1, "W2": W2, "b2": b2, "W3": W3, "b3": b3}

def reference(x, edge_index, Wc, bc, W1, b1, W2, b2, W3, b3):
    n = x.shape[0]
    loops = jnp.arange(n, dtype=edge_index.dtype)
    src = jnp.concatenate([edge_index[0], loops])
    dst = jnp.concatenate([edge_index[1], loops])
    ones = jnp.ones_like(src, dtype=x.dtype)
    deg_out = jax.ops.segment_sum(ones, src, num_segments=n)
    deg_in = jax.ops.segment_sum(ones, dst, num_segments=n)
    norm_src = jnp.where(deg_out > 0, deg_out ** -0.5, 0.0)
    norm_dst = jnp.where(deg_in > 0, deg_in ** -0.5, 0.0)
    # DGL GraphConv (norm='both'): D_in^{-1/2} A D_out^{-1/2} X W + b
    h = x @ Wc
    msg = h[src] * norm_src[src][:, None]
    agg = jax.ops.segment_sum(msg, dst, num_segments=n) * norm_dst[:, None] + bc
    h = jax.nn.relu(agg)
    # dgl.max_nodes readout over the single graph -> [1, H1]
    hg = jnp.max(h, axis=0, keepdims=True)
    a = jax.nn.relu(hg @ W1 + b1)
    a = jax.nn.relu(a @ W2 + b2)
    a = a @ W3 + b3
    # torch.cat over the single-graph list then .squeeze()
    return jnp.squeeze(a)

if __name__ == "__main__":
    import jax
    _d = setup_inputs()
    print(jax.jit(kernel)(*tuple(_d.values())))

</pallas_src>

<mosaic_0001>
#map = affine_map<(d0, d1) -> (0, 0, 0, 0)>
#map1 = affine_map<(d0, d1) -> (0, 0, 0)>
module attributes {stable_mosaic.version = 14 : i64} {
  func.func @_deg_body(%arg0: i32, %arg1: i32, %arg2: memref<2x32x125x80xi32, #tpu.memory_space<hbm>>, %arg3: memref<2x1x10240xf32, #tpu.memory_space<hbm>>, %arg4: memref<10240xf32, #tpu.memory_space<vmem_shared>>, %arg5: memref<2x125x80xi32, #tpu.memory_space<vmem>>, %arg6: memref<80xf32, #tpu.memory_space<vmem>>, %arg7: memref<!tpu.dma_semaphore, #tpu.memory_space<semaphore_mem>>) attributes {dimension_semantics = [#tpu.dimension_semantics<core_parallel>, #tpu.dimension_semantics<subcore_parallel>], iteration_bounds = array<i64: 2, 16>, scalar_prefetch = 0 : i64, scratch_operands = 4 : i64, tpu.core_type = #tpu.core_type<sc_vector_subcore>, window_params = [{transform_indices = #map}, {transform_indices = #map1}]} {
    %broadcast_in_dim3A = arith.constant 1.000000e+00 : f32
    %broadcast_in_dim3A_0 = vector.broadcast %broadcast_in_dim3A : f32 to vector<16xf32>
    %swap3A = arith.constant 0 : index
    %swap3A_1 = tpu.vector_load %arg6[%swap3A] {strides = array<i32>} : memref<80xf32, #tpu.memory_space<vmem>>, vector<16xf32>,
    %swap3A_2 = vector.shape_cast %swap3A_1 : vector<16xf32> to vector<16xf32>
    %swap3A_3 = vector.shape_cast %broadcast_in_dim3A_0 : vector<16xf32> to vector<16xf32>
    tpu.vector_store %arg6[%swap3A], %swap3A_3 {strides = array<i32>} : memref<80xf32, #tpu.memory_space<vmem>>, vector<16xf32>,
    %broadcast_in_dim3A_4 = arith.constant 1.000000e+00 : f32
    %broadcast_in_dim3A_5 = vector.broadcast %broadcast_in_dim3A_4 : f32 to vector<16xf32>
    %swap3A_6 = arith.constant 16 : index
    %swap3A_7 = tpu.vector_load %arg6[%swap3A_6] {strides = array<i32>} : memref<80xf32, #tpu.memory_space<vmem>>, vector<16xf32>,
    %swap3A_8 = vector.shape_cast %swap3A_7 : vector<16xf32> to vector<16xf32>
    %swap3A_9 = vector.shape_cast %broadcast_in_dim3A_5 : vector<16xf32> to vector<16xf32>
    tpu.vector_store %arg6[%swap3A_6], %swap3A_9 {strides = array<i32>} : memref<80xf32, #tpu.memory_space<vmem>>, vector<16xf32>,
    %broadcast_in_dim3A_10 = arith.constant 1.000000e+00 : f32
    %broadcast_in_dim3A_11 = vector.broadcast %broadcast_in_dim3A_10 : f32 to vector<16xf32>
    %swap3A_12 = arith.constant 32 : index
    %swap3A_13 = tpu.vector_load %arg6[%swap3A_12] {strides = array<i32>} : memref<80xf32, #tpu.memory_space<vmem>>, vector<16xf32>,
    %swap3A_14 = vector.shape_cast %swap3A_13 : vector<16xf32> to vector<16xf32>
    %swap3A_15 = vector.shape_cast %broadcast_in_dim3A_11 : vector<16xf32> to vector<16xf32>
    tpu.vector_store %arg6[%swap3A_12], %swap3A_15 {strides = array<i32>} : memref<80xf32, #tpu.memory_space<vmem>>, vector<16xf32>,
    %broadcast_in_dim3A_16 = arith.constant 1.000000e+00 : f32
    %broadcast_in_dim3A_17 = vector.broadcast %broadcast_in_dim3A_16 : f32 to vector<16xf32>
    %swap3A_18 = arith.constant 48 : index
    %swap3A_19 = tpu.vector_load %arg6[%swap3A_18] {strides = array<i32>} : memref<80xf32, #tpu.memory_space<vmem>>, vector<16xf32>,
    %swap3A_20 = vector.shape_cast %swap3A_19 : vector<16xf32> to vector<16xf32>
    %swap3A_21 = vector.shape_cast %broadcast_in_dim3A_17 : vector<16xf32> to vector<16xf32>
    tpu.vector_store %arg6[%swap3A_18], %swap3A_21 {strides = array<i32>} : memref<80xf32, #tpu.memory_space<vmem>>, vector<16xf32>,
    %broadcast_in_dim3A_22 = arith.constant 1.000000e+00 : f32
    %broadcast_in_dim3A_23 = vector.broadcast %broadcast_in_dim3A_22 : f32 to vector<16xf32>
    %swap3A_24 = arith.constant 64 : index
    %swap3A_25 = tpu.vector_load %arg6[%swap3A_24] {strides = array<i32>} : memref<80xf32, #tpu.memory_space<vmem>>, vector<16xf32>,
    %swap3A_26 = vector.shape_cast %swap3A_25 : vector<16xf32> to vector<16xf32>
    %swap3A_27 = vector.shape_cast %broadcast_in_dim3A_23 : vector<16xf32> to vector<16xf32>
    tpu.vector_store %arg6[%swap3A_24], %swap3A_27 {strides = array<i32>} : memref<80xf32, #tpu.memory_space<vmem>>, vector<16xf32>,
    %mul3A = arith.constant 640 : i32
    %mul3A_28 = arith.muli %arg1, %mul3A : i32
    %add3A = arith.constant 0 : i32
    %add3A_29 = arith.addi %mul3A_28, %add3A : i32
    "tpu.region"() ({
      %run_scoped3A_84 = tpu.sem_alloc : memref<!tpu.dma_semaphore, #tpu.memory_space<semaphore_mem>>
      %dma_start3A = tpu.memref_slice %arg4[%add3A_29] : memref<10240xf32, #tpu.memory_space<vmem_shared>> -> memref<80xf32, #tpu.memory_space<vmem_shared>>
      %dma_start3A_85 = tpu.memref_slice %arg4[%add3A_29] : memref<10240xf32, #tpu.memory_space<vmem_shared>> -> memref<80xf32, #tpu.memory_space<vmem_shared>>
      tpu.enqueue_dma source(%arg6 : memref<80xf32, #tpu.memory_space<vmem>>) target(%dma_start3A_85 : memref<80xf32, #tpu.memory_space<vmem_shared>>) target_semaphore(%run_scoped3A_84 : memref<!tpu.dma_semaphore, #tpu.memory_space<semaphore_mem>>)
      %dma_wait3A = tpu.memref_slice %arg4[%add3A_29] : memref<10240xf32, #tpu.memory_space<vmem_shared>> -> memref<80xf32, #tpu.memory_space<vmem_shared>>
      %dma_wait3A_86 = tpu.memref_slice %arg4[%add3A_29] : memref<10240xf32, #tpu.memory_space<vmem_shared>> -> memref<80xf32, #tpu.memory_space<vmem_shared>>
      tpu.wait_dma2 semaphore(%run_scoped3A_84 : memref<!tpu.dma_semaphore, #tpu.memory_space<semaphore_mem>>) src(%arg6 : memref<80xf32, #tpu.memory_space<vmem>>) dst(%dma_wait3A_86 : memref<80xf32, #tpu.memory_space<vmem_shared>>)
      tpu.yield
    }) : () -> ()
    %mul3A_30 = arith.constant 640 : i32
    %mul3A_31 = arith.muli %arg1, %mul3A_30 : i32
    %add3A_32 = arith.constant 80 : i32
    %add3A_33 = arith.addi %mul3A_31, %add3A_32 : i32
    "tpu.region"() ({
      %run_scoped3A_84 = tpu.sem_alloc : memref<!tpu.dma_semaphore, #tpu.memory_space<semaphore_mem>>
      %dma_start3A = tpu.memref_slice %arg4[%add3A_33] : memref<10240xf32, #tpu.memory_space<vmem_shared>> -> memref<80xf32, #tpu.memory_space<vmem_shared>>
      %dma_start3A_85 = tpu.memref_slice %arg4[%add3A_33] : memref<10240xf32, #tpu.memory_space<vmem_shared>> -> memref<80xf32, #tpu.memory_space<vmem_shared>>
      tpu.enqueue_dma source(%arg6 : memref<80xf32, #tpu.memory_space<vmem>>) target(%dma_start3A_85 : memref<80xf32, #tpu.memory_space<vmem_shared>>) target_semaphore(%run_scoped3A_84 : memref<!tpu.dma_semaphore, #tpu.memory_space<semaphore_mem>>)
      %dma_wait3A = tpu.memref_slice %arg4[%add3A_33] : memref<10240xf32, #tpu.memory_space<vmem_shared>> -> memref<80xf32, #tpu.memory_space<vmem_shared>>
      %dma_wait3A_86 = tpu.memref_slice %arg4[%add3A_33] : memref<10240xf32, #tpu.memory_space<vmem_shared>> -> memref<80xf32, #tpu.memory_space<vmem_shared>>
      tpu.wait_dma2 semaphore(%run_scoped3A_84 : memref<!tpu.dma_semaphore, #tpu.memory_space<semaphore_mem>>) src(%arg6 : memref<80xf32, #tpu.memory_space<vmem>>) dst(%dma_wait3A_86 : memref<80xf32, #tpu.memory_space<vmem_shared>>)
      tpu.yield
    }) : () -> ()
    %mul3A_34 = arith.constant 640 : i32
    %mul3A_35 = arith.muli %arg1, %mul3A_34 : i32
    %add3A_36 = arith.constant 160 : i32
    %add3A_37 = arith.addi %mul3A_35, %add3A_36 : i32
    "tpu.region"() ({
      %run_scoped3A_84 = tpu.sem_alloc : memref<!tpu.dma_semaphore, #tpu.memory_space<semaphore_mem>>
      %dma_start3A = tpu.memref_slice %arg4[%add3A_37] : memref<10240xf32, #tpu.memory_space<vmem_shared>> -> memref<80xf32, #tpu.memory_space<vmem_shared>>
      %dma_start3A_85 = tpu.memref_slice %arg4[%add3A_37] : memref<10240xf32, #tpu.memory_space<vmem_shared>> -> memref<80xf32, #tpu.memory_space<vmem_shared>>
      tpu.enqueue_dma source(%arg6 : memref<80xf32, #tpu.memory_space<vmem>>) target(%dma_start3A_85 : memref<80xf32, #tpu.memory_space<vmem_shared>>) target_semaphore(%run_scoped3A_84 : memref<!tpu.dma_semaphore, #tpu.memory_space<semaphore_mem>>)
      %dma_wait3A = tpu.memref_slice %arg4[%add3A_37] : memref<10240xf32, #tpu.memory_space<vmem_shared>> -> memref<80xf32, #tpu.memory_space<vmem_shared>>
      %dma_wait3A_86 = tpu.memref_slice %arg4[%add3A_37] : memref<10240xf32, #tpu.memory_space<vmem_shared>> -> memref<80xf32, #tpu.memory_space<vmem_shared>>
      tpu.wait_dma2 semaphore(%run_scoped3A_84 : memref<!tpu.dma_semaphore, #tpu.memory_space<semaphore_mem>>) src(%arg6 : memref<80xf32, #tpu.memory_space<vmem>>) dst(%dma_wait3A_86 : memref<80xf32, #tpu.memory_space<vmem_shared>>)
      tpu.yield
    }) : () -> ()
    %mul3A_38 = arith.constant 640 : i32
    %mul3A_39 = arith.muli %arg1, %mul3A_38 : i32
    %add3A_40 = arith.constant 240 : i32
    %add3A_41 = arith.addi %mul3A_39, %add3A_40 : i32
    "tpu.region"() ({
      %run_scoped3A_84 = tpu.sem_alloc : memref<!tpu.dma_semaphore, #tpu.memory_space<semaphore_mem>>
      %dma_start3A = tpu.memref_slice %arg4[%add3A_41] : memref<10240xf32, #tpu.memory_space<vmem_shared>> -> memref<80xf32, #tpu.memory_space<vmem_shared>>
      %dma_start3A_85 = tpu.memref_slice %arg4[%add3A_41] : memref<10240xf32, #tpu.memory_space<vmem_shared>> -> memref<80xf32, #tpu.memory_space<vmem_shared>>
      tpu.enqueue_dma source(%arg6 : memref<80xf32, #tpu.memory_space<vmem>>) target(%dma_start3A_85 : memref<80xf32, #tpu.memory_space<vmem_shared>>) target_semaphore(%run_scoped3A_84 : memref<!tpu.dma_semaphore, #tpu.memory_space<semaphore_mem>>)
      %dma_wait3A = tpu.memref_slice %arg4[%add3A_41] : memref<10240xf32, #tpu.memory_space<vmem_shared>> -> memref<80xf32, #tpu.memory_space<vmem_shared>>
      %dma_wait3A_86 = tpu.memref_slice %arg4[%add3A_41] : memref<10240xf32, #tpu.memory_space<vmem_shared>> -> memref<80xf32, #tpu.memory_space<vmem_shared>>
      tpu.wait_dma2 semaphore(%run_scoped3A_84 : memref<!tpu.dma_semaphore, #tpu.memory_space<semaphore_mem>>) src(%arg6 : memref<80xf32, #tpu.memory_space<vmem>>) dst(%dma_wait3A_86 : memref<80xf32, #tpu.memory_space<vmem_shared>>)
      tpu.yield
    }) : () -> ()
    %mul3A_42 = arith.constant 640 : i32
    %mul3A_43 = arith.muli %arg1, %mul3A_42 : i32
    %add3A_44 = arith.constant 320 : i32
    %add3A_45 = arith.addi %mul3A_43, %add3A_44 : i32
    "tpu.region"() ({
      %run_scoped3A_84 = tpu.sem_alloc : memref<!tpu.dma_semaphore, #tpu.memory_space<semaphore_mem>>
      %dma_start3A = tpu.memref_slice %arg4[%add3A_45] : memref<10240xf32, #tpu.memory_space<vmem_shared>> -> memref<80xf32, #tpu.memory_space<vmem_shared>>
      %dma_start3A_85 = tpu.memref_slice %arg4[%add3A_45] : memref<10240xf32, #tpu.memory_space<vmem_shared>> -> memref<80xf32, #tpu.memory_space<vmem_shared>>
      tpu.enqueue_dma source(%arg6 : memref<80xf32, #tpu.memory_space<vmem>>) target(%dma_start3A_85 : memref<80xf32, #tpu.memory_space<vmem_shared>>) target_semaphore(%run_scoped3A_84 : memref<!tpu.dma_semaphore, #tpu.memory_space<semaphore_mem>>)
      %dma_wait3A = tpu.memref_slice %arg4[%add3A_45] : memref<10240xf32, #tpu.memory_space<vmem_shared>> -> memref<80xf32, #tpu.memory_space<vmem_shared>>
      %dma_wait3A_86 = tpu.memref_slice %arg4[%add3A_45] : memref<10240xf32, #tpu.memory_space<vmem_shared>> -> memref<80xf32, #tpu.memory_space<vmem_shared>>
      tpu.wait_dma2 semaphore(%run_scoped3A_84 : memref<!tpu.dma_semaphore, #tpu.memory_space<semaphore_mem>>) src(%arg6 : memref<80xf32, #tpu.memory_space<vmem>>) dst(%dma_wait3A_86 : memref<80xf32, #tpu.memory_space<vmem_shared>>)
      tpu.yield
    }) : () -> ()
    %mul3A_46 = arith.constant 640 : i32
    %mul3A_47 = arith.muli %arg1, %mul3A_46 : i32
    %add3A_48 = arith.constant 400 : i32
    %add3A_49 = arith.addi %mul3A_47, %add3A_48 : i32
    "tpu.region"() ({
      %run_scoped3A_84 = tpu.sem_alloc : memref<!tpu.dma_semaphore, #tpu.memory_space<semaphore_mem>>
      %dma_start3A = tpu.memref_slice %arg4[%add3A_49] : memref<10240xf32, #tpu.memory_space<vmem_shared>> -> memref<80xf32, #tpu.memory_space<vmem_shared>>
      %dma_start3A_85 = tpu.memref_slice %arg4[%add3A_49] : memref<10240xf32, #tpu.memory_space<vmem_shared>> -> memref<80xf32, #tpu.memory_space<vmem_shared>>
      tpu.enqueue_dma source(%arg6 : memref<80xf32, #tpu.memory_space<vmem>>) target(%dma_start3A_85 : memref<80xf32, #tpu.memory_space<vmem_shared>>) target_semaphore(%run_scoped3A_84 : memref<!tpu.dma_semaphore, #tpu.memory_space<semaphore_mem>>)
      %dma_wait3A = tpu.memref_slice %arg4[%add3A_49] : memref<10240xf32, #tpu.memory_space<vmem_shared>> -> memref<80xf32, #tpu.memory_space<vmem_shared>>
      %dma_wait3A_86 = tpu.memref_slice %arg4[%add3A_49] : memref<10240xf32, #tpu.memory_space<vmem_shared>> -> memref<80xf32, #tpu.memory_space<vmem_shared>>
      tpu.wait_dma2 semaphore(%run_scoped3A_84 : memref<!tpu.dma_semaphore, #tpu.memory_space<semaphore_mem>>) src(%arg6 : memref<80xf32, #tpu.memory_space<vmem>>) dst(%dma_wait3A_86 : memref<80xf32, #tpu.memory_space<vmem_shared>>)
      tpu.yield
    }) : () -> ()
    %mul3A_50 = arith.constant 640 : i32
    %mul3A_51 = arith.muli %arg1, %mul3A_50 : i32
    %add3A_52 = arith.constant 480 : i32
    %add3A_53 = arith.addi %mul3A_51, %add3A_52 : i32
    "tpu.region"() ({
      %run_scoped3A_84 = tpu.sem_alloc : memref<!tpu.dma_semaphore, #tpu.memory_space<semaphore_mem>>
      %dma_start3A = tpu.memref_slice %arg4[%add3A_53] : memref<10240xf32, #tpu.memory_space<vmem_shared>> -> memref<80xf32, #tpu.memory_space<vmem_shared>>
      %dma_start3A_85 = tpu.memref_slice %arg4[%add3A_53] : memref<10240xf32, #tpu.memory_space<vmem_shared>> -> memref<80xf32, #tpu.memory_space<vmem_shared>>
      tpu.enqueue_dma source(%arg6 : memref<80xf32, #tpu.memory_space<vmem>>) target(%dma_start3A_85 : memref<80xf32, #tpu.memory_space<vmem_shared>>) target_semaphore(%run_scoped3A_84 : memref<!tpu.dma_semaphore, #tpu.memory_space<semaphore_mem>>)
      %dma_wait3A = tpu.memref_slice %arg4[%add3A_53] : memref<10240xf32, #tpu.memory_space<vmem_shared>> -> memref<80xf32, #tpu.memory_space<vmem_shared>>
      %dma_wait3A_86 = tpu.memref_slice %arg4[%add3A_53] : memref<10240xf32, #tpu.memory_space<vmem_shared>> -> memref<80xf32, #tpu.memory_space<vmem_shared>>
      tpu.wait_dma2 semaphore(%run_scoped3A_84 : memref<!tpu.dma_semaphore, #tpu.memory_space<semaphore_mem>>) src(%arg6 : memref<80xf32, #tpu.memory_space<vmem>>) dst(%dma_wait3A_86 : memref<80xf32, #tpu.memory_space<vmem_shared>>)
      tpu.yield
    }) : () -> ()
    %mul3A_54 = arith.constant 640 : i32
    %mul3A_55 = arith.muli %arg1, %mul3A_54 : i32
    %add3A_56 = arith.constant 560 : i32
    %add3A_57 = arith.addi %mul3A_55, %add3A_56 : i32
    "tpu.region"() ({
      %run_scoped3A_84 = tpu.sem_alloc : memref<!tpu.dma_semaphore, #tpu.memory_space<semaphore_mem>>
      %dma_start3A = tpu.memref_slice %arg4[%add3A_57] : memref<10240xf32, #tpu.memory_space<vmem_shared>> -> memref<80xf32, #tpu.memory_space<vmem_shared>>
      %dma_start3A_85 = tpu.memref_slice %arg4[%add3A_57] : memref<10240xf32, #tpu.memory_space<vmem_shared>> -> memref<80xf32, #tpu.memory_space<vmem_shared>>
      tpu.enqueue_dma source(%arg6 : memref<80xf32, #tpu.memory_space<vmem>>) target(%dma_start3A_85 : memref<80xf32, #tpu.memory_space<vmem_shared>>) target_semaphore(%run_scoped3A_84 : memref<!tpu.dma_semaphore, #tpu.memory_space<semaphore_mem>>)
      %dma_wait3A = tpu.memref_slice %arg4[%add3A_57] : memref<10240xf32, #tpu.memory_space<vmem_shared>> -> memref<80xf32, #tpu.memory_space<vmem_shared>>
      %dma_wait3A_86 = tpu.memref_slice %arg4[%add3A_57] : memref<10240xf32, #tpu.memory_space<vmem_shared>> -> memref<80xf32, #tpu.memory_space<vmem_shared>>
      tpu.wait_dma2 semaphore(%run_scoped3A_84 : memref<!tpu.dma_semaphore, #tpu.memory_space<semaphore_mem>>) src(%arg6 : memref<80xf32, #tpu.memory_space<vmem>>) dst(%dma_wait3A_86 : memref<80xf32, #tpu.memory_space<vmem_shared>>)
      tpu.yield
    }) : () -> ()
    %mul3A_58 = arith.constant 2 : i32
    %mul3A_59 = arith.muli %mul3A_58, %arg1 : i32
    %add3A_60 = arith.constant 0 : i32
    %add3A_61 = arith.addi %mul3A_59, %add3A_60 : i32
    %run_scoped3A = arith.constant 0 : i32
    "tpu.region"() ({
      %run_scoped3A_84 = tpu.sem_alloc : memref<!tpu.dma_semaphore, #tpu.memory_space<semaphore_mem>>
      %dma_start3A = arith.constant 0 : i32
      %dma_start3A_85 = arith.constant 0 : i32
      %dma_start3A_86 = tpu.memref_slice %arg5[%run_scoped3A, %dma_start3A, %dma_start3A_85] : memref<2x125x80xi32, #tpu.memory_space<vmem>> -> memref<1x125x80xi32, #tpu.memory_space<vmem>>
      %dma_start3A_87 = tpu.memref_squeeze %dma_start3A_86 : memref<1x125x80xi32, #tpu.memory_space<vmem>> -> memref<125x80xi32, #tpu.memory_space<vmem>>
      %dma_start3A_88 = arith.constant 0 : i32
      %dma_start3A_89 = arith.constant 0 : i32
      %dma_start3A_90 = tpu.memref_slice %arg2[%arg0, %add3A_61, %dma_start3A_88, %dma_start3A_89] : memref<2x32x125x80xi32, #tpu.memory_space<hbm>> -> memref<1x1x125x80xi32, #tpu.memory_space<hbm>>
      %dma_start3A_91 = tpu.memref_squeeze %dma_start3A_90 : memref<1x1x125x80xi32, #tpu.memory_space<hbm>> -> memref<125x80xi32, #tpu.memory_space<hbm>>
      %dma_start3A_92 = arith.constant 0 : i32
      %dma_start3A_93 = arith.constant 0 : i32
      %dma_start3A_94 = tpu.memref_slice %arg5[%run_scoped3A, %dma_start3A_92, %dma_start3A_93] : memref<2x125x80xi32, #tpu.memory_space<vmem>> -> memref<1x125x80xi32, #tpu.memory_space<vmem>>
      %dma_start3A_95 = tpu.memref_squeeze %dma_start3A_94 : memref<1x125x80xi32, #tpu.memory_space<vmem>> -> memref<125x80xi32, #tpu.memory_space<vmem>>
      %dma_start3A_96 = arith.constant 0 : i32
      %dma_start3A_97 = arith.constant 0 : i32
      %dma_start3A_98 = tpu.memref_slice %arg2[%arg0, %add3A_61, %dma_start3A_96, %dma_start3A_97] : memref<2x32x125x80xi32, #tpu.memory_space<hbm>> -> memref<1x1x125x80xi32, #tpu.memory_space<hbm>>
      %dma_start3A_99 = tpu.memref_squeeze %dma_start3A_98 : memref<1x1x125x80xi32, #tpu.memory_space<hbm>> -> memref<125x80xi32, #tpu.memory_space<hbm>>
      tpu.enqueue_dma source(%dma_start3A_99 : memref<125x80xi32, #tpu.memory_space<hbm>>) target(%dma_start3A_95 : memref<125x80xi32, #tpu.memory_space<vmem>>) target_semaphore(%run_scoped3A_84 : memref<!tpu.dma_semaphore, #tpu.memory_space<semaphore_mem>>)
      %dma_wait3A = arith.constant 0 : i32
      %dma_wait3A_100 = arith.constant 0 : i32
      %dma_wait3A_101 = tpu.memref_slice %arg5[%run_scoped3A, %dma_wait3A, %dma_wait3A_100] : memref<2x125x80xi32, #tpu.memory_space<vmem>> -> memref<1x125x80xi32, #tpu.memory_space<vmem>>
      %dma_wait3A_102 = tpu.memref_squeeze %dma_wait3A_101 : memref<1x125x80xi32, #tpu.memory_space<vmem>> -> memref<125x80xi32, #tpu.memory_space<vmem>>
      %dma_wait3A_103 = arith.constant 0 : i32
      %dma_wait3A_104 = arith.constant 0 : i32
      %dma_wait3A_105 = tpu.memref_slice %arg2[%arg0, %add3A_61, %dma_wait3A_103, %dma_wait3A_104] : memref<2x32x125x80xi32, #tpu.memory_space<hbm>> -> memref<1x1x125x80xi32, #tpu.memory_space<hbm>>
      %dma_wait3A_106 = tpu.memref_squeeze %dma_wait3A_105 : memref<1x1x125x80xi32, #tpu.memory_space<hbm>> -> memref<125x80xi32, #tpu.memory_space<hbm>>
      %dma_wait3A_107 = arith.constant 0 : i32
      %dma_wait3A_108 = arith.constant 0 : i32
      %dma_wait3A_109 = tpu.memref_slice %arg5[%run_scoped3A, %dma_wait3A_107, %dma_wait3A_108] : memref<2x125x80xi32, #tpu.memory_space<vmem>> -> memref<1x125x80xi32, #tpu.memory_space<vmem>>
      %dma_wait3A_110 = tpu.memref_squeeze %dma_wait3A_109 : memref<1x125x80xi32, #tpu.memory_space<vmem>> -> memref<125x80xi32, #tpu.memory_space<vmem>>
      %dma_wait3A_111 = arith.constant 0 : i32
      %dma_wait3A_112 = arith.constant 0 : i32
      %dma_wait3A_113 = tpu.memref_slice %arg2[%arg0, %add3A_61, %dma_wait3A_111, %dma_wait3A_112] : memref<2x32x125x80xi32, #tpu.memory_space<hbm>> -> memref<1x1x125x80xi32, #tpu.memory_space<hbm>>
      %dma_wait3A_114 = tpu.memref_squeeze %dma_wait3A_113 : memref<1x1x125x80xi32, #tpu.memory_space<hbm>> -> memref<125x80xi32, #tpu.memory_space<hbm>>
      tpu.wait_dma2 semaphore(%run_scoped3A_84 : memref<!tpu.dma_semaphore, #tpu.memory_space<semaphore_mem>>) src(%dma_wait3A_114 : memref<125x80xi32, #tpu.memory_space<hbm>>) dst(%dma_wait3A_110 : memref<125x80xi32, #tpu.memory_space<vmem>>)
      tpu.yield
    }) : () -> ()
    %mul3A_62 = arith.constant 2 : i32
    %mul3A_63 = arith.muli %mul3A_62, %arg1 : i32
    %add3A_64 = arith.constant 1 : i32
    %add3A_65 = arith.addi %mul3A_63, %add3A_64 : i32
    %run_scoped3A_66 = arith.constant 1 : i32
    "tpu.region"() ({
      %run_scoped3A_84 = tpu.sem_alloc : memref<!tpu.dma_semaphore, #tpu.memory_space<semaphore_mem>>
      %dma_start3A = arith.constant 0 : i32
      %dma_start3A_85 = arith.constant 0 : i32
      %dma_start3A_86 = tpu.memref_slice %arg5[%run_scoped3A_66, %dma_start3A, %dma_start3A_85] : memref<2x125x80xi32, #tpu.memory_space<vmem>> -> memref<1x125x80xi32, #tpu.memory_space<vmem>>
      %dma_start3A_87 = tpu.memref_squeeze %dma_start3A_86 : memref<1x125x80xi32, #tpu.memory_space<vmem>> -> memref<125x80xi32, #tpu.memory_space<vmem>>
      %dma_start3A_88 = arith.constant 0 : i32
      %dma_start3A_89 = arith.constant 0 : i32
      %dma_start3A_90 = tpu.memref_slice %arg2[%arg0, %add3A_65, %dma_start3A_88, %dma_start3A_89] : memref<2x32x125x80xi32, #tpu.memory_space<hbm>> -> memref<1x1x125x80xi32, #tpu.memory_space<hbm>>
      %dma_start3A_91 = tpu.memref_squeeze %dma_start3A_90 : memref<1x1x125x80xi32, #tpu.memory_space<hbm>> -> memref<125x80xi32, #tpu.memory_space<hbm>>
      %dma_start3A_92 = arith.constant 0 : i32
      %dma_start3A_93 = arith.constant 0 : i32
      %dma_start3A_94 = tpu.memref_slice %arg5[%run_scoped3A_66, %dma_start3A_92, %dma_start3A_93] : memref<2x125x80xi32, #tpu.memory_space<vmem>> -> memref<1x125x80xi32, #tpu.memory_space<vmem>>
      %dma_start3A_95 = tpu.memref_squeeze %dma_start3A_94 : memref<1x125x80xi32, #tpu.memory_space<vmem>> -> memref<125x80xi32, #tpu.memory_space<vmem>>
      %dma_start3A_96 = arith.constant 0 : i32
      %dma_start3A_97 = arith.constant 0 : i32
      %dma_start3A_98 = tpu.memref_slice %arg2[%arg0, %add3A_65, %dma_start3A_96, %dma_start3A_97] : memref<2x32x125x80xi32, #tpu.memory_space<hbm>> -> memref<1x1x125x80xi32, #tpu.memory_space<hbm>>
      %dma_start3A_99 = tpu.memref_squeeze %dma_start3A_98 : memref<1x1x125x80xi32, #tpu.memory_space<hbm>> -> memref<125x80xi32, #tpu.memory_space<hbm>>
      tpu.enqueue_dma source(%dma_start3A_99 : memref<125x80xi32, #tpu.memory_space<hbm>>) target(%dma_start3A_95 : memref<125x80xi32, #tpu.memory_space<vmem>>) target_semaphore(%run_scoped3A_84 : memref<!tpu.dma_semaphore, #tpu.memory_space<semaphore_mem>>)
      %dma_wait3A = arith.constant 0 : i32
      %dma_wait3A_100 = arith.constant 0 : i32
      %dma_wait3A_101 = tpu.memref_slice %arg5[%run_scoped3A_66, %dma_wait3A, %dma_wait3A_100] : memref<2x125x80xi32, #tpu.memory_space<vmem>> -> memref<1x125x80xi32, #tpu.memory_space<vmem>>
      %dma_wait3A_102 = tpu.memref_squeeze %dma_wait3A_101 : memref<1x125x80xi32, #tpu.memory_space<vmem>> -> memref<125x80xi32, #tpu.memory_space<vmem>>
      %dma_wait3A_103 = arith.constant 0 : i32
      %dma_wait3A_104 = arith.constant 0 : i32
      %dma_wait3A_105 = tpu.memref_slice %arg2[%arg0, %add3A_65, %dma_wait3A_103, %dma_wait3A_104] : memref<2x32x125x80xi32, #tpu.memory_space<hbm>> -> memref<1x1x125x80xi32, #tpu.memory_space<hbm>>
      %dma_wait3A_106 = tpu.memref_squeeze %dma_wait3A_105 : memref<1x1x125x80xi32, #tpu.memory_space<hbm>> -> memref<125x80xi32, #tpu.memory_space<hbm>>
      %dma_wait3A_107 = arith.constant 0 : i32
      %dma_wait3A_108 = arith.constant 0 : i32
      %dma_wait3A_109 = tpu.memref_slice %arg5[%run_scoped3A_66, %dma_wait3A_107, %dma_wait3A_108] : memref<2x125x80xi32, #tpu.memory_space<vmem>> -> memref<1x125x80xi32, #tpu.memory_space<vmem>>
      %dma_wait3A_110 = tpu.memref_squeeze %dma_wait3A_109 : memref<1x125x80xi32, #tpu.memory_space<vmem>> -> memref<125x80xi32, #tpu.memory_space<vmem>>
      %dma_wait3A_111 = arith.constant 0 : i32
      %dma_wait3A_112 = arith.constant 0 : i32
      %dma_wait3A_113 = tpu.memref_slice %arg2[%arg0, %add3A_65, %dma_wait3A_111, %dma_wait3A_112] : memref<2x32x125x80xi32, #tpu.memory_space<hbm>> -> memref<1x1x125x80xi32, #tpu.memory_space<hbm>>
      %dma_wait3A_114 = tpu.memref_squeeze %dma_wait3A_113 : memref<1x1x125x80xi32, #tpu.memory_space<hbm>> -> memref<125x80xi32, #tpu.memory_space<hbm>>
      tpu.wait_dma2 semaphore(%run_scoped3A_84 : memref<!tpu.dma_semaphore, #tpu.memory_space<semaphore_mem>>) src(%dma_wait3A_114 : memref<125x80xi32, #tpu.memory_space<hbm>>) dst(%dma_wait3A_110 : memref<125x80xi32, #tpu.memory_space<vmem>>)
      tpu.yield
    }) : () -> ()
    %barrier3A = arith.constant 0 : index
    tpu.barrier barrier_id(%barrier3A)
    %scan3A = arith.constant 0 : i32
    %scan3A_67 = arith.constant 0 : i32
    %scan3A_68 = arith.constant 5 : i32
    %scan3A_69 = arith.addi %scan3A_67, %scan3A_68 : i32
    %scan3A_70 = arith.constant 1 : i32
    scf.for %scan3A_84 = %scan3A_67 to %scan3A_69 step %scan3A_70  : i32 {
      %mul3A_85 = arith.constant 25 : i32
      %mul3A_86 = arith.muli %scan3A_84, %mul3A_85 : i32
      %add3A_87 = arith.constant 0 : i32
      %add3A_88 = arith.addi %mul3A_86, %add3A_87 : i32
      %dma_start3A = arith.constant 0 : i32
      %dma_start3A_89 = arith.constant 0 : i32
      %dma_start3A_90 = tpu.memref_slice %arg5[%dma_start3A, %add3A_88, %dma_start3A_89] : memref<2x125x80xi32, #tpu.memory_space<vmem>> -> memref<1x1x80xi32, #tpu.memory_space<vmem>>
      %dma_start3A_91 = tpu.memref_squeeze %dma_start3A_90 : memref<1x1x80xi32, #tpu.memory_space<vmem>> -> memref<80xi32, #tpu.memory_space<vmem>>
      %dma_start3A_92 = arith.constant 0 : i32
      %dma_start3A_93 = tpu.memref_slice %arg4[%dma_start3A_92] : memref<10240xf32, #tpu.memory_space<vmem_shared>> -> memref<10240xf32, #tpu.memory_space<vmem_shared>>
      tpu.enqueue_indirect_dma source(%arg6 : memref<80xf32, #tpu.memory_space<vmem>>) target(%dma_start3A_93 : memref<10240xf32, #tpu.memory_space<vmem_shared>>) offsets(%dma_start3A_91 : memref<80xi32, #tpu.memory_space<vmem>>) semaphore(%arg7 : memref<!tpu.dma_semaphore, #tpu.memory_space<semaphore_mem>>) {add = true}
      %mul3A_94 = arith.constant 25 : i32
      %mul3A_95 = arith.muli %scan3A_84, %mul3A_94 : i32
      %add3A_96 = arith.constant 1 : i32
      %add3A_97 = arith.addi %mul3A_95, %add3A_96 : i32
      %dma_start3A_98 = arith.constant 0 : i32
      %dma_start3A_99 = arith.constant 0 : i32
      %dma_start3A_100 = tpu.memref_slice %arg5[%dma_start3A_98, %add3A_97, %dma_start3A_99] : memref<2x125x80xi32, #tpu.memory_space<vmem>> -> memref<1x1x80xi32, #tpu.memory_space<vmem>>
      %dma_start3A_101 = tpu.memref_squeeze %dma_start3A_100 : memref<1x1x80xi32, #tpu.memory_space<vmem>> -> memref<80xi32, #tpu.memory_space<vmem>>
      %dma_start3A_102 = arith.constant 0 : i32
      %dma_start3A_103 = tpu.memref_slice %arg4[%dma_start3A_102] : memref<10240xf32, #tpu.memory_space<vmem_shared>> -> memref<10240xf32, #tpu.memory_space<vmem_shared>>
      tpu.enqueue_indirect_dma source(%arg6 : memref<80xf32, #tpu.memory_space<vmem>>) target(%dma_start3A_103 : memref<10240xf32, #tpu.memory_space<vmem_shared>>) offsets(%dma_start3A_101 : memref<80xi32, #tpu.memory_space<vmem>>) semaphore(%arg7 : memref<!tpu.dma_semaphore, #tpu.memory_space<semaphore_mem>>) {add = true}
      %mul3A_104 = arith.constant 25 : i32
      %mul3A_105 = arith.muli %scan3A_84, %mul3A_104 : i32
      %add3A_106 = arith.constant 2 : i32
      %add3A_107 = arith.addi %mul3A_105, %add3A_106 : i32
      %dma_start3A_108 = arith.constant 0 : i32
      %dma_start3A_109 = arith.constant 0 : i32
      %dma_start3A_110 = tpu.memref_slice %arg5[%dma_start3A_108, %add3A_107, %dma_start3A_109] : memref<2x125x80xi32, #tpu.memory_space<vmem>> -> memref<1x1x80xi32, #tpu.memory_space<vmem>>
      %dma_start3A_111 = tpu.memref_squeeze %dma_start3A_110 : memref<1x1x80xi32, #tpu.memory_space<vmem>> -> memref<80xi32, #tpu.memory_space<vmem>>
      %dma_start3A_112 = arith.constant 0 : i32
      %dma_start3A_113 = tpu.memref_slice %arg4[%dma_start3A_112] : memref<10240xf32, #tpu.memory_space<vmem_shared>> -> memref<10240xf32, #tpu.memory_space<vmem_shared>>
      tpu.enqueue_indirect_dma source(%arg6 : memref<80xf32, #tpu.memory_space<vmem>>) target(%dma_start3A_113 : memref<10240xf32, #tpu.memory_space<vmem_shared>>) offsets(%dma_start3A_111 : memref<80xi32, #tpu.memory_space<vmem>>) semaphore(%arg7 : memref<!tpu.dma_semaphore, #tpu.memory_space<semaphore_mem>>) {add = true}
      %mul3A_114 = arith.constant 25 : i32
      %mul3A_115 = arith.muli %scan3A_84, %mul3A_114 : i32
      %add3A_116 = arith.constant 3 : i32
      %add3A_117 = arith.addi %mul3A_115, %add3A_116 : i32
      %dma_start3A_118 = arith.constant 0 : i32
      %dma_start3A_119 = arith.constant 0 : i32
      %dma_start3A_120 = tpu.memref_slice %arg5[%dma_start3A_118, %add3A_117, %dma_start3A_119] : memref<2x125x80xi32, #tpu.memory_space<vmem>> -> memref<1x1x80xi32, #tpu.memory_space<vmem>>
      %dma_start3A_121 = tpu.memref_squeeze %dma_start3A_120 : memref<1x1x80xi32, #tpu.memory_space<vmem>> -> memref<80xi32, #tpu.memory_space<vmem>>
      %dma_start3A_122 = arith.constant 0 : i32
      %dma_start3A_123 = tpu.memref_slice %arg4[%dma_start3A_122] : memref<10240xf32, #tpu.memory_space<vmem_shared>> -> memref<10240xf32, #tpu.memory_space<vmem_shared>>
      tpu.enqueue_indirect_dma source(%arg6 : memref<80xf32, #tpu.memory_space<vmem>>) target(%dma_start3A_123 : memref<10240xf32, #tpu.memory_space<vmem_shared>>) offsets(%dma_start3A_121 : memref<80xi32, #tpu.memory_space<vmem>>) semaphore(%arg7 : memref<!tpu.dma_semaphore, #tpu.memory_space<semaphore_mem>>) {add = true}
      %mul3A_124 = arith.constant 25 : i32
      %mul3A_125 = arith.muli %scan3A_84, %mul3A_124 : i32
      %add3A_126 = arith.constant 4 : i32
      %add3A_127 = arith.addi %mul3A_125, %add3A_126 : i32
      %dma_start3A_128 = arith.constant 0 : i32
      %dma_start3A_129 = arith.constant 0 : i32
      %dma_start3A_130 = tpu.memref_slice %arg5[%dma_start3A_128, %add3A_127, %dma_start3A_129] : memref<2x125x80xi32, #tpu.memory_space<vmem>> -> memref<1x1x80xi32, #tpu.memory_space<vmem>>
      %dma_start3A_131 = tpu.memref_squeeze %dma_start3A_130 : memref<1x1x80xi32, #tpu.memory_space<vmem>> -> memref<80xi32, #tpu.memory_space<vmem>>
      %dma_start3A_132 = arith.constant 0 : i32
      %dma_start3A_133 = tpu.memref_slice %arg4[%dma_start3A_132] : memref<10240xf32, #tpu.memory_space<vmem_shared>> -> memref<10240xf32, #tpu.memory_space<vmem_shared>>
      tpu.enqueue_indirect_dma source(%arg6 : memref<80xf32, #tpu.memory_space<vmem>>) target(%dma_start3A_133 : memref<10240xf32, #tpu.memory_space<vmem_shared>>) offsets(%dma_start3A_131 : memref<80xi32, #tpu.memory_space<vmem>>) semaphore(%arg7 : memref<!tpu.dma_semaphore, #tpu.memory_space<semaphore_mem>>) {add = true}
      %mul3A_134 = arith.constant 25 : i32
      %mul3A_135 = arith.muli %scan3A_84, %mul3A_134 : i32
      %add3A_136 = arith.constant 5 : i32
      %add3A_137 = arith.addi %mul3A_135, %add3A_136 : i32
      %dma_start3A_138 = arith.constant 0 : i32
      %dma_start3A_139 = arith.constant 0 : i32
      %dma_start3A_140 = tpu.memref_slice %arg5[%dma_start3A_138, %add3A_137, %dma_start3A_139] : memref<2x125x80xi32, #tpu.memory_space<vmem>> -> memref<1x1x80xi32, #tpu.memory_space<vmem>>
      %dma_start3A_141 = tpu.memref_squeeze %dma_start3A_140 : memref<1x1x80xi32, #tpu.memory_space<vmem>> -> memref<80xi32, #tpu.memory_space<vmem>>
      %dma_start3A_142 = arith.constant 0 : i32
      %dma_start3A_143 = tpu.memref_slice %arg4[%dma_start3A_142] : memref<10240xf32, #tpu.memory_space<vmem_shared>> -> memref<10240xf32, #tpu.memory_space<vmem_shared>>
      tpu.enqueue_indirect_dma source(%arg6 : memref<80xf32, #tpu.memory_space<vmem>>) target(%dma_start3A_143 : memref<10240xf32, #tpu.memory_space<vmem_shared>>) offsets(%dma_start3A_141 : memref<80xi32, #tpu.memory_space<vmem>>) semaphore(%arg7 : memref<!tpu.dma_semaphore, #tpu.memory_space<semaphore_mem>>) {add = true}
      %mul3A_144 = arith.constant 25 : i32
      %mul3A_145 = arith.muli %scan3A_84, %mul3A_144 : i32
      %add3A_146 = arith.constant 6 : i32
      %add3A_147 = arith.addi %mul3A_145, %add3A_146 : i32
      %dma_start3A_148 = arith.constant 0 : i32
      %dma_start3A_149 = arith.constant 0 : i32
      %dma_start3A_150 = tpu.memref_slice %arg5[%dma_start3A_148, %add3A_147, %dma_start3A_149] : memref<2x125x80xi32, #tpu.memory_space<vmem>> -> memref<1x1x80xi32, #tpu.memory_space<vmem>>
      %dma_start3A_151 = tpu.memref_squeeze %dma_start3A_150 : memref<1x1x80xi32, #tpu.memory_space<vmem>> -> memref<80xi32, #tpu.memory_space<vmem>>
      %dma_start3A_152 = arith.constant 0 : i32
      %dma_start3A_153 = tpu.memref_slice %arg4[%dma_start3A_152] : memref<10240xf32, #tpu.memory_space<vmem_shared>> -> memref<10240xf32, #tpu.memory_space<vmem_shared>>
      tpu.enqueue_indirect_dma source(%arg6 : memref<80xf32, #tpu.memory_space<vmem>>) target(%dma_start3A_153 : memref<10240xf32, #tpu.memory_space<vmem_shared>>) offsets(%dma_start3A_151 : memref<80xi32, #tpu.memory_space<vmem>>) semaphore(%arg7 : memref<!tpu.dma_semaphore, #tpu.memory_space<semaphore_mem>>) {add = true}
      %mul3A_154 = arith.constant 25 : i32
      %mul3A_155 = arith.muli %scan3A_84, %mul3A_154 : i32
      %add3A_156 = arith.constant 7 : i32
      %add3A_157 = arith.addi %mul3A_155, %add3A_156 : i32
      %dma_start3A_158 = arith.constant 0 : i32
      %dma_start3A_159 = arith.constant 0 : i32
      %dma_start3A_160 = tpu.memref_slice %arg5[%dma_start3A_158, %add3A_157, %dma_start3A_159] : memref<2x125x80xi32, #tpu.memory_space<vmem>> -> memref<1x1x80xi32, #tpu.memory_space<vmem>>
      %dma_start3A_161 = tpu.memref_squeeze %dma_start3A_160 : memref<1x1x80xi32, #tpu.memory_space<vmem>> -> memref<80xi32, #tpu.memory_space<vmem>>
      %dma_start3A_162 = arith.constant 0 : i32
      %dma_start3A_163 = tpu.memref_slice %arg4[%dma_start3A_162] : memref<10240xf32, #tpu.memory_space<vmem_shared>> -> memref<10240xf32, #tpu.memory_space<vmem_shared>>
      tpu.enqueue_indirect_dma source(%arg6 : memref<80xf32, #tpu.memory_space<vmem>>) target(%dma_start3A_163 : memref<10240xf32, #tpu.memory_space<vmem_shared>>) offsets(%dma_start3A_161 : memref<80xi32, #tpu.memory_space<vmem>>) semaphore(%arg7 : memref<!tpu.dma_semaphore, #tpu.memory_space<semaphore_mem>>) {add = true}
      %mul3A_164 = arith.constant 25 : i32
      %mul3A_165 = arith.muli %scan3A_84, %mul3A_164 : i32
      %add3A_166 = arith.constant 8 : i32
      %add3A_167 = arith.addi %mul3A_165, %add3A_166 : i32
      %dma_start3A_168 = arith.constant 0 : i32
      %dma_start3A_169 = arith.constant 0 : i32
      %dma_start3A_170 = tpu.memref_slice %arg5[%dma_start3A_168, %add3A_167, %dma_start3A_169] : memref<2x125x80xi32, #tpu.memory_space<vmem>> -> memref<1x1x80xi32, #tpu.memory_space<vmem>>
      %dma_start3A_171 = tpu.memref_squeeze %dma_start3A_170 : memref<1x1x80xi32, #tpu.memory_space<vmem>> -> memref<80xi32, #tpu.memory_space<vmem>>
      %dma_start3A_172 = arith.constant 0 : i32
      %dma_start3A_173 = tpu.memref_slice %arg4[%dma_start3A_172] : memref<10240xf32, #tpu.memory_space<vmem_shared>> -> memref<10240xf32, #tpu.memory_space<vmem_shared>>
      tpu.enqueue_indirect_dma source(%arg6 : memref<80xf32, #tpu.memory_space<vmem>>) target(%dma_start3A_173 : memref<10240xf32, #tpu.memory_space<vmem_shared>>) offsets(%dma_start3A_171 : memref<80xi32, #tpu.memory_space<vmem>>) semaphore(%arg7 : memref<!tpu.dma_semaphore, #tpu.memory_space<semaphore_mem>>) {add = true}
      %mul3A_174 = arith.constant 25 : i32
      %mul3A_175 = arith.muli %scan3A_84, %mul3A_174 : i32
      %add3A_176 = arith.constant 9 : i32
      %add3A_177 = arith.addi %mul3A_175, %add3A_176 : i32
      %dma_start3A_178 = arith.constant 0 : i32
      %dma_start3A_179 = arith.constant 0 : i32
      %dma_start3A_180 = tpu.memref_slice %arg5[%dma_start3A_178, %add3A_177, %dma_start3A_179] : memref<2x125x80xi32, #tpu.memory_space<vmem>> -> memref<1x1x80xi32, #tpu.memory_space<vmem>>
      %dma_start3A_181 = tpu.memref_squeeze %dma_start3A_180 : memref<1x1x80xi32, #tpu.memory_space<vmem>> -> memref<80xi32, #tpu.memory_space<vmem>>
      %dma_start3A_182 = arith.constant 0 : i32
      %dma_start3A_183 = tpu.memref_slice %arg4[%dma_start3A_182] : memref<10240xf32, #tpu.memory_space<vmem_shared>> -> memref<10240xf32, #tpu.memory_space<vmem_shared>>
      tpu.enqueue_indirect_dma source(%arg6 : memref<80xf32, #tpu.memory_space<vmem>>) target(%dma_start3A_183 : memref<10240xf32, #tpu.memory_space<vmem_shared>>) offsets(%dma_start3A_181 : memref<80xi32, #tpu.memory_space<vmem>>) semaphore(%arg7 : memref<!tpu.dma_semaphore, #tpu.memory_space<semaphore_mem>>) {add = true}
      %mul3A_184 = arith.constant 25 : i32
      %mul3A_185 = arith.muli %scan3A_84, %mul3A_184 : i32
      %add3A_186 = arith.constant 10 : i32
      %add3A_187 = arith.addi %mul3A_185, %add3A_186 : i32
      %dma_start3A_188 = arith.constant 0 : i32
      %dma_start3A_189 = arith.constant 0 : i32
      %dma_start3A_190 = tpu.memref_slice %arg5[%dma_start3A_188, %add3A_187, %dma_start3A_189] : memref<2x125x80xi32, #tpu.memory_space<vmem>> -> memref<1x1x80xi32, #tpu.memory_space<vmem>>
      %dma_start3A_191 = tpu.memref_squeeze %dma_start3A_190 : memref<1x1x80xi32, #tpu.memory_space<vmem>> -> memref<80xi32, #tpu.memory_space<vmem>>
      %dma_start3A_192 = arith.constant 0 : i32
      %dma_start3A_193 = tpu.memref_slice %arg4[%dma_start3A_192] : memref<10240xf32, #tpu.memory_space<vmem_shared>> -> memref<10240xf32, #tpu.memory_space<vmem_shared>>
      tpu.enqueue_indirect_dma source(%arg6 : memref<80xf32, #tpu.memory_space<vmem>>) target(%dma_start3A_193 : memref<10240xf32, #tpu.memory_space<vmem_shared>>) offsets(%dma_start3A_191 : memref<80xi32, #tpu.memory_space<vmem>>) semaphore(%arg7 : memref<!tpu.dma_semaphore, #tpu.memory_space<semaphore_mem>>) {add = true}
      %mul3A_194 = arith.constant 25 : i32
      %mul3A_195 = arith.muli %scan3A_84, %mul3A_194 : i32
      %add3A_196 = arith.constant 11 : i32
      %add3A_197 = arith.addi %mul3A_195, %add3A_196 : i32
      %dma_start3A_198 = arith.constant 0 : i32
      %dma_start3A_199 = arith.constant 0 : i32
      %dma_start3A_200 = tpu.memref_slice %arg5[%dma_start3A_198, %add3A_197, %dma_start3A_199] : memref<2x125x80xi32, #tpu.memory_space<vmem>> -> memref<1x1x80xi32, #tpu.memory_space<vmem>>
      %dma_start3A_201 = tpu.memref_squeeze %dma_start3A_200 : memref<1x1x80xi32, #tpu.memory_space<vmem>> -> memref<80xi32, #tpu.memory_space<vmem>>
      %dma_start3A_202 = arith.constant 0 : i32
      %dma_start3A_203 = tpu.memref_slice %arg4[%dma_start3A_202] : memref<10240xf32, #tpu.memory_space<vmem_shared>> -> memref<10240xf32, #tpu.memory_space<vmem_shared>>
      tpu.enqueue_indirect_dma source(%arg6 : memref<80xf32, #tpu.memory_space<vmem>>) target(%dma_start3A_203 : memref<10240xf32, #tpu.memory_space<vmem_shared>>) offsets(%dma_start3A_201 : memref<80xi32, #tpu.memory_space<vmem>>) semaphore(%arg7 : memref<!tpu.dma_semaphore, #tpu.memory_space<semaphore_mem>>) {add = true}
      %mul3A_204 = arith.constant 25 : i32
      %mul3A_205 = arith.muli %scan3A_84, %mul3A_204 : i32
      %add3A_206 = arith.constant 12 : i32
      %add3A_207 = arith.addi %mul3A_205, %add3A_206 : i32
      %dma_start3A_208 = arith.constant 0 : i32
      %dma_start3A_209 = arith.constant 0 : i32
      %dma_start3A_210 = tpu.memref_slice %arg5[%dma_start3A_208, %add3A_207, %dma_start3A_209] : memref<2x125x80xi32, #tpu.memory_space<vmem>> -> memref<1x1x80xi32, #tpu.memory_space<vmem>>
      %dma_start3A_211 = tpu.memref_squeeze %dma_start3A_210 : memref<1x1x80xi32, #tpu.memory_space<vmem>> -> memref<80xi32, #tpu.memory_space<vmem>>
      %dma_start3A_212 = arith.constant 0 : i32
      %dma_start3A_213 = tpu.memref_slice %arg4[%dma_start3A_212] : memref<10240xf32, #tpu.memory_space<vmem_shared>> -> memref<10240xf32, #tpu.memory_space<vmem_shared>>
      tpu.enqueue_indirect_dma source(%arg6 : memref<80xf32, #tpu.memory_space<vmem>>) target(%dma_start3A_213 : memref<10240xf32, #tpu.memory_space<vmem_shared>>) offsets(%dma_start3A_211 : memref<80xi32, #tpu.memory_space<vmem>>) semaphore(%arg7 : memref<!tpu.dma_semaphore, #tpu.memory_space<semaphore_mem>>) {add = true}
      %mul3A_214 = arith.constant 25 : i32
      %mul3A_215 = arith.muli %scan3A_84, %mul3A_214 : i32
      %add3A_216 = arith.constant 13 : i32
      %add3A_217 = arith.addi %mul3A_215, %add3A_216 : i32
      %dma_start3A_218 = arith.constant 0 : i32
      %dma_start3A_219 = arith.constant 0 : i32
      %dma_start3A_220 = tpu.memref_slice %arg5[%dma_start3A_218, %add3A_217, %dma_start3A_219] : memref<2x125x80xi32, #tpu.memory_space<vmem>> -> memref<1x1x80xi32, #tpu.memory_space<vmem>>
      %dma_start3A_221 = tpu.memref_squeeze %dma_start3A_220 : memref<1x1x80xi32, #tpu.memory_space<vmem>> -> memref<80xi32, #tpu.memory_space<vmem>>
      %dma_start3A_222 = arith.constant 0 : i32
      %dma_start3A_223 = tpu.memref_slice %arg4[%dma_start3A_222] : memref<10240xf32, #tpu.memory_space<vmem_shared>> -> memref<10240xf32, #tpu.memory_space<vmem_shared>>
      tpu.enqueue_indirect_dma source(%arg6 : memref<80xf32, #tpu.memory_space<vmem>>) target(%dma_start3A_223 : memref<10240xf32, #tpu.memory_space<vmem_shared>>) offsets(%dma_start3A_221 : memref<80xi32, #tpu.memory_space<vmem>>) semaphore(%arg7 : memref<!tpu.dma_semaphore, #tpu.memory_space<semaphore_mem>>) {add = true}
      %mul3A_224 = arith.constant 25 : i32
      %mul3A_225 = arith.muli %scan3A_84, %mul3A_224 : i32
      %add3A_226 = arith.constant 14 : i32
      %add3A_227 = arith.addi %mul3A_225, %add3A_226 : i32
      %dma_start3A_228 = arith.constant 0 : i32
      %dma_start3A_229 = arith.constant 0 : i32
      %dma_start3A_230 = tpu.memref_slice %arg5[%dma_start3A_228, %add3A_227, %dma_start3A_229] : memref<2x125x80xi32, #tpu.memory_space<vmem>> -> memref<1x1x80xi32, #tpu.memory_space<vmem>>
      %dma_start3A_231 = tpu.memref_squeeze %dma_start3A_230 : memref<1x1x80xi32, #tpu.memory_space<vmem>> -> memref<80xi32, #tpu.memory_space<vmem>>
      %dma_start3A_232 = arith.constant 0 : i32
      %dma_start3A_233 = tpu.memref_slice %arg4[%dma_start3A_232] : memref<10240xf32, #tpu.memory_space<vmem_shared>> -> memref<10240xf32, #tpu.memory_space<vmem_shared>>
      tpu.enqueue_indirect_dma source(%arg6 : memref<80xf32, #tpu.memory_space<vmem>>) target(%dma_start3A_233 : memref<10240xf32, #tpu.memory_space<vmem_shared>>) offsets(%dma_start3A_231 : memref<80xi32, #tpu.memory_space<vmem>>) semaphore(%arg7 : memref<!tpu.dma_semaphore, #tpu.memory_space<semaphore_mem>>) {add = true}
      %mul3A_234 = arith.constant 25 : i32
      %mul3A_235 = arith.muli %scan3A_84, %mul3A_234 : i32
      %add3A_236 = arith.constant 15 : i32
      %add3A_237 = arith.addi %mul3A_235, %add3A_236 : i32
      %dma_start3A_238 = arith.constant 0 : i32
      %dma_start3A_239 = arith.constant 0 : i32
      %dma_start3A_240 = tpu.memref_slice %arg5[%dma_start3A_238, %add3A_237, %dma_start3A_239] : memref<2x125x80xi32, #tpu.memory_space<vmem>> -> memref<1x1x80xi32, #tpu.memory_space<vmem>>
      %dma_start3A_241 = tpu.memref_squeeze %dma_start3A_240 : memref<1x1x80xi32, #tpu.memory_space<vmem>> -> memref<80xi32, #tpu.memory_space<vmem>>
      %dma_start3A_242 = arith.constant 0 : i32
      %dma_start3A_243 = tpu.memref_slice %arg4[%dma_start3A_242] : memref<10240xf32, #tpu.memory_space<vmem_shared>> -> memref<10240xf32, #tpu.memory_space<vmem_shared>>
      tpu.enqueue_indirect_dma source(%arg6 : memref<80xf32, #tpu.memory_space<vmem>>) target(%dma_start3A_243 : memref<10240xf32, #tpu.memory_space<vmem_shared>>) offsets(%dma_start3A_241 : memref<80xi32, #tpu.memory_space<vmem>>) semaphore(%arg7 : memref<!tpu.dma_semaphore, #tpu.memory_space<semaphore_mem>>) {add = true}
      %mul3A_244 = arith.constant 25 : i32
      %mul3A_245 = arith.muli %scan3A_84, %mul3A_244 : i32
      %add3A_246 = arith.constant 16 : i32
      %add3A_247 = arith.addi %mul3A_245, %add3A_246 : i32
      %dma_start3A_248 = arith.constant 0 : i32
      %dma_start3A_249 = arith.constant 0 : i32
      %dma_start3A_250 = tpu.memref_slice %arg5[%dma_start3A_248, %add3A_247, %dma_start3A_249] : memref<2x125x80xi32, #tpu.memory_space<vmem>> -> memref<1x1x80xi32, #tpu.memory_space<vmem>>
      %dma_start3A_251 = tpu.memref_squeeze %dma_start3A_250 : memref<1x1x80xi32, #tpu.memory_space<vmem>> -> memref<80xi32, #tpu.memory_space<vmem>>
      %dma_start3A_252 = arith.constant 0 : i32
      %dma_start3A_253 = tpu.memref_slice %arg4[%dma_start3A_252] : memref<10240xf32, #tpu.memory_space<vmem_shared>> -> memref<10240xf32, #tpu.memory_space<vmem_shared>>
      tpu.enqueue_indirect_dma source(%arg6 : memref<80xf32, #tpu.memory_space<vmem>>) target(%dma_start3A_253 : memref<10240xf32, #tpu.memory_space<vmem_shared>>) offsets(%dma_start3A_251 : memref<80xi32, #tpu.memory_space<vmem>>) semaphore(%arg7 : memref<!tpu.dma_semaphore, #tpu.memory_space<semaphore_mem>>) {add = true}
      %mul3A_254 = arith.constant 25 : i32
      %mul3A_255 = arith.muli %scan3A_84, %mul3A_254 : i32
      %add3A_256 = arith.constant 17 : i32
      %add3A_257 = arith.addi %mul3A_255, %add3A_256 : i32
      %dma_start3A_258 = arith.constant 0 : i32
      %dma_start3A_259 = arith.constant 0 : i32
      %dma_start3A_260 = tpu.memref_slice %arg5[%dma_start3A_258, %add3A_257, %dma_start3A_259] : memref<2x125x80xi32, #tpu.memory_space<vmem>> -> memref<1x1x80xi32, #tpu.memory_space<vmem>>
      %dma_start3A_261 = tpu.memref_squeeze %dma_start3A_260 : memref<1x1x80xi32, #tpu.memory_space<vmem>> -> memref<80xi32, #tpu.memory_space<vmem>>
      %dma_start3A_262 = arith.constant 0 : i32
      %dma_start3A_263 = tpu.memref_slice %arg4[%dma_start3A_262] : memref<10240xf32, #tpu.memory_space<vmem_shared>> -> memref<10240xf32, #tpu.memory_space<vmem_shared>>
      tpu.enqueue_indirect_dma source(%arg6 : memref<80xf32, #tpu.memory_space<vmem>>) target(%dma_start3A_263 : memref<10240xf32, #tpu.memory_space<vmem_shared>>) offsets(%dma_start3A_261 : memref<80xi32, #tpu.memory_space<vmem>>) semaphore(%arg7 : memref<!tpu.dma_semaphore, #tpu.memory_space<semaphore_mem>>) {add = true}
      %mul3A_264 = arith.constant 25 : i32
      %mul3A_265 = arith.muli %scan3A_84, %mul3A_264 : i32
      %add3A_266 = arith.constant 18 : i32
      %add3A_267 = arith.addi %mul3A_265, %add3A_266 : i32
      %dma_start3A_268 = arith.constant 0 : i32
      %dma_start3A_269 = arith.constant 0 : i32
      %dma_start3A_270 = tpu.memref_slice %arg5[%dma_start3A_268, %add3A_267, %dma_start3A_269] : memref<2x125x80xi32, #tpu.memory_space<vmem>> -> memref<1x1x80xi32, #tpu.memory_space<vmem>>
      %dma_start3A_271 = tpu.memref_squeeze %dma_start3A_270 : memref<1x1x80xi32, #tpu.memory_space<vmem>> -> memref<80xi32, #tpu.memory_space<vmem>>
      %dma_start3A_272 = arith.constant 0 : i32
      %dma_start3A_273 = tpu.memref_slice %arg4[%dma_start3A_272] : memref<10240xf32, #tpu.memory_space<vmem_shared>> -> memref<10240xf32, #tpu.memory_space<vmem_shared>>
      tpu.enqueue_indirect_dma source(%arg6 : memref<80xf32, #tpu.memory_space<vmem>>) target(%dma_start3A_273 : memref<10240xf32, #tpu.memory_space<vmem_shared>>) offsets(%dma_start3A_271 : memref<80xi32, #tpu.memory_space<vmem>>) semaphore(%arg7 : memref<!tpu.dma_semaphore, #tpu.memory_space<semaphore_mem>>) {add = true}
      %mul3A_274 = arith.constant 25 : i32
      %mul3A_275 = arith.muli %scan3A_84, %mul3A_274 : i32
      %add3A_276 = arith.constant 19 : i32
      %add3A_277 = arith.addi %mul3A_275, %add3A_276 : i32
      %dma_start3A_278 = arith.constant 0 : i32
      %dma_start3A_279 = arith.constant 0 : i32
      %dma_start3A_280 = tpu.memref_slice %arg5[%dma_start3A_278, %add3A_277, %dma_start3A_279] : memref<2x125x80xi32, #tpu.memory_space<vmem>> -> memref<1x1x80xi32, #tpu.memory_space<vmem>>
      %dma_start3A_281 = tpu.memref_squeeze %dma_start3A_280 : memref<1x1x80xi32, #tpu.memory_space<vmem>> -> memref<80xi32, #tpu.memory_space<vmem>>
      %dma_start3A_282 = arith.constant 0 : i32
      %dma_start3A_283 = tpu.memref_slice %arg4[%dma_start3A_282] : memref<10240xf32, #tpu.memory_space<vmem_shared>> -> memref<10240xf32, #tpu.memory_space<vmem_shared>>
      tpu.enqueue_indirect_dma source(%arg6 : memref<80xf32, #tpu.memory_space<vmem>>) target(%dma_start3A_283 : memref<10240xf32, #tpu.memory_space<vmem_shared>>) offsets(%dma_start3A_281 : memref<80xi32, #tpu.memory_space<vmem>>) semaphore(%arg7 : memref<!tpu.dma_semaphore, #tpu.memory_space<semaphore_mem>>) {add = true}
      %mul3A_284 = arith.constant 25 : i32
      %mul3A_285 = arith.muli %scan3A_84, %mul3A_284 : i32
      %add3A_286 = arith.constant 20 : i32
      %add3A_287 = arith.addi %mul3A_285, %add3A_286 : i32
      %dma_start3A_288 = arith.constant 0 : i32
      %dma_start3A_289 = arith.constant 0 : i32
      %dma_start3A_290 = tpu.memref_slice %arg5[%dma_start3A_288, %add3A_287, %dma_start3A_289] : memref<2x125x80xi32, #tpu.memory_space<vmem>> -> memref<1x1x80xi32, #tpu.memory_space<vmem>>
      %dma_start3A_291 = tpu.memref_squeeze %dma_start3A_290 : memref<1x1x80xi32, #tpu.memory_space<vmem>> -> memref<80xi32, #tpu.memory_space<vmem>>
      %dma_start3A_292 = arith.constant 0 : i32
      %dma_start3A_293 = tpu.memref_slice %arg4[%dma_start3A_292] : memref<10240xf32, #tpu.memory_space<vmem_shared>> -> memref<10240xf32, #tpu.memory_space<vmem_shared>>
      tpu.enqueue_indirect_dma source(%arg6 : memref<80xf32, #tpu.memory_space<vmem>>) target(%dma_start3A_293 : memref<10240xf32, #tpu.memory_space<vmem_shared>>) offsets(%dma_start3A_291 : memref<80xi32, #tpu.memory_space<vmem>>) semaphore(%arg7 : memref<!tpu.dma_semaphore, #tpu.memory_space<semaphore_mem>>) {add = true}
      %mul3A_294 = arith.constant 25 : i32
      %mul3A_295 = arith.muli %scan3A_84, %mul3A_294 : i32
      %add3A_296 = arith.constant 21 : i32
      %add3A_297 = arith.addi %mul3A_295, %add3A_296 : i32
      %dma_start3A_298 = arith.constant 0 : i32
      %dma_start3A_299 = arith.constant 0 : i32
      %dma_start3A_300 = tpu.memref_slice %arg5[%dma_start3A_298, %add3A_297, %dma_start3A_299] : memref<2x125x80xi32, #tpu.memory_space<vmem>> -> memref<1x1x80xi32, #tpu.memory_space<vmem>>
      %dma_start3A_301 = tpu.memref_squeeze %dma_start3A_300 : memref<1x1x80xi32, #tpu.memory_space<vmem>> -> memref<80xi32, #tpu.memory_space<vmem>>
      %dma_start3A_302 = arith.constant 0 : i32
      %dma_start3A_303 = tpu.memref_slice %arg4[%dma_start3A_302] : memref<10240xf32, #tpu.memory_space<vmem_shared>> -> memref<10240xf32, #tpu.memory_space<vmem_shared>>
      tpu.enqueue_indirect_dma source(%arg6 : memref<80xf32, #tpu.memory_space<vmem>>) target(%dma_start3A_303 : memref<10240xf32, #tpu.memory_space<vmem_shared>>) offsets(%dma_start3A_301 : memref<80xi32, #tpu.memory_space<vmem>>) semaphore(%arg7 : memref<!tpu.dma_semaphore, #tpu.memory_space<semaphore_mem>>) {add = true}
      %mul3A_304 = arith.constant 25 : i32
      %mul3A_305 = arith.muli %scan3A_84, %mul3A_304 : i32
      %add3A_306 = arith.constant 22 : i32
      %add3A_307 = arith.addi %mul3A_305, %add3A_306 : i32
      %dma_start3A_308 = arith.constant 0 : i32
      %dma_start3A_309 = arith.constant 0 : i32
      %dma_start3A_310 = tpu.memref_slice %arg5[%dma_start3A_308, %add3A_307, %dma_start3A_309] : memref<2x125x80xi32, #tpu.memory_space<vmem>> -> memref<1x1x80xi32, #tpu.memory_space<vmem>>
      %dma_start3A_311 = tpu.memref_squeeze %dma_start3A_310 : memref<1x1x80xi32, #tpu.memory_space<vmem>> -> memref<80xi32, #tpu.memory_space<vmem>>
      %dma_start3A_312 = arith.constant 0 : i32
      %dma_start3A_313 = tpu.memref_slice %arg4[%dma_start3A_312] : memref<10240xf32, #tpu.memory_space<vmem_shared>> -> memref<10240xf32, #tpu.memory_space<vmem_shared>>
      tpu.enqueue_indirect_dma source(%arg6 : memref<80xf32, #tpu.memory_space<vmem>>) target(%dma_start3A_313 : memref<10240xf32, #tpu.memory_space<vmem_shared>>) offsets(%dma_start3A_311 : memref<80xi32, #tpu.memory_space<vmem>>) semaphore(%arg7 : memref<!tpu.dma_semaphore, #tpu.memory_space<semaphore_mem>>) {add = true}
      %mul3A_314 = arith.constant 25 : i32
      %mul3A_315 = arith.muli %scan3A_84, %mul3A_314 : i32
      %add3A_316 = arith.constant 23 : i32
      %add3A_317 = arith.addi %mul3A_315, %add3A_316 : i32
      %dma_start3A_318 = arith.constant 0 : i32
      %dma_start3A_319 = arith.constant 0 : i32
      %dma_start3A_320 = tpu.memref_slice %arg5[%dma_start3A_318, %add3A_317, %dma_start3A_319] : memref<2x125x80xi32, #tpu.memory_space<vmem>> -> memref<1x1x80xi32, #tpu.memory_space<vmem>>
      %dma_start3A_321 = tpu.memref_squeeze %dma_start3A_320 : memref<1x1x80xi32, #tpu.memory_space<vmem>> -> memref<80xi32, #tpu.memory_space<vmem>>
      %dma_start3A_322 = arith.constant 0 : i32
      %dma_start3A_323 = tpu.memref_slice %arg4[%dma_start3A_322] : memref<10240xf32, #tpu.memory_space<vmem_shared>> -> memref<10240xf32, #tpu.memory_space<vmem_shared>>
      tpu.enqueue_indirect_dma source(%arg6 : memref<80xf32, #tpu.memory_space<vmem>>) target(%dma_start3A_323 : memref<10240xf32, #tpu.memory_space<vmem_shared>>) offsets(%dma_start3A_321 : memref<80xi32, #tpu.memory_space<vmem>>) semaphore(%arg7 : memref<!tpu.dma_semaphore, #tpu.memory_space<semaphore_mem>>) {add = true}
      %mul3A_324 = arith.constant 25 : i32
      %mul3A_325 = arith.muli %scan3A_84, %mul3A_324 : i32
      %add3A_326 = arith.constant 24 : i32
      %add3A_327 = arith.addi %mul3A_325, %add3A_326 : i32
      %dma_start3A_328 = arith.constant 0 : i32
      %dma_start3A_329 = arith.constant 0 : i32
      %dma_start3A_330 = tpu.memref_slice %arg5[%dma_start3A_328, %add3A_327, %dma_start3A_329] : memref<2x125x80xi32, #tpu.memory_space<vmem>> -> memref<1x1x80xi32, #tpu.memory_space<vmem>>
      %dma_start3A_331 = tpu.memref_squeeze %dma_start3A_330 : memref<1x1x80xi32, #tpu.memory_space<vmem>> -> memref<80xi32, #tpu.memory_space<vmem>>
      %dma_start3A_332 = arith.constant 0 : i32
      %dma_start3A_333 = tpu.memref_slice %arg4[%dma_start3A_332] : memref<10240xf32, #tpu.memory_space<vmem_shared>> -> memref<10240xf32, #tpu.memory_space<vmem_shared>>
      tpu.enqueue_indirect_dma source(%arg6 : memref<80xf32, #tpu.memory_space<vmem>>) target(%dma_start3A_333 : memref<10240xf32, #tpu.memory_space<vmem_shared>>) offsets(%dma_start3A_331 : memref<80xi32, #tpu.memory_space<vmem>>) semaphore(%arg7 : memref<!tpu.dma_semaphore, #tpu.memory_space<semaphore_mem>>) {add = true}
      %mul3A_334 = arith.constant 25 : i32
      %mul3A_335 = arith.muli %scan3A_84, %mul3A_334 : i32
      %add3A_336 = arith.constant 0 : i32
      %add3A_337 = arith.addi %mul3A_335, %add3A_336 : i32
      %dma_wait3A = arith.constant 0 : i32
      %dma_wait3A_338 = arith.constant 0 : i32
      %dma_wait3A_339 = tpu.memref_slice %arg5[%dma_wait3A, %add3A_337, %dma_wait3A_338] : memref<2x125x80xi32, #tpu.memory_space<vmem>> -> memref<1x1x80xi32, #tpu.memory_space<vmem>>
      %dma_wait3A_340 = tpu.memref_squeeze %dma_wait3A_339 : memref<1x1x80xi32, #tpu.memory_space<vmem>> -> memref<80xi32, #tpu.memory_space<vmem>>
      %dma_wait3A_341 = arith.constant 0 : i32
      %dma_wait3A_342 = tpu.memref_slice %arg4[%dma_wait3A_341] : memref<10240xf32, #tpu.memory_space<vmem_shared>> -> memref<10240xf32, #tpu.memory_space<vmem_shared>>
      tpu.wait_indirect_dma semaphore(%arg7 : memref<!tpu.dma_semaphore, #tpu.memory_space<semaphore_mem>>) src(%arg6 : memref<80xf32, #tpu.memory_space<vmem>>) dst(%dma_wait3A_342 : memref<10240xf32, #tpu.memory_space<vmem_shared>>)
      %mul3A_343 = arith.constant 25 : i32
      %mul3A_344 = arith.muli %scan3A_84, %mul3A_343 : i32
      %add3A_345 = arith.constant 1 : i32
      %add3A_346 = arith.addi %mul3A_344, %add3A_345 : i32
      %dma_wait3A_347 = arith.constant 0 : i32
      %dma_wait3A_348 = arith.constant 0 : i32
      %dma_wait3A_349 = tpu.memref_slice %arg5[%dma_wait3A_347, %add3A_346, %dma_wait3A_348] : memref<2x125x80xi32, #tpu.memory_space<vmem>> -> memref<1x1x80xi32, #tpu.memory_space<vmem>>
      %dma_wait3A_350 = tpu.memref_squeeze %dma_wait3A_349 : memref<1x1x80xi32, #tpu.memory_space<vmem>> -> memref<80xi32, #tpu.memory_space<vmem>>
      %dma_wait3A_351 = arith.constant 0 : i32
      %dma_wait3A_352 = tpu.memref_slice %arg4[%dma_wait3A_351] : memref<10240xf32, #tpu.memory_space<vmem_shared>> -> memref<10240xf32, #tpu.memory_space<vmem_shared>>
      tpu.wait_indirect_dma semaphore(%arg7 : memref<!tpu.dma_semaphore, #tpu.memory_space<semaphore_mem>>) src(%arg6 : memref<80xf32, #tpu.memory_space<vmem>>) dst(%dma_wait3A_352 : memref<10240xf32, #tpu.memory_space<vmem_shared>>)
      %mul3A_353 = arith.constant 25 : i32
      %mul3A_354 = arith.muli %scan3A_84, %mul3A_353 : i32
      %add3A_355 = arith.constant 2 : i32
      %add3A_356 = arith.addi %mul3A_354, %add3A_355 : i32
      %dma_wait3A_357 = arith.constant 0 : i32
      %dma_wait3A_358 = arith.constant 0 : i32
      %dma_wait3A_359 = tpu.memref_slice %arg5[%dma_wait3A_357, %add3A_356, %dma_wait3A_358] : memref<2x125x80xi32, #tpu.memory_space<vmem>> -> memref<1x1x80xi32, #tpu.memory_space<vmem>>
      %dma_wait3A_360 = tpu.memref_squeeze %dma_wait3A_359 : memref<1x1x80xi32, #tpu.memory_space<vmem>> -> memref<80xi32, #tpu.memory_space<vmem>>
      %dma_wait3A_361 = arith.constant 0 : i32
      %dma_wait3A_362 = tpu.memref_slice %arg4[%dma_wait3A_361] : memref<10240xf32, #tpu.memory_space<vmem_shared>> -> memref<10240xf32, #tpu.memory_space<vmem_shared>>
      tpu.wait_indirect_dma semaphore(%arg7 : memref<!tpu.dma_semaphore, #tpu.memory_space<semaphore_mem>>) src(%arg6 : memref<80xf32, #tpu.memory_space<vmem>>) dst(%dma_wait3A_362 : memref<10240xf32, #tpu.memory_space<vmem_shared>>)
      %mul3A_363 = arith.constant 25 : i32
      %mul3A_364 = arith.muli %scan3A_84, %mul3A_363 : i32
      %add3A_365 = arith.constant 3 : i32
      %add3A_366 = arith.addi %mul3A_364, %add3A_365 : i32
      %dma_wait3A_367 = arith.constant 0 : i32
      %dma_wait3A_368 = arith.constant 0 : i32
      %dma_wait3A_369 = tpu.memref_slice %arg5[%dma_wait3A_367, %add3A_366, %dma_wait3A_368] : memref<2x125x80xi32, #tpu.memory_space<vmem>> -> memref<1x1x80xi32, #tpu.memory_space<vmem>>
      %dma_wait3A_370 = tpu.memref_squeeze %dma_wait3A_369 : memref<1x1x80xi32, #tpu.memory_space<vmem>> -> memref<80xi32, #tpu.memory_space<vmem>>
      %dma_wait3A_371 = arith.constant 0 : i32
      %dma_wait3A_372 = tpu.memref_slice %arg4[%dma_wait3A_371] : memref<10240xf32, #tpu.memory_space<vmem_shared>> -> memref<10240xf32, #tpu.memory_space<vmem_shared>>
      tpu.wait_indirect_dma semaphore(%arg7 : memref<!tpu.dma_semaphore, #tpu.memory_space<semaphore_mem>>) src(%arg6 : memref<80xf32, #tpu.memory_space<vmem>>) dst(%dma_wait3A_372 : memref<10240xf32, #tpu.memory_space<vmem_shared>>)
      %mul3A_373 = arith.constant 25 : i32
      %mul3A_374 = arith.muli %scan3A_84, %mul3A_373 : i32
      %add3A_375 = arith.constant 4 : i32
      %add3A_376 = arith.addi %mul3A_374, %add3A_375 : i32
      %dma_wait3A_377 = arith.constant 0 : i32
      %dma_wait3A_378 = arith.constant 0 : i32
      %dma_wait3A_379 = tpu.memref_slice %arg5[%dma_wait3A_377, %add3A_376, %dma_wait3A_378] : memref<2x125x80xi32, #tpu.memory_space<vmem>> -> memref<1x1x80xi32, #tpu.memory_space<vmem>>
      %dma_wait3A_380 = tpu.memref_squeeze %dma_wait3A_379 : memref<1x1x80xi32, #tpu.memory_space<vmem>> -> memref<80xi32, #tpu.memory_space<vmem>>
      %dma_wait3A_381 = arith.constant 0 : i32
      %dma_wait3A_382 = tpu.memref_slice %arg4[%dma_wait3A_381] : memref<10240xf32, #tpu.memory_space<vmem_shared>> -> memref<10240xf32, #tpu.memory_space<vmem_shared>>
      tpu.wait_indirect_dma semaphore(%arg7 : memref<!tpu.dma_semaphore, #tpu.memory_space<semaphore_mem>>) src(%arg6 : memref<80xf32, #tpu.memory_space<vmem>>) dst(%dma_wait3A_382 : memref<10240xf32, #tpu.memory_space<vmem_shared>>)
      %mul3A_383 = arith.constant 25 : i32
      %mul3A_384 = arith.muli %scan3A_84, %mul3A_383 : i32
      %add3A_385 = arith.constant 5 : i32
      %add3A_386 = arith.addi %mul3A_384, %add3A_385 : i32
      %dma_wait3A_387 = arith.constant 0 : i32
      %dma_wait3A_388 = arith.constant 0 : i32
      %dma_wait3A_389 = tpu.memref_slice %arg5[%dma_wait3A_387, %add3A_386, %dma_wait3A_388] : memref<2x125x80xi32, #tpu.memory_space<vmem>> -> memref<1x1x80xi32, #tpu.memory_space<vmem>>
      %dma_wait3A_390 = tpu.memref_squeeze %dma_wait3A_389 : memref<1x1x80xi32, #tpu.memory_space<vmem>> -> memref<80xi32, #tpu.memory_space<vmem>>
      %dma_wait3A_391 = arith.constant 0 : i32
      %dma_wait3A_392 = tpu.memref_slice %arg4[%dma_wait3A_391] : memref<10240xf32, #tpu.memory_space<vmem_shared>> -> memref<10240xf32, #tpu.memory_space<vmem_shared>>
      tpu.wait_indirect_dma semaphore(%arg7 : memref<!tpu.dma_semaphore, #tpu.memory_space<semaphore_mem>>) src(%arg6 : memref<80xf32, #tpu.memory_space<vmem>>) dst(%dma_wait3A_392 : memref<10240xf32, #tpu.memory_space<vmem_shared>>)
      %mul3A_393 = arith.constant 25 : i32
      %mul3A_394 = arith.muli %scan3A_84, %mul3A_393 : i32
      %add3A_395 = arith.constant 6 : i32
      %add3A_396 = arith.addi %mul3A_394, %add3A_395 : i32
      %dma_wait3A_397 = arith.constant 0 : i32
      %dma_wait3A_398 = arith.constant 0 : i32
      %dma_wait3A_399 = tpu.memref_slice %arg5[%dma_wait3A_397, %add3A_396, %dma_wait3A_398] : memref<2x125x80xi32, #tpu.memory_space<vmem>> -> memref<1x1x80xi32, #tpu.memory_space<vmem>>
      %dma_wait3A_400 = tpu.memref_squeeze %dma_wait3A_399 : memref<1x1x80xi32, #tpu.memory_space<vmem>> -> memref<80xi32, #tpu.memory_space<vmem>>
      %dma_wait3A_401 = arith.constant 0 : i32
      %dma_wait3A_402 = tpu.memref_slice %arg4[%dma_wait3A_401] : memref<10240xf32, #tpu.memory_space<vmem_shared>> -> memref<10240xf32, #tpu.memory_space<vmem_shared>>
      tpu.wait_indirect_dma semaphore(%arg7 : memref<!tpu.dma_semaphore, #tpu.memory_space<semaphore_mem>>) src(%arg6 : memref<80xf32, #tpu.memory_space<vmem>>) dst(%dma_wait3A_402 : memref<10240xf32, #tpu.memory_space<vmem_shared>>)
      %mul3A_403 = arith.constant 25 : i32
      %mul3A_404 = arith.muli %scan3A_84, %mul3A_403 : i32
      %add3A_405 = arith.constant 7 : i32
      %add3A_406 = arith.addi %mul3A_404, %add3A_405 : i32
      %dma_wait3A_407 = arith.constant 0 : i32
      %dma_wait3A_408 = arith.constant 0 : i32
      %dma_wait3A_409 = tpu.memref_slice %arg5[%dma_wait3A_407, %add3A_406, %dma_wait3A_408] : memref<2x125x80xi32, #tpu.memory_space<vmem>> -> memref<1x1x80xi32, #tpu.memory_space<vmem>>
      %dma_wait3A_410 = tpu.memref_squeeze %dma_wait3A_409 : memref<1x1x80xi32, #tpu.memory_space<vmem>> -> memref<80xi32, #tpu.memory_space<vmem>>
      %dma_wait3A_411 = arith.constant 0 : i32
      %dma_wait3A_412 = tpu.memref_slice %arg4[%dma_wait3A_411] : memref<10240xf32, #tpu.memory_space<vmem_shared>> -> memref<10240xf32, #tpu.memory_space<vmem_shared>>
      tpu.wait_indirect_dma semaphore(%arg7 : memref<!tpu.dma_semaphore, #tpu.memory_space<semaphore_mem>>) src(%arg6 : memref<80xf32, #tpu.memory_space<vmem>>) dst(%dma_wait3A_412 : memref<10240xf32, #tpu.memory_space<vmem_shared>>)
      %mul3A_413 = arith.constant 25 : i32
      %mul3A_414 = arith.muli %scan3A_84, %mul3A_413 : i32
      %add3A_415 = arith.constant 8 : i32
      %add3A_416 = arith.addi %mul3A_414, %add3A_415 : i32
      %dma_wait3A_417 = arith.constant 0 : i32
      %dma_wait3A_418 = arith.constant 0 : i32
      %dma_wait3A_419 = tpu.memref_slice %arg5[%dma_wait3A_417, %add3A_416, %dma_wait3A_418] : memref<2x125x80xi32, #tpu.memory_space<vmem>> -> memref<1x1x80xi32, #tpu.memory_space<vmem>>
      %dma_wait3A_420 = tpu.memref_squeeze %dma_wait3A_419 : memref<1x1x80xi32, #tpu.memory_space<vmem>> -> memref<80xi32, #tpu.memory_space<vmem>>
      %dma_wait3A_421 = arith.constant 0 : i32
      %dma_wait3A_422 = tpu.memref_slice %arg4[%dma_wait3A_421] : memref<10240xf32, #tpu.memory_space<vmem_shared>> -> memref<10240xf32, #tpu.memory_space<vmem_shared>>
      tpu.wait_indirect_dma semaphore(%arg7 : memref<!tpu.dma_semaphore, #tpu.memory_space<semaphore_mem>>) src(%arg6 : memref<80xf32, #tpu.memory_space<vmem>>) dst(%dma_wait3A_422 : memref<10240xf32, #tpu.memory_space<vmem_shared>>)
      %mul3A_423 = arith.constant 25 : i32
      %mul3A_424 = arith.muli %scan3A_84, %mul3A_423 : i32
      %add3A_425 = arith.constant 9 : i32
      %add3A_426 = arith.addi %mul3A_424, %add3A_425 : i32
      %dma_wait3A_427 = arith.constant 0 : i32
      %dma_wait3A_428 = arith.constant 0 : i32
      %dma_wait3A_429 = tpu.memref_slice %arg5[%dma_wait3A_427, %add3A_426, %dma_wait3A_428] : memref<2x125x80xi32, #tpu.memory_space<vmem>> -> memref<1x1x80xi32, #tpu.memory_space<vmem>>
      %dma_wait3A_430 = tpu.memref_squeeze %dma_wait3A_429 : memref<1x1x80xi32, #tpu.memory_space<vmem>> -> memref<80xi32, #tpu.memory_space<vmem>>
      %dma_wait3A_431 = arith.constant 0 : i32
      %dma_wait3A_432 = tpu.memref_slice %arg4[%dma_wait3A_431] : memref<10240xf32, #tpu.memory_space<vmem_shared>> -> memref<10240xf32, #tpu.memory_space<vmem_shared>>
      tpu.wait_indirect_dma semaphore(%arg7 : memref<!tpu.dma_semaphore, #tpu.memory_space<semaphore_mem>>) src(%arg6 : memref<80xf32, #tpu.memory_space<vmem>>) dst(%dma_wait3A_432 : memref<10240xf32, #tpu.memory_space<vmem_shared>>)
      %mul3A_433 = arith.constant 25 : i32
      %mul3A_434 = arith.muli %scan3A_84, %mul3A_433 : i32
      %add3A_435 = arith.constant 10 : i32
      %add3A_436 = arith.addi %mul3A_434, %add3A_435 : i32
      %dma_wait3A_437 = arith.constant 0 : i32
      %dma_wait3A_438 = arith.constant 0 : i32
      %dma_wait3A_439 = tpu.memref_slice %arg5[%dma_wait3A_437, %add3A_436, %dma_wait3A_438] : memref<2x125x80xi32, #tpu.memory_space<vmem>> -> memref<1x1x80xi32, #tpu.memory_space<vmem>>
      %dma_wait3A_440 = tpu.memref_squeeze %dma_wait3A_439 : memref<1x1x80xi32, #tpu.memory_space<vmem>> -> memref<80xi32, #tpu.memory_space<vmem>>
      %dma_wait3A_441 = arith.constant 0 : i32
      %dma_wait3A_442 = tpu.memref_slice %arg4[%dma_wait3A_441] : memref<10240xf32, #tpu.memory_space<vmem_shared>> -> memref<10240xf32, #tpu.memory_space<vmem_shared>>
      tpu.wait_indirect_dma semaphore(%arg7 : memref<!tpu.dma_semaphore, #tpu.memory_space<semaphore_mem>>) src(%arg6 : memref<80xf32, #tpu.memory_space<vmem>>) dst(%dma_wait3A_442 : memref<10240xf32, #tpu.memory_space<vmem_shared>>)
      %mul3A_443 = arith.constant 25 : i32
      %mul3A_444 = arith.muli %scan3A_84, %mul3A_443 : i32
      %add3A_445 = arith.constant 11 : i32
      %add3A_446 = arith.addi %mul3A_444, %add3A_445 : i32
      %dma_wait3A_447 = arith.constant 0 : i32
      %dma_wait3A_448 = arith.constant 0 : i32
      %dma_wait3A_449 = tpu.memref_slice %arg5[%dma_wait3A_447, %add3A_446, %dma_wait3A_448] : memref<2x125x80xi32, #tpu.memory_space<vmem>> -> memref<1x1x80xi32, #tpu.memory_space<vmem>>
      %dma_wait3A_450 = tpu.memref_squeeze %dma_wait3A_449 : memref<1x1x80xi32, #tpu.memory_space<vmem>> -> memref<80xi32, #tpu.memory_space<vmem>>
      %dma_wait3A_451 = arith.constant 0 : i32
      %dma_wait3A_452 = tpu.memref_slice %arg4[%dma_wait3A_451] : memref<10240xf32, #tpu.memory_space<vmem_shared>> -> memref<10240xf32, #tpu.memory_space<vmem_shared>>
      tpu.wait_indirect_dma semaphore(%arg7 : memref<!tpu.dma_semaphore, #tpu.memory_space<semaphore_mem>>) src(%arg6 : memref<80xf32, #tpu.memory_space<vmem>>) dst(%dma_wait3A_452 : memref<10240xf32, #tpu.memory_space<vmem_shared>>)
      %mul3A_453 = arith.constant 25 : i32
      %mul3A_454 = arith.muli %scan3A_84, %mul3A_453 : i32
      %add3A_455 = arith.constant 12 : i32
      %add3A_456 = arith.addi %mul3A_454, %add3A_455 : i32
      %dma_wait3A_457 = arith.constant 0 : i32
      %dma_wait3A_458 = arith.constant 0 : i32
      %dma_wait3A_459 = tpu.memref_slice %arg5[%dma_wait3A_457, %add3A_456, %dma_wait3A_458] : memref<2x125x80xi32, #tpu.memory_space<vmem>> -> memref<1x1x80xi32, #tpu.memory_space<vmem>>
      %dma_wait3A_460 = tpu.memref_squeeze %dma_wait3A_459 : memref<1x1x80xi32, #tpu.memory_space<vmem>> -> memref<80xi32, #tpu.memory_space<vmem>>
      %dma_wait3A_461 = arith.constant 0 : i32
      %dma_wait3A_462 = tpu.memref_slice %arg4[%dma_wait3A_461] : memref<10240xf32, #tpu.memory_space<vmem_shared>> -> memref<10240xf32, #tpu.memory_space<vmem_shared>>
      tpu.wait_indirect_dma semaphore(%arg7 : memref<!tpu.dma_semaphore, #tpu.memory_space<semaphore_mem>>) src(%arg6 : memref<80xf32, #tpu.memory_space<vmem>>) dst(%dma_wait3A_462 : memref<10240xf32, #tpu.memory_space<vmem_shared>>)
      %mul3A_463 = arith.constant 25 : i32
      %mul3A_464 = arith.muli %scan3A_84, %mul3A_463 : i32
      %add3A_465 = arith.constant 13 : i32
      %add3A_466 = arith.addi %mul3A_464, %add3A_465 : i32
      %dma_wait3A_467 = arith.constant 0 : i32
      %dma_wait3A_468 = arith.constant 0 : i32
      %dma_wait3A_469 = tpu.memref_slice %arg5[%dma_wait3A_467, %add3A_466, %dma_wait3A_468] : memref<2x125x80xi32, #tpu.memory_space<vmem>> -> memref<1x1x80xi32, #tpu.memory_space<vmem>>
      %dma_wait3A_470 = tpu.memref_squeeze %dma_wait3A_469 : memref<1x1x80xi32, #tpu.memory_space<vmem>> -> memref<80xi32, #tpu.memory_space<vmem>>
      %dma_wait3A_471 = arith.constant 0 : i32
      %dma_wait3A_472 = tpu.memref_slice %arg4[%dma_wait3A_471] : memref<10240xf32, #tpu.memory_space<vmem_shared>> -> memref<10240xf32, #tpu.memory_space<vmem_shared>>
      tpu.wait_indirect_dma semaphore(%arg7 : memref<!tpu.dma_semaphore, #tpu.memory_space<semaphore_mem>>) src(%arg6 : memref<80xf32, #tpu.memory_space<vmem>>) dst(%dma_wait3A_472 : memref<10240xf32, #tpu.memory_space<vmem_shared>>)
      %mul3A_473 = arith.constant 25 : i32
      %mul3A_474 = arith.muli %scan3A_84, %mul3A_473 : i32
      %add3A_475 = arith.constant 14 : i32
      %add3A_476 = arith.addi %mul3A_474, %add3A_475 : i32
      %dma_wait3A_477 = arith.constant 0 : i32
      %dma_wait3A_478 = arith.constant 0 : i32
      %dma_wait3A_479 = tpu.memref_slice %arg5[%dma_wait3A_477, %add3A_476, %dma_wait3A_478] : memref<2x125x80xi32, #tpu.memory_space<vmem>> -> memref<1x1x80xi32, #tpu.memory_space<vmem>>
      %dma_wait3A_480 = tpu.memref_squeeze %dma_wait3A_479 : memref<1x1x80xi32, #tpu.memory_space<vmem>> -> memref<80xi32, #tpu.memory_space<vmem>>
      %dma_wait3A_481 = arith.constant 0 : i32
      %dma_wait3A_482 = tpu.memref_slice %arg4[%dma_wait3A_481] : memref<10240xf32, #tpu.memory_space<vmem_shared>> -> memref<10240xf32, #tpu.memory_space<vmem_shared>>
      tpu.wait_indirect_dma semaphore(%arg7 : memref<!tpu.dma_semaphore, #tpu.memory_space<semaphore_mem>>) src(%arg6 : memref<80xf32, #tpu.memory_space<vmem>>) dst(%dma_wait3A_482 : memref<10240xf32, #tpu.memory_space<vmem_shared>>)
      %mul3A_483 = arith.constant 25 : i32
      %mul3A_484 = arith.muli %scan3A_84, %mul3A_483 : i32
      %add3A_485 = arith.constant 15 : i32
      %add3A_486 = arith.addi %mul3A_484, %add3A_485 : i32
      %dma_wait3A_487 = arith.constant 0 : i32
      %dma_wait3A_488 = arith.constant 0 : i32
      %dma_wait3A_489 = tpu.memref_slice %arg5[%dma_wait3A_487, %add3A_486, %dma_wait3A_488] : memref<2x125x80xi32, #tpu.memory_space<vmem>> -> memref<1x1x80xi32, #tpu.memory_space<vmem>>
      %dma_wait3A_490 = tpu.memref_squeeze %dma_wait3A_489 : memref<1x1x80xi32, #tpu.memory_space<vmem>> -> memref<80xi32, #tpu.memory_space<vmem>>
      %dma_wait3A_491 = arith.constant 0 : i32
      %dma_wait3A_492 = tpu.memref_slice %arg4[%dma_wait3A_491] : memref<10240xf32, #tpu.memory_space<vmem_shared>> -> memref<10240xf32, #tpu.memory_space<vmem_shared>>
      tpu.wait_indirect_dma semaphore(%arg7 : memref<!tpu.dma_semaphore, #tpu.memory_space<semaphore_mem>>) src(%arg6 : memref<80xf32, #tpu.memory_space<vmem>>) dst(%dma_wait3A_492 : memref<10240xf32, #tpu.memory_space<vmem_shared>>)
      %mul3A_493 = arith.constant 25 : i32
      %mul3A_494 = arith.muli %scan3A_84, %mul3A_493 : i32
      %add3A_495 = arith.constant 16 : i32
      %add3A_496 = arith.addi %mul3A_494, %add3A_495 : i32
      %dma_wait3A_497 = arith.constant 0 : i32
      %dma_wait3A_498 = arith.constant 0 : i32
      %dma_wait3A_499 = tpu.memref_slice %arg5[%dma_wait3A_497, %add3A_496, %dma_wait3A_498] : memref<2x125x80xi32, #tpu.memory_space<vmem>> -> memref<1x1x80xi32, #tpu.memory_space<vmem>>
      %dma_wait3A_500 = tpu.memref_squeeze %dma_wait3A_499 : memref<1x1x80xi32, #tpu.memory_space<vmem>> -> memref<80xi32, #tpu.memory_space<vmem>>
      %dma_wait3A_501 = arith.constant 0 : i32
      %dma_wait3A_502 = tpu.memref_slice %arg4[%dma_wait3A_501] : memref<10240xf32, #tpu.memory_space<vmem_shared>> -> memref<10240xf32, #tpu.memory_space<vmem_shared>>
      tpu.wait_indirect_dma semaphore(%arg7 : memref<!tpu.dma_semaphore, #tpu.memory_space<semaphore_mem>>) src(%arg6 : memref<80xf32, #tpu.memory_space<vmem>>) dst(%dma_wait3A_502 : memref<10240xf32, #tpu.memory_space<vmem_shared>>)
      %mul3A_503 = arith.constant 25 : i32
      %mul3A_504 = arith.muli %scan3A_84, %mul3A_503 : i32
      %add3A_505 = arith.constant 17 : i32
      %add3A_506 = arith.addi %mul3A_504, %add3A_505 : i32
      %dma_wait3A_507 = arith.constant 0 : i32
      %dma_wait3A_508 = arith.constant 0 : i32
      %dma_wait3A_509 = tpu.memref_slice %arg5[%dma_wait3A_507, %add3A_506, %dma_wait3A_508] : memref<2x125x80xi32, #tpu.memory_space<vmem>> -> memref<1x1x80xi32, #tpu.memory_space<vmem>>
      %dma_wait3A_510 = tpu.memref_squeeze %dma_wait3A_509 : memref<1x1x80xi32, #tpu.memory_space<vmem>> -> memref<80xi32, #tpu.memory_space<vmem>>
      %dma_wait3A_511 = arith.constant 0 : i32
      %dma_wait3A_512 = tpu.memref_slice %arg4[%dma_wait3A_511] : memref<10240xf32, #tpu.memory_space<vmem_shared>> -> memref<10240xf32, #tpu.memory_space<vmem_shared>>
      tpu.wait_indirect_dma semaphore(%arg7 : memref<!tpu.dma_semaphore, #tpu.memory_space<semaphore_mem>>) src(%arg6 : memref<80xf32, #tpu.memory_space<vmem>>) dst(%dma_wait3A_512 : memref<10240xf32, #tpu.memory_space<vmem_shared>>)
      %mul3A_513 = arith.constant 25 : i32
      %mul3A_514 = arith.muli %scan3A_84, %mul3A_513 : i32
      %add3A_515 = arith.constant 18 : i32
      %add3A_516 = arith.addi %mul3A_514, %add3A_515 : i32
      %dma_wait3A_517 = arith.constant 0 : i32
      %dma_wait3A_518 = arith.constant 0 : i32
      %dma_wait3A_519 = tpu.memref_slice %arg5[%dma_wait3A_517, %add3A_516, %dma_wait3A_518] : memref<2x125x80xi32, #tpu.memory_space<vmem>> -> memref<1x1x80xi32, #tpu.memory_space<vmem>>
      %dma_wait3A_520 = tpu.memref_squeeze %dma_wait3A_519 : memref<1x1x80xi32, #tpu.memory_space<vmem>> -> memref<80xi32, #tpu.memory_space<vmem>>
      %dma_wait3A_521 = arith.constant 0 : i32
      %dma_wait3A_522 = tpu.memref_slice %arg4[%dma_wait3A_521] : memref<10240xf32, #tpu.memory_space<vmem_shared>> -> memref<10240xf32, #tpu.memory_space<vmem_shared>>
      tpu.wait_indirect_dma semaphore(%arg7 : memref<!tpu.dma_semaphore, #tpu.memory_space<semaphore_mem>>) src(%arg6 : memref<80xf32, #tpu.memory_space<vmem>>) dst(%dma_wait3A_522 : memref<10240xf32, #tpu.memory_space<vmem_shared>>)
      %mul3A_523 = arith.constant 25 : i32
      %mul3A_524 = arith.muli %scan3A_84, %mul3A_523 : i32
      %add3A_525 = arith.constant 19 : i32
      %add3A_526 = arith.addi %mul3A_524, %add3A_525 : i32
      %dma_wait3A_527 = arith.constant 0 : i32
      %dma_wait3A_528 = arith.constant 0 : i32
      %dma_wait3A_529 = tpu.memref_slice %arg5[%dma_wait3A_527, %add3A_526, %dma_wait3A_528] : memref<2x125x80xi32, #tpu.memory_space<vmem>> -> memref<1x1x80xi32, #tpu.memory_space<vmem>>
      %dma_wait3A_530 = tpu.memref_squeeze %dma_wait3A_529 : memref<1x1x80xi32, #tpu.memory_space<vmem>> -> memref<80xi32, #tpu.memory_space<vmem>>
      %dma_wait3A_531 = arith.constant 0 : i32
      %dma_wait3A_532 = tpu.memref_slice %arg4[%dma_wait3A_531] : memref<10240xf32, #tpu.memory_space<vmem_shared>> -> memref<10240xf32, #tpu.memory_space<vmem_shared>>
      tpu.wait_indirect_dma semaphore(%arg7 : memref<!tpu.dma_semaphore, #tpu.memory_space<semaphore_mem>>) src(%arg6 : memref<80xf32, #tpu.memory_space<vmem>>) dst(%dma_wait3A_532 : memref<10240xf32, #tpu.memory_space<vmem_shared>>)
      %mul3A_533 = arith.constant 25 : i32
      %mul3A_534 = arith.muli %scan3A_84, %mul3A_533 : i32
      %add3A_535 = arith.constant 20 : i32
      %add3A_536 = arith.addi %mul3A_534, %add3A_535 : i32
      %dma_wait3A_537 = arith.constant 0 : i32
      %dma_wait3A_538 = arith.constant 0 : i32
      %dma_wait3A_539 = tpu.memref_slice %arg5[%dma_wait3A_537, %add3A_536, %dma_wait3A_538] : memref<2x125x80xi32, #tpu.memory_space<vmem>> -> memref<1x1x80xi32, #tpu.memory_space<vmem>>
      %dma_wait3A_540 = tpu.memref_squeeze %dma_wait3A_539 : memref<1x1x80xi32, #tpu.memory_space<vmem>> -> memref<80xi32, #tpu.memory_space<vmem>>
      %dma_wait3A_541 = arith.constant 0 : i32
      %dma_wait3A_542 = tpu.memref_slice %arg4[%dma_wait3A_541] : memref<10240xf32, #tpu.memory_space<vmem_shared>> -> memref<10240xf32, #tpu.memory_space<vmem_shared>>
      tpu.wait_indirect_dma semaphore(%arg7 : memref<!tpu.dma_semaphore, #tpu.memory_space<semaphore_mem>>) src(%arg6 : memref<80xf32, #tpu.memory_space<vmem>>) dst(%dma_wait3A_542 : memref<10240xf32, #tpu.memory_space<vmem_shared>>)
      %mul3A_543 = arith.constant 25 : i32
      %mul3A_544 = arith.muli %scan3A_84, %mul3A_543 : i32
      %add3A_545 = arith.constant 21 : i32
      %add3A_546 = arith.addi %mul3A_544, %add3A_545 : i32
      %dma_wait3A_547 = arith.constant 0 : i32
      %dma_wait3A_548 = arith.constant 0 : i32
      %dma_wait3A_549 = tpu.memref_slice %arg5[%dma_wait3A_547, %add3A_546, %dma_wait3A_548] : memref<2x125x80xi32, #tpu.memory_space<vmem>> -> memref<1x1x80xi32, #tpu.memory_space<vmem>>
      %dma_wait3A_550 = tpu.memref_squeeze %dma_wait3A_549 : memref<1x1x80xi32, #tpu.memory_space<vmem>> -> memref<80xi32, #tpu.memory_space<vmem>>
      %dma_wait3A_551 = arith.constant 0 : i32
      %dma_wait3A_552 = tpu.memref_slice %arg4[%dma_wait3A_551] : memref<10240xf32, #tpu.memory_space<vmem_shared>> -> memref<10240xf32, #tpu.memory_space<vmem_shared>>
      tpu.wait_indirect_dma semaphore(%arg7 : memref<!tpu.dma_semaphore, #tpu.memory_space<semaphore_mem>>) src(%arg6 : memref<80xf32, #tpu.memory_space<vmem>>) dst(%dma_wait3A_552 : memref<10240xf32, #tpu.memory_space<vmem_shared>>)
      %mul3A_553 = arith.constant 25 : i32
      %mul3A_554 = arith.muli %scan3A_84, %mul3A_553 : i32
      %add3A_555 = arith.constant 22 : i32
      %add3A_556 = arith.addi %mul3A_554, %add3A_555 : i32
      %dma_wait3A_557 = arith.constant 0 : i32
      %dma_wait3A_558 = arith.constant 0 : i32
      %dma_wait3A_559 = tpu.memref_slice %arg5[%dma_wait3A_557, %add3A_556, %dma_wait3A_558] : memref<2x125x80xi32, #tpu.memory_space<vmem>> -> memref<1x1x80xi32, #tpu.memory_space<vmem>>
      %dma_wait3A_560 = tpu.memref_squeeze %dma_wait3A_559 : memref<1x1x80xi32, #tpu.memory_space<vmem>> -> memref<80xi32, #tpu.memory_space<vmem>>
      %dma_wait3A_561 = arith.constant 0 : i32
      %dma_wait3A_562 = tpu.memref_slice %arg4[%dma_wait3A_561] : memref<10240xf32, #tpu.memory_space<vmem_shared>> -> memref<10240xf32, #tpu.memory_space<vmem_shared>>
      tpu.wait_indirect_dma semaphore(%arg7 : memref<!tpu.dma_semaphore, #tpu.memory_space<semaphore_mem>>) src(%arg6 : memref<80xf32, #tpu.memory_space<vmem>>) dst(%dma_wait3A_562 : memref<10240xf32, #tpu.memory_space<vmem_shared>>)
      %mul3A_563 = arith.constant 25 : i32
      %mul3A_564 = arith.muli %scan3A_84, %mul3A_563 : i32
      %add3A_565 = arith.constant 23 : i32
      %add3A_566 = arith.addi %mul3A_564, %add3A_565 : i32
      %dma_wait3A_567 = arith.constant 0 : i32
      %dma_wait3A_568 = arith.constant 0 : i32
      %dma_wait3A_569 = tpu.memref_slice %arg5[%dma_wait3A_567, %add3A_566, %dma_wait3A_568] : memref<2x125x80xi32, #tpu.memory_space<vmem>> -> memref<1x1x80xi32, #tpu.memory_space<vmem>>
      %dma_wait3A_570 = tpu.memref_squeeze %dma_wait3A_569 : memref<1x1x80xi32, #tpu.memory_space<vmem>> -> memref<80xi32, #tpu.memory_space<vmem>>
      %dma_wait3A_571 = arith.constant 0 : i32
      %dma_wait3A_572 = tpu.memref_slice %arg4[%dma_wait3A_571] : memref<10240xf32, #tpu.memory_space<vmem_shared>> -> memref<10240xf32, #tpu.memory_space<vmem_shared>>
      tpu.wait_indirect_dma semaphore(%arg7 : memref<!tpu.dma_semaphore, #tpu.memory_space<semaphore_mem>>) src(%arg6 : memref<80xf32, #tpu.memory_space<vmem>>) dst(%dma_wait3A_572 : memref<10240xf32, #tpu.memory_space<vmem_shared>>)
      %mul3A_573 = arith.constant 25 : i32
      %mul3A_574 = arith.muli %scan3A_84, %mul3A_573 : i32
      %add3A_575 = arith.constant 24 : i32
      %add3A_576 = arith.addi %mul3A_574, %add3A_575 : i32
      %dma_wait3A_577 = arith.constant 0 : i32
      %dma_wait3A_578 = arith.constant 0 : i32
      %dma_wait3A_579 = tpu.memref_slice %arg5[%dma_wait3A_577, %add3A_576, %dma_wait3A_578] : memref<2x125x80xi32, #tpu.memory_space<vmem>> -> memref<1x1x80xi32, #tpu.memory_space<vmem>>
      %dma_wait3A_580 = tpu.memref_squeeze %dma_wait3A_579 : memref<1x1x80xi32, #tpu.memory_space<vmem>> -> memref<80xi32, #tpu.memory_space<vmem>>
      %dma_wait3A_581 = arith.constant 0 : i32
      %dma_wait3A_582 = tpu.memref_slice %arg4[%dma_wait3A_581] : memref<10240xf32, #tpu.memory_space<vmem_shared>> -> memref<10240xf32, #tpu.memory_space<vmem_shared>>
      tpu.wait_indirect_dma semaphore(%arg7 : memref<!tpu.dma_semaphore, #tpu.memory_space<semaphore_mem>>) src(%arg6 : memref<80xf32, #tpu.memory_space<vmem>>) dst(%dma_wait3A_582 : memref<10240xf32, #tpu.memory_space<vmem_shared>>)
    }
    %scan3A_71 = arith.constant 5 : i32
    %scan3A_72 = arith.constant 0 : i32
    %scan3A_73 = arith.constant 0 : i32
    %scan3A_74 = arith.constant 5 : i32
    %scan3A_75 = arith.addi %scan3A_73, %scan3A_74 : i32
    %scan3A_76 = arith.constant 1 : i32
    scf.for %scan3A_84 = %scan3A_73 to %scan3A_75 step %scan3A_76  : i32 {
      %mul3A_85 = arith.constant 25 : i32
      %mul3A_86 = arith.muli %scan3A_84, %mul3A_85 : i32
      %add3A_87 = arith.constant 0 : i32
      %add3A_88 = arith.addi %mul3A_86, %add3A_87 : i32
      %dma_start3A = arith.constant 1 : i32
      %dma_start3A_89 = arith.constant 0 : i32
      %dma_start3A_90 = tpu.memref_slice %arg5[%dma_start3A, %add3A_88, %dma_start3A_89] : memref<2x125x80xi32, #tpu.memory_space<vmem>> -> memref<1x1x80xi32, #tpu.memory_space<vmem>>
      %dma_start3A_91 = tpu.memref_squeeze %dma_start3A_90 : memref<1x1x80xi32, #tpu.memory_space<vmem>> -> memref<80xi32, #tpu.memory_space<vmem>>
      %dma_start3A_92 = arith.constant 0 : i32
      %dma_start3A_93 = tpu.memref_slice %arg4[%dma_start3A_92] : memref<10240xf32, #tpu.memory_space<vmem_shared>> -> memref<10240xf32, #tpu.memory_space<vmem_shared>>
      tpu.enqueue_indirect_dma source(%arg6 : memref<80xf32, #tpu.memory_space<vmem>>) target(%dma_start3A_93 : memref<10240xf32, #tpu.memory_space<vmem_shared>>) offsets(%dma_start3A_91 : memref<80xi32, #tpu.memory_space<vmem>>) semaphore(%arg7 : memref<!tpu.dma_semaphore, #tpu.memory_space<semaphore_mem>>) {add = true}
      %mul3A_94 = arith.constant 25 : i32
      %mul3A_95 = arith.muli %scan3A_84, %mul3A_94 : i32
      %add3A_96 = arith.constant 1 : i32
      %add3A_97 = arith.addi %mul3A_95, %add3A_96 : i32
      %dma_start3A_98 = arith.constant 1 : i32
      %dma_start3A_99 = arith.constant 0 : i32
      %dma_start3A_100 = tpu.memref_slice %arg5[%dma_start3A_98, %add3A_97, %dma_start3A_99] : memref<2x125x80xi32, #tpu.memory_space<vmem>> -> memref<1x1x80xi32, #tpu.memory_space<vmem>>
      %dma_start3A_101 = tpu.memref_squeeze %dma_start3A_100 : memref<1x1x80xi32, #tpu.memory_space<vmem>> -> memref<80xi32, #tpu.memory_space<vmem>>
      %dma_start3A_102 = arith.constant 0 : i32
      %dma_start3A_103 = tpu.memref_slice %arg4[%dma_start3A_102] : memref<10240xf32, #tpu.memory_space<vmem_shared>> -> memref<10240xf32, #tpu.memory_space<vmem_shared>>
      tpu.enqueue_indirect_dma source(%arg6 : memref<80xf32, #tpu.memory_space<vmem>>) target(%dma_start3A_103 : memref<10240xf32, #tpu.memory_space<vmem_shared>>) offsets(%dma_start3A_101 : memref<80xi32, #tpu.memory_space<vmem>>) semaphore(%arg7 : memref<!tpu.dma_semaphore, #tpu.memory_space<semaphore_mem>>) {add = true}
      %mul3A_104 = arith.constant 25 : i32
      %mul3A_105 = arith.muli %scan3A_84, %mul3A_104 : i32
      %add3A_106 = arith.constant 2 : i32
      %add3A_107 = arith.addi %mul3A_105, %add3A_106 : i32
      %dma_start3A_108 = arith.constant 1 : i32
      %dma_start3A_109 = arith.constant 0 : i32
      %dma_start3A_110 = tpu.memref_slice %arg5[%dma_start3A_108, %add3A_107, %dma_start3A_109] : memref<2x125x80xi32, #tpu.memory_space<vmem>> -> memref<1x1x80xi32, #tpu.memory_space<vmem>>
      %dma_start3A_111 = tpu.memref_squeeze %dma_start3A_110 : memref<1x1x80xi32, #tpu.memory_space<vmem>> -> memref<80xi32, #tpu.memory_space<vmem>>
      %dma_start3A_112 = arith.constant 0 : i32
      %dma_start3A_113 = tpu.memref_slice %arg4[%dma_start3A_112] : memref<10240xf32, #tpu.memory_space<vmem_shared>> -> memref<10240xf32, #tpu.memory_space<vmem_shared>>
      tpu.enqueue_indirect_dma source(%arg6 : memref<80xf32, #tpu.memory_space<vmem>>) target(%dma_start3A_113 : memref<10240xf32, #tpu.memory_space<vmem_shared>>) offsets(%dma_start3A_111 : memref<80xi32, #tpu.memory_space<vmem>>) semaphore(%arg7 : memref<!tpu.dma_semaphore, #tpu.memory_space<semaphore_mem>>) {add = true}
      %mul3A_114 = arith.constant 25 : i32
      %mul3A_115 = arith.muli %scan3A_84, %mul3A_114 : i32
      %add3A_116 = arith.constant 3 : i32
      %add3A_117 = arith.addi %mul3A_115, %add3A_116 : i32
      %dma_start3A_118 = arith.constant 1 : i32
      %dma_start3A_119 = arith.constant 0 : i32
      %dma_start3A_120 = tpu.memref_slice %arg5[%dma_start3A_118, %add3A_117, %dma_start3A_119] : memref<2x125x80xi32, #tpu.memory_space<vmem>> -> memref<1x1x80xi32, #tpu.memory_space<vmem>>
      %dma_start3A_121 = tpu.memref_squeeze %dma_start3A_120 : memref<1x1x80xi32, #tpu.memory_space<vmem>> -> memref<80xi32, #tpu.memory_space<vmem>>
      %dma_start3A_122 = arith.constant 0 : i32
      %dma_start3A_123 = tpu.memref_slice %arg4[%dma_start3A_122] : memref<10240xf32, #tpu.memory_space<vmem_shared>> -> memref<10240xf32, #tpu.memory_space<vmem_shared>>
      tpu.enqueue_indirect_dma source(%arg6 : memref<80xf32, #tpu.memory_space<vmem>>) target(%dma_start3A_123 : memref<10240xf32, #tpu.memory_space<vmem_shared>>) offsets(%dma_start3A_121 : memref<80xi32, #tpu.memory_space<vmem>>) semaphore(%arg7 : memref<!tpu.dma_semaphore, #tpu.memory_space<semaphore_mem>>) {add = true}
      %mul3A_124 = arith.constant 25 : i32
      %mul3A_125 = arith.muli %scan3A_84, %mul3A_124 : i32
      %add3A_126 = arith.constant 4 : i32
      %add3A_127 = arith.addi %mul3A_125, %add3A_126 : i32
      %dma_start3A_128 = arith.constant 1 : i32
      %dma_start3A_129 = arith.constant 0 : i32
      %dma_start3A_130 = tpu.memref_slice %arg5[%dma_start3A_128, %add3A_127, %dma_start3A_129] : memref<2x125x80xi32, #tpu.memory_space<vmem>> -> memref<1x1x80xi32, #tpu.memory_space<vmem>>
      %dma_start3A_131 = tpu.memref_squeeze %dma_start3A_130 : memref<1x1x80xi32, #tpu.memory_space<vmem>> -> memref<80xi32, #tpu.memory_space<vmem>>
      %dma_start3A_132 = arith.constant 0 : i32
      %dma_start3A_133 = tpu.memref_slice %arg4[%dma_start3A_132] : memref<10240xf32, #tpu.memory_space<vmem_shared>> -> memref<10240xf32, #tpu.memory_space<vmem_shared>>
      tpu.enqueue_indirect_dma source(%arg6 : memref<80xf32, #tpu.memory_space<vmem>>) target(%dma_start3A_133 : memref<10240xf32, #tpu.memory_space<vmem_shared>>) offsets(%dma_start3A_131 : memref<80xi32, #tpu.memory_space<vmem>>) semaphore(%arg7 : memref<!tpu.dma_semaphore, #tpu.memory_space<semaphore_mem>>) {add = true}
      %mul3A_134 = arith.constant 25 : i32
      %mul3A_135 = arith.muli %scan3A_84, %mul3A_134 : i32
      %add3A_136 = arith.constant 5 : i32
      %add3A_137 = arith.addi %mul3A_135, %add3A_136 : i32
      %dma_start3A_138 = arith.constant 1 : i32
      %dma_start3A_139 = arith.constant 0 : i32
      %dma_start3A_140 = tpu.memref_slice %arg5[%dma_start3A_138, %add3A_137, %dma_start3A_139] : memref<2x125x80xi32, #tpu.memory_space<vmem>> -> memref<1x1x80xi32, #tpu.memory_space<vmem>>
      %dma_start3A_141 = tpu.memref_squeeze %dma_start3A_140 : memref<1x1x80xi32, #tpu.memory_space<vmem>> -> memref<80xi32, #tpu.memory_space<vmem>>
      %dma_start3A_142 = arith.constant 0 : i32
      %dma_start3A_143 = tpu.memref_slice %arg4[%dma_start3A_142] : memref<10240xf32, #tpu.memory_space<vmem_shared>> -> memref<10240xf32, #tpu.memory_space<vmem_shared>>
      tpu.enqueue_indirect_dma source(%arg6 : memref<80xf32, #tpu.memory_space<vmem>>) target(%dma_start3A_143 : memref<10240xf32, #tpu.memory_space<vmem_shared>>) offsets(%dma_start3A_141 : memref<80xi32, #tpu.memory_space<vmem>>) semaphore(%arg7 : memref<!tpu.dma_semaphore, #tpu.memory_space<semaphore_mem>>) {add = true}
      %mul3A_144 = arith.constant 25 : i32
      %mul3A_145 = arith.muli %scan3A_84, %mul3A_144 : i32
      %add3A_146 = arith.constant 6 : i32
      %add3A_147 = arith.addi %mul3A_145, %add3A_146 : i32
      %dma_start3A_148 = arith.constant 1 : i32
      %dma_start3A_149 = arith.constant 0 : i32
      %dma_start3A_150 = tpu.memref_slice %arg5[%dma_start3A_148, %add3A_147, %dma_start3A_149] : memref<2x125x80xi32, #tpu.memory_space<vmem>> -> memref<1x1x80xi32, #tpu.memory_space<vmem>>
      %dma_start3A_151 = tpu.memref_squeeze %dma_start3A_150 : memref<1x1x80xi32, #tpu.memory_space<vmem>> -> memref<80xi32, #tpu.memory_space<vmem>>
      %dma_start3A_152 = arith.constant 0 : i32
      %dma_start3A_153 = tpu.memref_slice %arg4[%dma_start3A_152] : memref<10240xf32, #tpu.memory_space<vmem_shared>> -> memref<10240xf32, #tpu.memory_space<vmem_shared>>
      tpu.enqueue_indirect_dma source(%arg6 : memref<80xf32, #tpu.memory_space<vmem>>) target(%dma_start3A_153 : memref<10240xf32, #tpu.memory_space<vmem_shared>>) offsets(%dma_start3A_151 : memref<80xi32, #tpu.memory_space<vmem>>) semaphore(%arg7 : memref<!tpu.dma_semaphore, #tpu.memory_space<semaphore_mem>>) {add = true}
      %mul3A_154 = arith.constant 25 : i32
      %mul3A_155 = arith.muli %scan3A_84, %mul3A_154 : i32
      %add3A_156 = arith.constant 7 : i32
      %add3A_157 = arith.addi %mul3A_155, %add3A_156 : i32
      %dma_start3A_158 = arith.constant 1 : i32
      %dma_start3A_159 = arith.constant 0 : i32
      %dma_start3A_160 = tpu.memref_slice %arg5[%dma_start3A_158, %add3A_157, %dma_start3A_159] : memref<2x125x80xi32, #tpu.memory_space<vmem>> -> memref<1x1x80xi32, #tpu.memory_space<vmem>>
      %dma_start3A_161 = tpu.memref_squeeze %dma_start3A_160 : memref<1x1x80xi32, #tpu.memory_space<vmem>> -> memref<80xi32, #tpu.memory_space<vmem>>
      %dma_start3A_162 = arith.constant 0 : i32
      %dma_start3A_163 = tpu.memref_slice %arg4[%dma_start3A_162] : memref<10240xf32, #tpu.memory_space<vmem_shared>> -> memref<10240xf32, #tpu.memory_space<vmem_shared>>
      tpu.enqueue_indirect_dma source(%arg6 : memref<80xf32, #tpu.memory_space<vmem>>) target(%dma_start3A_163 : memref<10240xf32, #tpu.memory_space<vmem_shared>>) offsets(%dma_start3A_161 : memref<80xi32, #tpu.memory_space<vmem>>) semaphore(%arg7 : memref<!tpu.dma_semaphore, #tpu.memory_space<semaphore_mem>>) {add = true}
      %mul3A_164 = arith.constant 25 : i32
      %mul3A_165 = arith.muli %scan3A_84, %mul3A_164 : i32
      %add3A_166 = arith.constant 8 : i32
      %add3A_167 = arith.addi %mul3A_165, %add3A_166 : i32
      %dma_start3A_168 = arith.constant 1 : i32
      %dma_start3A_169 = arith.constant 0 : i32
      %dma_start3A_170 = tpu.memref_slice %arg5[%dma_start3A_168, %add3A_167, %dma_start3A_169] : memref<2x125x80xi32, #tpu.memory_space<vmem>> -> memref<1x1x80xi32, #tpu.memory_space<vmem>>
      %dma_start3A_171 = tpu.memref_squeeze %dma_start3A_170 : memref<1x1x80xi32, #tpu.memory_space<vmem>> -> memref<80xi32, #tpu.memory_space<vmem>>
      %dma_start3A_172 = arith.constant 0 : i32
      %dma_start3A_173 = tpu.memref_slice %arg4[%dma_start3A_172] : memref<10240xf32, #tpu.memory_space<vmem_shared>> -> memref<10240xf32, #tpu.memory_space<vmem_shared>>
      tpu.enqueue_indirect_dma source(%arg6 : memref<80xf32, #tpu.memory_space<vmem>>) target(%dma_start3A_173 : memref<10240xf32, #tpu.memory_space<vmem_shared>>) offsets(%dma_start3A_171 : memref<80xi32, #tpu.memory_space<vmem>>) semaphore(%arg7 : memref<!tpu.dma_semaphore, #tpu.memory_space<semaphore_mem>>) {add = true}
      %mul3A_174 = arith.constant 25 : i32
      %mul3A_175 = arith.muli %scan3A_84, %mul3A_174 : i32
      %add3A_176 = arith.constant 9 : i32
      %add3A_177 = arith.addi %mul3A_175, %add3A_176 : i32
      %dma_start3A_178 = arith.constant 1 : i32
      %dma_start3A_179 = arith.constant 0 : i32
      %dma_start3A_180 = tpu.memref_slice %arg5[%dma_start3A_178, %add3A_177, %dma_start3A_179] : memref<2x125x80xi32, #tpu.memory_space<vmem>> -> memref<1x1x80xi32, #tpu.memory_space<vmem>>
      %dma_start3A_181 = tpu.memref_squeeze %dma_start3A_180 : memref<1x1x80xi32, #tpu.memory_space<vmem>> -> memref<80xi32, #tpu.memory_space<vmem>>
      %dma_start3A_182 = arith.constant 0 : i32
      %dma_start3A_183 = tpu.memref_slice %arg4[%dma_start3A_182] : memref<10240xf32, #tpu.memory_space<vmem_shared>> -> memref<10240xf32, #tpu.memory_space<vmem_shared>>
      tpu.enqueue_indirect_dma source(%arg6 : memref<80xf32, #tpu.memory_space<vmem>>) target(%dma_start3A_183 : memref<10240xf32, #tpu.memory_space<vmem_shared>>) offsets(%dma_start3A_181 : memref<80xi32, #tpu.memory_space<vmem>>) semaphore(%arg7 : memref<!tpu.dma_semaphore, #tpu.memory_space<semaphore_mem>>) {add = true}
      %mul3A_184 = arith.constant 25 : i32
      %mul3A_185 = arith.muli %scan3A_84, %mul3A_184 : i32
      %add3A_186 = arith.constant 10 : i32
      %add3A_187 = arith.addi %mul3A_185, %add3A_186 : i32
      %dma_start3A_188 = arith.constant 1 : i32
      %dma_start3A_189 = arith.constant 0 : i32
      %dma_start3A_190 = tpu.memref_slice %arg5[%dma_start3A_188, %add3A_187, %dma_start3A_189] : memref<2x125x80xi32, #tpu.memory_space<vmem>> -> memref<1x1x80xi32, #tpu.memory_space<vmem>>
      %dma_start3A_191 = tpu.memref_squeeze %dma_start3A_190 : memref<1x1x80xi32, #tpu.memory_space<vmem>> -> memref<80xi32, #tpu.memory_space<vmem>>
      %dma_start3A_192 = arith.constant 0 : i32
      %dma_start3A_193 = tpu.memref_slice %arg4[%dma_start3A_192] : memref<10240xf32, #tpu.memory_space<vmem_shared>> -> memref<10240xf32, #tpu.memory_space<vmem_shared>>
      tpu.enqueue_indirect_dma source(%arg6 : memref<80xf32, #tpu.memory_space<vmem>>) target(%dma_start3A_193 : memref<10240xf32, #tpu.memory_space<vmem_shared>>) offsets(%dma_start3A_191 : memref<80xi32, #tpu.memory_space<vmem>>) semaphore(%arg7 : memref<!tpu.dma_semaphore, #tpu.memory_space<semaphore_mem>>) {add = true}
      %mul3A_194 = arith.constant 25 : i32
      %mul3A_195 = arith.muli %scan3A_84, %mul3A_194 : i32
      %add3A_196 = arith.constant 11 : i32
      %add3A_197 = arith.addi %mul3A_195, %add3A_196 : i32
      %dma_start3A_198 = arith.constant 1 : i32
      %dma_start3A_199 = arith.constant 0 : i32
      %dma_start3A_200 = tpu.memref_slice %arg5[%dma_start3A_198, %add3A_197, %dma_start3A_199] : memref<2x125x80xi32, #tpu.memory_space<vmem>> -> memref<1x1x80xi32, #tpu.memory_space<vmem>>
      %dma_start3A_201 = tpu.memref_squeeze %dma_start3A_200 : memref<1x1x80xi32, #tpu.memory_space<vmem>> -> memref<80xi32, #tpu.memory_space<vmem>>
      %dma_start3A_202 = arith.constant 0 : i32
      %dma_start3A_203 = tpu.memref_slice %arg4[%dma_start3A_202] : memref<10240xf32, #tpu.memory_space<vmem_shared>> -> memref<10240xf32, #tpu.memory_space<vmem_shared>>
      tpu.enqueue_indirect_dma source(%arg6 : memref<80xf32, #tpu.memory_space<vmem>>) target(%dma_start3A_203 : memref<10240xf32, #tpu.memory_space<vmem_shared>>) offsets(%dma_start3A_201 : memref<80xi32, #tpu.memory_space<vmem>>) semaphore(%arg7 : memref<!tpu.dma_semaphore, #tpu.memory_space<semaphore_mem>>) {add = true}
      %mul3A_204 = arith.constant 25 : i32
      %mul3A_205 = arith.muli %scan3A_84, %mul3A_204 : i32
      %add3A_206 = arith.constant 12 : i32
      %add3A_207 = arith.addi %mul3A_205, %add3A_206 : i32
      %dma_start3A_208 = arith.constant 1 : i32
      %dma_start3A_209 = arith.constant 0 : i32
      %dma_start3A_210 = tpu.memref_slice %arg5[%dma_start3A_208, %add3A_207, %dma_start3A_209] : memref<2x125x80xi32, #tpu.memory_space<vmem>> -> memref<1x1x80xi32, #tpu.memory_space<vmem>>
      %dma_start3A_211 = tpu.memref_squeeze %dma_start3A_210 : memref<1x1x80xi32, #tpu.memory_space<vmem>> -> memref<80xi32, #tpu.memory_space<vmem>>
      %dma_start3A_212 = arith.constant 0 : i32
      %dma_start3A_213 = tpu.memref_slice %arg4[%dma_start3A_212] : memref<10240xf32, #tpu.memory_space<vmem_shared>> -> memref<10240xf32, #tpu.memory_space<vmem_shared>>
      tpu.enqueue_indirect_dma source(%arg6 : memref<80xf32, #tpu.memory_space<vmem>>) target(%dma_start3A_213 : memref<10240xf32, #tpu.memory_space<vmem_shared>>) offsets(%dma_start3A_211 : memref<80xi32, #tpu.memory_space<vmem>>) semaphore(%arg7 : memref<!tpu.dma_semaphore, #tpu.memory_space<semaphore_mem>>) {add = true}
      %mul3A_214 = arith.constant 25 : i32
      %mul3A_215 = arith.muli %scan3A_84, %mul3A_214 : i32
      %add3A_216 = arith.constant 13 : i32
      %add3A_217 = arith.addi %mul3A_215, %add3A_216 : i32
      %dma_start3A_218 = arith.constant 1 : i32
      %dma_start3A_219 = arith.constant 0 : i32
      %dma_start3A_220 = tpu.memref_slice %arg5[%dma_start3A_218, %add3A_217, %dma_start3A_219] : memref<2x125x80xi32, #tpu.memory_space<vmem>> -> memref<1x1x80xi32, #tpu.memory_space<vmem>>
      %dma_start3A_221 = tpu.memref_squeeze %dma_start3A_220 : memref<1x1x80xi32, #tpu.memory_space<vmem>> -> memref<80xi32, #tpu.memory_space<vmem>>
      %dma_start3A_222 = arith.constant 0 : i32
      %dma_start3A_223 = tpu.memref_slice %arg4[%dma_start3A_222] : memref<10240xf32, #tpu.memory_space<vmem_shared>> -> memref<10240xf32, #tpu.memory_space<vmem_shared>>
      tpu.enqueue_indirect_dma source(%arg6 : memref<80xf32, #tpu.memory_space<vmem>>) target(%dma_start3A_223 : memref<10240xf32, #tpu.memory_space<vmem_shared>>) offsets(%dma_start3A_221 : memref<80xi32, #tpu.memory_space<vmem>>) semaphore(%arg7 : memref<!tpu.dma_semaphore, #tpu.memory_space<semaphore_mem>>) {add = true}
      %mul3A_224 = arith.constant 25 : i32
      %mul3A_225 = arith.muli %scan3A_84, %mul3A_224 : i32
      %add3A_226 = arith.constant 14 : i32
      %add3A_227 = arith.addi %mul3A_225, %add3A_226 : i32
      %dma_start3A_228 = arith.constant 1 : i32
      %dma_start3A_229 = arith.constant 0 : i32
      %dma_start3A_230 = tpu.memref_slice %arg5[%dma_start3A_228, %add3A_227, %dma_start3A_229] : memref<2x125x80xi32, #tpu.memory_space<vmem>> -> memref<1x1x80xi32, #tpu.memory_space<vmem>>
      %dma_start3A_231 = tpu.memref_squeeze %dma_start3A_230 : memref<1x1x80xi32, #tpu.memory_space<vmem>> -> memref<80xi32, #tpu.memory_space<vmem>>
      %dma_start3A_232 = arith.constant 0 : i32
      %dma_start3A_233 = tpu.memref_slice %arg4[%dma_start3A_232] : memref<10240xf32, #tpu.memory_space<vmem_shared>> -> memref<10240xf32, #tpu.memory_space<vmem_shared>>
      tpu.enqueue_indirect_dma source(%arg6 : memref<80xf32, #tpu.memory_space<vmem>>) target(%dma_start3A_233 : memref<10240xf32, #tpu.memory_space<vmem_shared>>) offsets(%dma_start3A_231 : memref<80xi32, #tpu.memory_space<vmem>>) semaphore(%arg7 : memref<!tpu.dma_semaphore, #tpu.memory_space<semaphore_mem>>) {add = true}
      %mul3A_234 = arith.constant 25 : i32
      %mul3A_235 = arith.muli %scan3A_84, %mul3A_234 : i32
      %add3A_236 = arith.constant 15 : i32
      %add3A_237 = arith.addi %mul3A_235, %add3A_236 : i32
      %dma_start3A_238 = arith.constant 1 : i32
      %dma_start3A_239 = arith.constant 0 : i32
      %dma_start3A_240 = tpu.memref_slice %arg5[%dma_start3A_238, %add3A_237, %dma_start3A_239] : memref<2x125x80xi32, #tpu.memory_space<vmem>> -> memref<1x1x80xi32, #tpu.memory_space<vmem>>
      %dma_start3A_241 = tpu.memref_squeeze %dma_start3A_240 : memref<1x1x80xi32, #tpu.memory_space<vmem>> -> memref<80xi32, #tpu.memory_space<vmem>>
      %dma_start3A_242 = arith.constant 0 : i32
      %dma_start3A_243 = tpu.memref_slice %arg4[%dma_start3A_242] : memref<10240xf32, #tpu.memory_space<vmem_shared>> -> memref<10240xf32, #tpu.memory_space<vmem_shared>>
      tpu.enqueue_indirect_dma source(%arg6 : memref<80xf32, #tpu.memory_space<vmem>>) target(%dma_start3A_243 : memref<10240xf32, #tpu.memory_space<vmem_shared>>) offsets(%dma_start3A_241 : memref<80xi32, #tpu.memory_space<vmem>>) semaphore(%arg7 : memref<!tpu.dma_semaphore, #tpu.memory_space<semaphore_mem>>) {add = true}
      %mul3A_244 = arith.constant 25 : i32
      %mul3A_245 = arith.muli %scan3A_84, %mul3A_244 : i32
      %add3A_246 = arith.constant 16 : i32
      %add3A_247 = arith.addi %mul3A_245, %add3A_246 : i32
      %dma_start3A_248 = arith.constant 1 : i32
      %dma_start3A_249 = arith.constant 0 : i32
      %dma_start3A_250 = tpu.memref_slice %arg5[%dma_start3A_248, %add3A_247, %dma_start3A_249] : memref<2x125x80xi32, #tpu.memory_space<vmem>> -> memref<1x1x80xi32, #tpu.memory_space<vmem>>
      %dma_start3A_251 = tpu.memref_squeeze %dma_start3A_250 : memref<1x1x80xi32, #tpu.memory_space<vmem>> -> memref<80xi32, #tpu.memory_space<vmem>>
      %dma_start3A_252 = arith.constant 0 : i32
      %dma_start3A_253 = tpu.memref_slice %arg4[%dma_start3A_252] : memref<10240xf32, #tpu.memory_space<vmem_shared>> -> memref<10240xf32, #tpu.memory_space<vmem_shared>>
      tpu.enqueue_indirect_dma source(%arg6 : memref<80xf32, #tpu.memory_space<vmem>>) target(%dma_start3A_253 : memref<10240xf32, #tpu.memory_space<vmem_shared>>) offsets(%dma_start3A_251 : memref<80xi32, #tpu.memory_space<vmem>>) semaphore(%arg7 : memref<!tpu.dma_semaphore, #tpu.memory_space<semaphore_mem>>) {add = true}
      %mul3A_254 = arith.constant 25 : i32
      %mul3A_255 = arith.muli %scan3A_84, %mul3A_254 : i32
      %add3A_256 = arith.constant 17 : i32
      %add3A_257 = arith.addi %mul3A_255, %add3A_256 : i32
      %dma_start3A_258 = arith.constant 1 : i32
      %dma_start3A_259 = arith.constant 0 : i32
      %dma_start3A_260 = tpu.memref_slice %arg5[%dma_start3A_258, %add3A_257, %dma_start3A_259] : memref<2x125x80xi32, #tpu.memory_space<vmem>> -> memref<1x1x80xi32, #tpu.memory_space<vmem>>
      %dma_start3A_261 = tpu.memref_squeeze %dma_start3A_260 : memref<1x1x80xi32, #tpu.memory_space<vmem>> -> memref<80xi32, #tpu.memory_space<vmem>>
      %dma_start3A_262 = arith.constant 0 : i32
      %dma_start3A_263 = tpu.memref_slice %arg4[%dma_start3A_262] : memref<10240xf32, #tpu.memory_space<vmem_shared>> -> memref<10240xf32, #tpu.memory_space<vmem_shared>>
      tpu.enqueue_indirect_dma source(%arg6 : memref<80xf32, #tpu.memory_space<vmem>>) target(%dma_start3A_263 : memref<10240xf32, #tpu.memory_space<vmem_shared>>) offsets(%dma_start3A_261 : memref<80xi32, #tpu.memory_space<vmem>>) semaphore(%arg7 : memref<!tpu.dma_semaphore, #tpu.memory_space<semaphore_mem>>) {add = true}
      %mul3A_264 = arith.constant 25 : i32
      %mul3A_265 = arith.muli %scan3A_84, %mul3A_264 : i32
      %add3A_266 = arith.constant 18 : i32
      %add3A_267 = arith.addi %mul3A_265, %add3A_266 : i32
      %dma_start3A_268 = arith.constant 1 : i32
      %dma_start3A_269 = arith.constant 0 : i32
      %dma_start3A_270 = tpu.memref_slice %arg5[%dma_start3A_268, %add3A_267, %dma_start3A_269] : memref<2x125x80xi32, #tpu.memory_space<vmem>> -> memref<1x1x80xi32, #tpu.memory_space<vmem>>
      %dma_start3A_271 = tpu.memref_squeeze %dma_start3A_270 : memref<1x1x80xi32, #tpu.memory_space<vmem>> -> memref<80xi32, #tpu.memory_space<vmem>>
      %dma_start3A_272 = arith.constant 0 : i32
      %dma_start3A_273 = tpu.memref_slice %arg4[%dma_start3A_272] : memref<10240xf32, #tpu.memory_space<vmem_shared>> -> memref<10240xf32, #tpu.memory_space<vmem_shared>>
      tpu.enqueue_indirect_dma source(%arg6 : memref<80xf32, #tpu.memory_space<vmem>>) target(%dma_start3A_273 : memref<10240xf32, #tpu.memory_space<vmem_shared>>) offsets(%dma_start3A_271 : memref<80xi32, #tpu.memory_space<vmem>>) semaphore(%arg7 : memref<!tpu.dma_semaphore, #tpu.memory_space<semaphore_mem>>) {add = true}
      %mul3A_274 = arith.constant 25 : i32
      %mul3A_275 = arith.muli %scan3A_84, %mul3A_274 : i32
      %add3A_276 = arith.constant 19 : i32
      %add3A_277 = arith.addi %mul3A_275, %add3A_276 : i32
      %dma_start3A_278 = arith.constant 1 : i32
      %dma_start3A_279 = arith.constant 0 : i32
      %dma_start3A_280 = tpu.memref_slice %arg5[%dma_start3A_278, %add3A_277, %dma_start3A_279] : memref<2x125x80xi32, #tpu.memory_space<vmem>> -> memref<1x1x80xi32, #tpu.memory_space<vmem>>
      %dma_start3A_281 = tpu.memref_squeeze %dma_start3A_280 : memref<1x1x80xi32, #tpu.memory_space<vmem>> -> memref<80xi32, #tpu.memory_space<vmem>>
      %dma_start3A_282 = arith.constant 0 : i32
      %dma_start3A_283 = tpu.memref_slice %arg4[%dma_start3A_282] : memref<10240xf32, #tpu.memory_space<vmem_shared>> -> memref<10240xf32, #tpu.memory_space<vmem_shared>>
      tpu.enqueue_indirect_dma source(%arg6 : memref<80xf32, #tpu.memory_space<vmem>>) target(%dma_start3A_283 : memref<10240xf32, #tpu.memory_space<vmem_shared>>) offsets(%dma_start3A_281 : memref<80xi32, #tpu.memory_space<vmem>>) semaphore(%arg7 : memref<!tpu.dma_semaphore, #tpu.memory_space<semaphore_mem>>) {add = true}
      %mul3A_284 = arith.constant 25 : i32
      %mul3A_285 = arith.muli %scan3A_84, %mul3A_284 : i32
      %add3A_286 = arith.constant 20 : i32
      %add3A_287 = arith.addi %mul3A_285, %add3A_286 : i32
      %dma_start3A_288 = arith.constant 1 : i32
      %dma_start3A_289 = arith.constant 0 : i32
      %dma_start3A_290 = tpu.memref_slice %arg5[%dma_start3A_288, %add3A_287, %dma_start3A_289] : memref<2x125x80xi32, #tpu.memory_space<vmem>> -> memref<1x1x80xi32, #tpu.memory_space<vmem>>
      %dma_start3A_291 = tpu.memref_squeeze %dma_start3A_290 : memref<1x1x80xi32, #tpu.memory_space<vmem>> -> memref<80xi32, #tpu.memory_space<vmem>>
      %dma_start3A_292 = arith.constant 0 : i32
      %dma_start3A_293 = tpu.memref_slice %arg4[%dma_start3A_292] : memref<10240xf32, #tpu.memory_space<vmem_shared>> -> memref<10240xf32, #tpu.memory_space<vmem_shared>>
      tpu.enqueue_indirect_dma source(%arg6 : memref<80xf32, #tpu.memory_space<vmem>>) target(%dma_start3A_293 : memref<10240xf32, #tpu.memory_space<vmem_shared>>) offsets(%dma_start3A_291 : memref<80xi32, #tpu.memory_space<vmem>>) semaphore(%arg7 : memref<!tpu.dma_semaphore, #tpu.memory_space<semaphore_mem>>) {add = true}
      %mul3A_294 = arith.constant 25 : i32
      %mul3A_295 = arith.muli %scan3A_84, %mul3A_294 : i32
      %add3A_296 = arith.constant 21 : i32
      %add3A_297 = arith.addi %mul3A_295, %add3A_296 : i32
      %dma_start3A_298 = arith.constant 1 : i32
      %dma_start3A_299 = arith.constant 0 : i32
      %dma_start3A_300 = tpu.memref_slice %arg5[%dma_start3A_298, %add3A_297, %dma_start3A_299] : memref<2x125x80xi32, #tpu.memory_space<vmem>> -> memref<1x1x80xi32, #tpu.memory_space<vmem>>
      %dma_start3A_301 = tpu.memref_squeeze %dma_start3A_300 : memref<1x1x80xi32, #tpu.memory_space<vmem>> -> memref<80xi32, #tpu.memory_space<vmem>>
      %dma_start3A_302 = arith.constant 0 : i32
      %dma_start3A_303 = tpu.memref_slice %arg4[%dma_start3A_302] : memref<10240xf32, #tpu.memory_space<vmem_shared>> -> memref<10240xf32, #tpu.memory_space<vmem_shared>>
      tpu.enqueue_indirect_dma source(%arg6 : memref<80xf32, #tpu.memory_space<vmem>>) target(%dma_start3A_303 : memref<10240xf32, #tpu.memory_space<vmem_shared>>) offsets(%dma_start3A_301 : memref<80xi32, #tpu.memory_space<vmem>>) semaphore(%arg7 : memref<!tpu.dma_semaphore, #tpu.memory_space<semaphore_mem>>) {add = true}
      %mul3A_304 = arith.constant 25 : i32
      %mul3A_305 = arith.muli %scan3A_84, %mul3A_304 : i32
      %add3A_306 = arith.constant 22 : i32
      %add3A_307 = arith.addi %mul3A_305, %add3A_306 : i32
      %dma_start3A_308 = arith.constant 1 : i32
      %dma_start3A_309 = arith.constant 0 : i32
      %dma_start3A_310 = tpu.memref_slice %arg5[%dma_start3A_308, %add3A_307, %dma_start3A_309] : memref<2x125x80xi32, #tpu.memory_space<vmem>> -> memref<1x1x80xi32, #tpu.memory_space<vmem>>
      %dma_start3A_311 = tpu.memref_squeeze %dma_start3A_310 : memref<1x1x80xi32, #tpu.memory_space<vmem>> -> memref<80xi32, #tpu.memory_space<vmem>>
      %dma_start3A_312 = arith.constant 0 : i32
      %dma_start3A_313 = tpu.memref_slice %arg4[%dma_start3A_312] : memref<10240xf32, #tpu.memory_space<vmem_shared>> -> memref<10240xf32, #tpu.memory_space<vmem_shared>>
      tpu.enqueue_indirect_dma source(%arg6 : memref<80xf32, #tpu.memory_space<vmem>>) target(%dma_start3A_313 : memref<10240xf32, #tpu.memory_space<vmem_shared>>) offsets(%dma_start3A_311 : memref<80xi32, #tpu.memory_space<vmem>>) semaphore(%arg7 : memref<!tpu.dma_semaphore, #tpu.memory_space<semaphore_mem>>) {add = true}
      %mul3A_314 = arith.constant 25 : i32
      %mul3A_315 = arith.muli %scan3A_84, %mul3A_314 : i32
      %add3A_316 = arith.constant 23 : i32
      %add3A_317 = arith.addi %mul3A_315, %add3A_316 : i32
      %dma_start3A_318 = arith.constant 1 : i32
      %dma_start3A_319 = arith.constant 0 : i32
      %dma_start3A_320 = tpu.memref_slice %arg5[%dma_start3A_318, %add3A_317, %dma_start3A_319] : memref<2x125x80xi32, #tpu.memory_space<vmem>> -> memref<1x1x80xi32, #tpu.memory_space<vmem>>
      %dma_start3A_321 = tpu.memref_squeeze %dma_start3A_320 : memref<1x1x80xi32, #tpu.memory_space<vmem>> -> memref<80xi32, #tpu.memory_space<vmem>>
      %dma_start3A_322 = arith.constant 0 : i32
      %dma_start3A_323 = tpu.memref_slice %arg4[%dma_start3A_322] : memref<10240xf32, #tpu.memory_space<vmem_shared>> -> memref<10240xf32, #tpu.memory_space<vmem_shared>>
      tpu.enqueue_indirect_dma source(%arg6 : memref<80xf32, #tpu.memory_space<vmem>>) target(%dma_start3A_323 : memref<10240xf32, #tpu.memory_space<vmem_shared>>) offsets(%dma_start3A_321 : memref<80xi32, #tpu.memory_space<vmem>>) semaphore(%arg7 : memref<!tpu.dma_semaphore, #tpu.memory_space<semaphore_mem>>) {add = true}
      %mul3A_324 = arith.constant 25 : i32
      %mul3A_325 = arith.muli %scan3A_84, %mul3A_324 : i32
      %add3A_326 = arith.constant 24 : i32
      %add3A_327 = arith.addi %mul3A_325, %add3A_326 : i32
      %dma_start3A_328 = arith.constant 1 : i32
      %dma_start3A_329 = arith.constant 0 : i32
      %dma_start3A_330 = tpu.memref_slice %arg5[%dma_start3A_328, %add3A_327, %dma_start3A_329] : memref<2x125x80xi32, #tpu.memory_space<vmem>> -> memref<1x1x80xi32, #tpu.memory_space<vmem>>
      %dma_start3A_331 = tpu.memref_squeeze %dma_start3A_330 : memref<1x1x80xi32, #tpu.memory_space<vmem>> -> memref<80xi32, #tpu.memory_space<vmem>>
      %dma_start3A_332 = arith.constant 0 : i32
      %dma_start3A_333 = tpu.memref_slice %arg4[%dma_start3A_332] : memref<10240xf32, #tpu.memory_space<vmem_shared>> -> memref<10240xf32, #tpu.memory_space<vmem_shared>>
      tpu.enqueue_indirect_dma source(%arg6 : memref<80xf32, #tpu.memory_space<vmem>>) target(%dma_start3A_333 : memref<10240xf32, #tpu.memory_space<vmem_shared>>) offsets(%dma_start3A_331 : memref<80xi32, #tpu.memory_space<vmem>>) semaphore(%arg7 : memref<!tpu.dma_semaphore, #tpu.memory_space<semaphore_mem>>) {add = true}
      %mul3A_334 = arith.constant 25 : i32
      %mul3A_335 = arith.muli %scan3A_84, %mul3A_334 : i32
      %add3A_336 = arith.constant 0 : i32
      %add3A_337 = arith.addi %mul3A_335, %add3A_336 : i32
      %dma_wait3A = arith.constant 1 : i32
      %dma_wait3A_338 = arith.constant 0 : i32
      %dma_wait3A_339 = tpu.memref_slice %arg5[%dma_wait3A, %add3A_337, %dma_wait3A_338] : memref<2x125x80xi32, #tpu.memory_space<vmem>> -> memref<1x1x80xi32, #tpu.memory_space<vmem>>
      %dma_wait3A_340 = tpu.memref_squeeze %dma_wait3A_339 : memref<1x1x80xi32, #tpu.memory_space<vmem>> -> memref<80xi32, #tpu.memory_space<vmem>>
      %dma_wait3A_341 = arith.constant 0 : i32
      %dma_wait3A_342 = tpu.memref_slice %arg4[%dma_wait3A_341] : memref<10240xf32, #tpu.memory_space<vmem_shared>> -> memref<10240xf32, #tpu.memory_space<vmem_shared>>
      tpu.wait_indirect_dma semaphore(%arg7 : memref<!tpu.dma_semaphore, #tpu.memory_space<semaphore_mem>>) src(%arg6 : memref<80xf32, #tpu.memory_space<vmem>>) dst(%dma_wait3A_342 : memref<10240xf32, #tpu.memory_space<vmem_shared>>)
      %mul3A_343 = arith.constant 25 : i32
      %mul3A_344 = arith.muli %scan3A_84, %mul3A_343 : i32
      %add3A_345 = arith.constant 1 : i32
      %add3A_346 = arith.addi %mul3A_344, %add3A_345 : i32
      %dma_wait3A_347 = arith.constant 1 : i32
      %dma_wait3A_348 = arith.constant 0 : i32
      %dma_wait3A_349 = tpu.memref_slice %arg5[%dma_wait3A_347, %add3A_346, %dma_wait3A_348] : memref<2x125x80xi32, #tpu.memory_space<vmem>> -> memref<1x1x80xi32, #tpu.memory_space<vmem>>
      %dma_wait3A_350 = tpu.memref_squeeze %dma_wait3A_349 : memref<1x1x80xi32, #tpu.memory_space<vmem>> -> memref<80xi32, #tpu.memory_space<vmem>>
      %dma_wait3A_351 = arith.constant 0 : i32
      %dma_wait3A_352 = tpu.memref_slice %arg4[%dma_wait3A_351] : memref<10240xf32, #tpu.memory_space<vmem_shared>> -> memref<10240xf32, #tpu.memory_space<vmem_shared>>
      tpu.wait_indirect_dma semaphore(%arg7 : memref<!tpu.dma_semaphore, #tpu.memory_space<semaphore_mem>>) src(%arg6 : memref<80xf32, #tpu.memory_space<vmem>>) dst(%dma_wait3A_352 : memref<10240xf32, #tpu.memory_space<vmem_shared>>)
      %mul3A_353 = arith.constant 25 : i32
      %mul3A_354 = arith.muli %scan3A_84, %mul3A_353 : i32
      %add3A_355 = arith.constant 2 : i32
      %add3A_356 = arith.addi %mul3A_354, %add3A_355 : i32
      %dma_wait3A_357 = arith.constant 1 : i32
      %dma_wait3A_358 = arith.constant 0 : i32
      %dma_wait3A_359 = tpu.memref_slice %arg5[%dma_wait3A_357, %add3A_356, %dma_wait3A_358] : memref<2x125x80xi32, #tpu.memory_space<vmem>> -> memref<1x1x80xi32, #tpu.memory_space<vmem>>
      %dma_wait3A_360 = tpu.memref_squeeze %dma_wait3A_359 : memref<1x1x80xi32, #tpu.memory_space<vmem>> -> memref<80xi32, #tpu.memory_space<vmem>>
      %dma_wait3A_361 = arith.constant 0 : i32
      %dma_wait3A_362 = tpu.memref_slice %arg4[%dma_wait3A_361] : memref<10240xf32, #tpu.memory_space<vmem_shared>> -> memref<10240xf32, #tpu.memory_space<vmem_shared>>
      tpu.wait_indirect_dma semaphore(%arg7 : memref<!tpu.dma_semaphore, #tpu.memory_space<semaphore_mem>>) src(%arg6 : memref<80xf32, #tpu.memory_space<vmem>>) dst(%dma_wait3A_362 : memref<10240xf32, #tpu.memory_space<vmem_shared>>)
      %mul3A_363 = arith.constant 25 : i32
      %mul3A_364 = arith.muli %scan3A_84, %mul3A_363 : i32
      %add3A_365 = arith.constant 3 : i32
      %add3A_366 = arith.addi %mul3A_364, %add3A_365 : i32
      %dma_wait3A_367 = arith.constant 1 : i32
      %dma_wait3A_368 = arith.constant 0 : i32
      %dma_wait3A_369 = tpu.memref_slice %arg5[%dma_wait3A_367, %add3A_366, %dma_wait3A_368] : memref<2x125x80xi32, #tpu.memory_space<vmem>> -> memref<1x1x80xi32, #tpu.memory_space<vmem>>
      %dma_wait3A_370 = tpu.memref_squeeze %dma_wait3A_369 : memref<1x1x80xi32, #tpu.memory_space<vmem>> -> memref<80xi32, #tpu.memory_space<vmem>>
      %dma_wait3A_371 = arith.constant 0 : i32
      %dma_wait3A_372 = tpu.memref_slice %arg4[%dma_wait3A_371] : memref<10240xf32, #tpu.memory_space<vmem_shared>> -> memref<10240xf32, #tpu.memory_space<vmem_shared>>
      tpu.wait_indirect_dma semaphore(%arg7 : memref<!tpu.dma_semaphore, #tpu.memory_space<semaphore_mem>>) src(%arg6 : memref<80xf32, #tpu.memory_space<vmem>>) dst(%dma_wait3A_372 : memref<10240xf32, #tpu.memory_space<vmem_shared>>)
      %mul3A_373 = arith.constant 25 : i32
      %mul3A_374 = arith.muli %scan3A_84, %mul3A_373 : i32
      %add3A_375 = arith.constant 4 : i32
      %add3A_376 = arith.addi %mul3A_374, %add3A_375 : i32
      %dma_wait3A_377 = arith.constant 1 : i32
      %dma_wait3A_378 = arith.constant 0 : i32
      %dma_wait3A_379 = tpu.memref_slice %arg5[%dma_wait3A_377, %add3A_376, %dma_wait3A_378] : memref<2x125x80xi32, #tpu.memory_space<vmem>> -> memref<1x1x80xi32, #tpu.memory_space<vmem>>
      %dma_wait3A_380 = tpu.memref_squeeze %dma_wait3A_379 : memref<1x1x80xi32, #tpu.memory_space<vmem>> -> memref<80xi32, #tpu.memory_space<vmem>>
      %dma_wait3A_381 = arith.constant 0 : i32
      %dma_wait3A_382 = tpu.memref_slice %arg4[%dma_wait3A_381] : memref<10240xf32, #tpu.memory_space<vmem_shared>> -> memref<10240xf32, #tpu.memory_space<vmem_shared>>
      tpu.wait_indirect_dma semaphore(%arg7 : memref<!tpu.dma_semaphore, #tpu.memory_space<semaphore_mem>>) src(%arg6 : memref<80xf32, #tpu.memory_space<vmem>>) dst(%dma_wait3A_382 : memref<10240xf32, #tpu.memory_space<vmem_shared>>)
      %mul3A_383 = arith.constant 25 : i32
      %mul3A_384 = arith.muli %scan3A_84, %mul3A_383 : i32
      %add3A_385 = arith.constant 5 : i32
      %add3A_386 = arith.addi %mul3A_384, %add3A_385 : i32
      %dma_wait3A_387 = arith.constant 1 : i32
      %dma_wait3A_388 = arith.constant 0 : i32
      %dma_wait3A_389 = tpu.memref_slice %arg5[%dma_wait3A_387, %add3A_386, %dma_wait3A_388] : memref<2x125x80xi32, #tpu.memory_space<vmem>> -> memref<1x1x80xi32, #tpu.memory_space<vmem>>
      %dma_wait3A_390 = tpu.memref_squeeze %dma_wait3A_389 : memref<1x1x80xi32, #tpu.memory_space<vmem>> -> memref<80xi32, #tpu.memory_space<vmem>>
      %dma_wait3A_391 = arith.constant 0 : i32
      %dma_wait3A_392 = tpu.memref_slice %arg4[%dma_wait3A_391] : memref<10240xf32, #tpu.memory_space<vmem_shared>> -> memref<10240xf32, #tpu.memory_space<vmem_shared>>
      tpu.wait_indirect_dma semaphore(%arg7 : memref<!tpu.dma_semaphore, #tpu.memory_space<semaphore_mem>>) src(%arg6 : memref<80xf32, #tpu.memory_space<vmem>>) dst(%dma_wait3A_392 : memref<10240xf32, #tpu.memory_space<vmem_shared>>)
      %mul3A_393 = arith.constant 25 : i32
      %mul3A_394 = arith.muli %scan3A_84, %mul3A_393 : i32
      %add3A_395 = arith.constant 6 : i32
      %add3A_396 = arith.addi %mul3A_394, %add3A_395 : i32
      %dma_wait3A_397 = arith.constant 1 : i32
      %dma_wait3A_398 = arith.constant 0 : i32
      %dma_wait3A_399 = tpu.memref_slice %arg5[%dma_wait3A_397, %add3A_396, %dma_wait3A_398] : memref<2x125x80xi32, #tpu.memory_space<vmem>> -> memref<1x1x80xi32, #tpu.memory_space<vmem>>
      %dma_wait3A_400 = tpu.memref_squeeze %dma_wait3A_399 : memref<1x1x80xi32, #tpu.memory_space<vmem>> -> memref<80xi32, #tpu.memory_space<vmem>>
      %dma_wait3A_401 = arith.constant 0 : i32
      %dma_wait3A_402 = tpu.memref_slice %arg4[%dma_wait3A_401] : memref<10240xf32, #tpu.memory_space<vmem_shared>> -> memref<10240xf32, #tpu.memory_space<vmem_shared>>
      tpu.wait_indirect_dma semaphore(%arg7 : memref<!tpu.dma_semaphore, #tpu.memory_space<semaphore_mem>>) src(%arg6 : memref<80xf32, #tpu.memory_space<vmem>>) dst(%dma_wait3A_402 : memref<10240xf32, #tpu.memory_space<vmem_shared>>)
      %mul3A_403 = arith.constant 25 : i32
      %mul3A_404 = arith.muli %scan3A_84, %mul3A_403 : i32
      %add3A_405 = arith.constant 7 : i32
      %add3A_406 = arith.addi %mul3A_404, %add3A_405 : i32
      %dma_wait3A_407 = arith.constant 1 : i32
      %dma_wait3A_408 = arith.constant 0 : i32
      %dma_wait3A_409 = tpu.memref_slice %arg5[%dma_wait3A_407, %add3A_406, %dma_wait3A_408] : memref<2x125x80xi32, #tpu.memory_space<vmem>> -> memref<1x1x80xi32, #tpu.memory_space<vmem>>
      %dma_wait3A_410 = tpu.memref_squeeze %dma_wait3A_409 : memref<1x1x80xi32, #tpu.memory_space<vmem>> -> memref<80xi32, #tpu.memory_space<vmem>>
      %dma_wait3A_411 = arith.constant 0 : i32
      %dma_wait3A_412 = tpu.memref_slice %arg4[%dma_wait3A_411] : memref<10240xf32, #tpu.memory_space<vmem_shared>> -> memref<10240xf32, #tpu.memory_space<vmem_shared>>
      tpu.wait_indirect_dma semaphore(%arg7 : memref<!tpu.dma_semaphore, #tpu.memory_space<semaphore_mem>>) src(%arg6 : memref<80xf32, #tpu.memory_space<vmem>>) dst(%dma_wait3A_412 : memref<10240xf32, #tpu.memory_space<vmem_shared>>)
      %mul3A_413 = arith.constant 25 : i32
      %mul3A_414 = arith.muli %scan3A_84, %mul3A_413 : i32
      %add3A_415 = arith.constant 8 : i32
      %add3A_416 = arith.addi %mul3A_414, %add3A_415 : i32
      %dma_wait3A_417 = arith.constant 1 : i32
      %dma_wait3A_418 = arith.constant 0 : i32
      %dma_wait3A_419 = tpu.memref_slice %arg5[%dma_wait3A_417, %add3A_416, %dma_wait3A_418] : memref<2x125x80xi32, #tpu.memory_space<vmem>> -> memref<1x1x80xi32, #tpu.memory_space<vmem>>
      %dma_wait3A_420 = tpu.memref_squeeze %dma_wait3A_419 : memref<1x1x80xi32, #tpu.memory_space<vmem>> -> memref<80xi32, #tpu.memory_space<vmem>>
      %dma_wait3A_421 = arith.constant 0 : i32
      %dma_wait3A_422 = tpu.memref_slice %arg4[%dma_wait3A_421] : memref<10240xf32, #tpu.memory_space<vmem_shared>> -> memref<10240xf32, #tpu.memory_space<vmem_shared>>
      tpu.wait_indirect_dma semaphore(%arg7 : memref<!tpu.dma_semaphore, #tpu.memory_space<semaphore_mem>>) src(%arg6 : memref<80xf32, #tpu.memory_space<vmem>>) dst(%dma_wait3A_422 : memref<10240xf32, #tpu.memory_space<vmem_shared>>)
      %mul3A_423 = arith.constant 25 : i32
      %mul3A_424 = arith.muli %scan3A_84, %mul3A_423 : i32
      %add3A_425 = arith.constant 9 : i32
      %add3A_426 = arith.addi %mul3A_424, %add3A_425 : i32
      %dma_wait3A_427 = arith.constant 1 : i32
      %dma_wait3A_428 = arith.constant 0 : i32
      %dma_wait3A_429 = tpu.memref_slice %arg5[%dma_wait3A_427, %add3A_426, %dma_wait3A_428] : memref<2x125x80xi32, #tpu.memory_space<vmem>> -> memref<1x1x80xi32, #tpu.memory_space<vmem>>
      %dma_wait3A_430 = tpu.memref_squeeze %dma_wait3A_429 : memref<1x1x80xi32, #tpu.memory_space<vmem>> -> memref<80xi32, #tpu.memory_space<vmem>>
      %dma_wait3A_431 = arith.constant 0 : i32
      %dma_wait3A_432 = tpu.memref_slice %arg4[%dma_wait3A_431] : memref<10240xf32, #tpu.memory_space<vmem_shared>> -> memref<10240xf32, #tpu.memory_space<vmem_shared>>
      tpu.wait_indirect_dma semaphore(%arg7 : memref<!tpu.dma_semaphore, #tpu.memory_space<semaphore_mem>>) src(%arg6 : memref<80xf32, #tpu.memory_space<vmem>>) dst(%dma_wait3A_432 : memref<10240xf32, #tpu.memory_space<vmem_shared>>)
      %mul3A_433 = arith.constant 25 : i32
      %mul3A_434 = arith.muli %scan3A_84, %mul3A_433 : i32
      %add3A_435 = arith.constant 10 : i32
      %add3A_436 = arith.addi %mul3A_434, %add3A_435 : i32
      %dma_wait3A_437 = arith.constant 1 : i32
      %dma_wait3A_438 = arith.constant 0 : i32
      %dma_wait3A_439 = tpu.memref_slice %arg5[%dma_wait3A_437, %add3A_436, %dma_wait3A_438] : memref<2x125x80xi32, #tpu.memory_space<vmem>> -> memref<1x1x80xi32, #tpu.memory_space<vmem>>
      %dma_wait3A_440 = tpu.memref_squeeze %dma_wait3A_439 : memref<1x1x80xi32, #tpu.memory_space<vmem>> -> memref<80xi32, #tpu.memory_space<vmem>>
      %dma_wait3A_441 = arith.constant 0 : i32
      %dma_wait3A_442 = tpu.memref_slice %arg4[%dma_wait3A_441] : memref<10240xf32, #tpu.memory_space<vmem_shared>> -> memref<10240xf32, #tpu.memory_space<vmem_shared>>
      tpu.wait_indirect_dma semaphore(%arg7 : memref<!tpu.dma_semaphore, #tpu.memory_space<semaphore_mem>>) src(%arg6 : memref<80xf32, #tpu.memory_space<vmem>>) dst(%dma_wait3A_442 : memref<10240xf32, #tpu.memory_space<vmem_shared>>)
      %mul3A_443 = arith.constant 25 : i32
      %mul3A_444 = arith.muli %scan3A_84, %mul3A_443 : i32
      %add3A_445 = arith.constant 11 : i32
      %add3A_446 = arith.addi %mul3A_444, %add3A_445 : i32
      %dma_wait3A_447 = arith.constant 1 : i32
      %dma_wait3A_448 = arith.constant 0 : i32
      %dma_wait3A_449 = tpu.memref_slice %arg5[%dma_wait3A_447, %add3A_446, %dma_wait3A_448] : memref<2x125x80xi32, #tpu.memory_space<vmem>> -> memref<1x1x80xi32, #tpu.memory_space<vmem>>
      %dma_wait3A_450 = tpu.memref_squeeze %dma_wait3A_449 : memref<1x1x80xi32, #tpu.memory_space<vmem>> -> memref<80xi32, #tpu.memory_space<vmem>>
      %dma_wait3A_451 = arith.constant 0 : i32
      %dma_wait3A_452 = tpu.memref_slice %arg4[%dma_wait3A_451] : memref<10240xf32, #tpu.memory_space<vmem_shared>> -> memref<10240xf32, #tpu.memory_space<vmem_shared>>
      tpu.wait_indirect_dma semaphore(%arg7 : memref<!tpu.dma_semaphore, #tpu.memory_space<semaphore_mem>>) src(%arg6 : memref<80xf32, #tpu.memory_space<vmem>>) dst(%dma_wait3A_452 : memref<10240xf32, #tpu.memory_space<vmem_shared>>)
      %mul3A_453 = arith.constant 25 : i32
      %mul3A_454 = arith.muli %scan3A_84, %mul3A_453 : i32
      %add3A_455 = arith.constant 12 : i32
      %add3A_456 = arith.addi %mul3A_454, %add3A_455 : i32
      %dma_wait3A_457 = arith.constant 1 : i32
      %dma_wait3A_458 = arith.constant 0 : i32
      %dma_wait3A_459 = tpu.memref_slice %arg5[%dma_wait3A_457, %add3A_456, %dma_wait3A_458] : memref<2x125x80xi32, #tpu.memory_space<vmem>> -> memref<1x1x80xi32, #tpu.memory_space<vmem>>
      %dma_wait3A_460 = tpu.memref_squeeze %dma_wait3A_459 : memref<1x1x80xi32, #tpu.memory_space<vmem>> -> memref<80xi32, #tpu.memory_space<vmem>>
      %dma_wait3A_461 = arith.constant 0 : i32
      %dma_wait3A_462 = tpu.memref_slice %arg4[%dma_wait3A_461] : memref<10240xf32, #tpu.memory_space<vmem_shared>> -> memref<10240xf32, #tpu.memory_space<vmem_shared>>
      tpu.wait_indirect_dma semaphore(%arg7 : memref<!tpu.dma_semaphore, #tpu.memory_space<semaphore_mem>>) src(%arg6 : memref<80xf32, #tpu.memory_space<vmem>>) dst(%dma_wait3A_462 : memref<10240xf32, #tpu.memory_space<vmem_shared>>)
      %mul3A_463 = arith.constant 25 : i32
      %mul3A_464 = arith.muli %scan3A_84, %mul3A_463 : i32
      %add3A_465 = arith.constant 13 : i32
      %add3A_466 = arith.addi %mul3A_464, %add3A_465 : i32
      %dma_wait3A_467 = arith.constant 1 : i32
      %dma_wait3A_468 = arith.constant 0 : i32
      %dma_wait3A_469 = tpu.memref_slice %arg5[%dma_wait3A_467, %add3A_466, %dma_wait3A_468] : memref<2x125x80xi32, #tpu.memory_space<vmem>> -> memref<1x1x80xi32, #tpu.memory_space<vmem>>
      %dma_wait3A_470 = tpu.memref_squeeze %dma_wait3A_469 : memref<1x1x80xi32, #tpu.memory_space<vmem>> -> memref<80xi32, #tpu.memory_space<vmem>>
      %dma_wait3A_471 = arith.constant 0 : i32
      %dma_wait3A_472 = tpu.memref_slice %arg4[%dma_wait3A_471] : memref<10240xf32, #tpu.memory_space<vmem_shared>> -> memref<10240xf32, #tpu.memory_space<vmem_shared>>
      tpu.wait_indirect_dma semaphore(%arg7 : memref<!tpu.dma_semaphore, #tpu.memory_space<semaphore_mem>>) src(%arg6 : memref<80xf32, #tpu.memory_space<vmem>>) dst(%dma_wait3A_472 : memref<10240xf32, #tpu.memory_space<vmem_shared>>)
      %mul3A_473 = arith.constant 25 : i32
      %mul3A_474 = arith.muli %scan3A_84, %mul3A_473 : i32
      %add3A_475 = arith.constant 14 : i32
      %add3A_476 = arith.addi %mul3A_474, %add3A_475 : i32
      %dma_wait3A_477 = arith.constant 1 : i32
      %dma_wait3A_478 = arith.constant 0 : i32
      %dma_wait3A_479 = tpu.memref_slice %arg5[%dma_wait3A_477, %add3A_476, %dma_wait3A_478] : memref<2x125x80xi32, #tpu.memory_space<vmem>> -> memref<1x1x80xi32, #tpu.memory_space<vmem>>
      %dma_wait3A_480 = tpu.memref_squeeze %dma_wait3A_479 : memref<1x1x80xi32, #tpu.memory_space<vmem>> -> memref<80xi32, #tpu.memory_space<vmem>>
      %dma_wait3A_481 = arith.constant 0 : i32
      %dma_wait3A_482 = tpu.memref_slice %arg4[%dma_wait3A_481] : memref<10240xf32, #tpu.memory_space<vmem_shared>> -> memref<10240xf32, #tpu.memory_space<vmem_shared>>
      tpu.wait_indirect_dma semaphore(%arg7 : memref<!tpu.dma_semaphore, #tpu.memory_space<semaphore_mem>>) src(%arg6 : memref<80xf32, #tpu.memory_space<vmem>>) dst(%dma_wait3A_482 : memref<10240xf32, #tpu.memory_space<vmem_shared>>)
      %mul3A_483 = arith.constant 25 : i32
      %mul3A_484 = arith.muli %scan3A_84, %mul3A_483 : i32
      %add3A_485 = arith.constant 15 : i32
      %add3A_486 = arith.addi %mul3A_484, %add3A_485 : i32
      %dma_wait3A_487 = arith.constant 1 : i32
      %dma_wait3A_488 = arith.constant 0 : i32
      %dma_wait3A_489 = tpu.memref_slice %arg5[%dma_wait3A_487, %add3A_486, %dma_wait3A_488] : memref<2x125x80xi32, #tpu.memory_space<vmem>> -> memref<1x1x80xi32, #tpu.memory_space<vmem>>
      %dma_wait3A_490 = tpu.memref_squeeze %dma_wait3A_489 : memref<1x1x80xi32, #tpu.memory_space<vmem>> -> memref<80xi32, #tpu.memory_space<vmem>>
      %dma_wait3A_491 = arith.constant 0 : i32
      %dma_wait3A_492 = tpu.memref_slice %arg4[%dma_wait3A_491] : memref<10240xf32, #tpu.memory_space<vmem_shared>> -> memref<10240xf32, #tpu.memory_space<vmem_shared>>
      tpu.wait_indirect_dma semaphore(%arg7 : memref<!tpu.dma_semaphore, #tpu.memory_space<semaphore_mem>>) src(%arg6 : memref<80xf32, #tpu.memory_space<vmem>>) dst(%dma_wait3A_492 : memref<10240xf32, #tpu.memory_space<vmem_shared>>)
      %mul3A_493 = arith.constant 25 : i32
      %mul3A_494 = arith.muli %scan3A_84, %mul3A_493 : i32
      %add3A_495 = arith.constant 16 : i32
      %add3A_496 = arith.addi %mul3A_494, %add3A_495 : i32
      %dma_wait3A_497 = arith.constant 1 : i32
      %dma_wait3A_498 = arith.constant 0 : i32
      %dma_wait3A_499 = tpu.memref_slice %arg5[%dma_wait3A_497, %add3A_496, %dma_wait3A_498] : memref<2x125x80xi32, #tpu.memory_space<vmem>> -> memref<1x1x80xi32, #tpu.memory_space<vmem>>
      %dma_wait3A_500 = tpu.memref_squeeze %dma_wait3A_499 : memref<1x1x80xi32, #tpu.memory_space<vmem>> -> memref<80xi32, #tpu.memory_space<vmem>>
      %dma_wait3A_501 = arith.constant 0 : i32
      %dma_wait3A_502 = tpu.memref_slice %arg4[%dma_wait3A_501] : memref<10240xf32, #tpu.memory_space<vmem_shared>> -> memref<10240xf32, #tpu.memory_space<vmem_shared>>
      tpu.wait_indirect_dma semaphore(%arg7 : memref<!tpu.dma_semaphore, #tpu.memory_space<semaphore_mem>>) src(%arg6 : memref<80xf32, #tpu.memory_space<vmem>>) dst(%dma_wait3A_502 : memref<10240xf32, #tpu.memory_space<vmem_shared>>)
      %mul3A_503 = arith.constant 25 : i32
      %mul3A_504 = arith.muli %scan3A_84, %mul3A_503 : i32
      %add3A_505 = arith.constant 17 : i32
      %add3A_506 = arith.addi %mul3A_504, %add3A_505 : i32
      %dma_wait3A_507 = arith.constant 1 : i32
      %dma_wait3A_508 = arith.constant 0 : i32
      %dma_wait3A_509 = tpu.memref_slice %arg5[%dma_wait3A_507, %add3A_506, %dma_wait3A_508] : memref<2x125x80xi32, #tpu.memory_space<vmem>> -> memref<1x1x80xi32, #tpu.memory_space<vmem>>
      %dma_wait3A_510 = tpu.memref_squeeze %dma_wait3A_509 : memref<1x1x80xi32, #tpu.memory_space<vmem>> -> memref<80xi32, #tpu.memory_space<vmem>>
      %dma_wait3A_511 = arith.constant 0 : i32
      %dma_wait3A_512 = tpu.memref_slice %arg4[%dma_wait3A_511] : memref<10240xf32, #tpu.memory_space<vmem_shared>> -> memref<10240xf32, #tpu.memory_space<vmem_shared>>
      tpu.wait_indirect_dma semaphore(%arg7 : memref<!tpu.dma_semaphore, #tpu.memory_space<semaphore_mem>>) src(%arg6 : memref<80xf32, #tpu.memory_space<vmem>>) dst(%dma_wait3A_512 : memref<10240xf32, #tpu.memory_space<vmem_shared>>)
      %mul3A_513 = arith.constant 25 : i32
      %mul3A_514 = arith.muli %scan3A_84, %mul3A_513 : i32
      %add3A_515 = arith.constant 18 : i32
      %add3A_516 = arith.addi %mul3A_514, %add3A_515 : i32
      %dma_wait3A_517 = arith.constant 1 : i32
      %dma_wait3A_518 = arith.constant 0 : i32
      %dma_wait3A_519 = tpu.memref_slice %arg5[%dma_wait3A_517, %add3A_516, %dma_wait3A_518] : memref<2x125x80xi32, #tpu.memory_space<vmem>> -> memref<1x1x80xi32, #tpu.memory_space<vmem>>
      %dma_wait3A_520 = tpu.memref_squeeze %dma_wait3A_519 : memref<1x1x80xi32, #tpu.memory_space<vmem>> -> memref<80xi32, #tpu.memory_space<vmem>>
      %dma_wait3A_521 = arith.constant 0 : i32
      %dma_wait3A_522 = tpu.memref_slice %arg4[%dma_wait3A_521] : memref<10240xf32, #tpu.memory_space<vmem_shared>> -> memref<10240xf32, #tpu.memory_space<vmem_shared>>
      tpu.wait_indirect_dma semaphore(%arg7 : memref<!tpu.dma_semaphore, #tpu.memory_space<semaphore_mem>>) src(%arg6 : memref<80xf32, #tpu.memory_space<vmem>>) dst(%dma_wait3A_522 : memref<10240xf32, #tpu.memory_space<vmem_shared>>)
      %mul3A_523 = arith.constant 25 : i32
      %mul3A_524 = arith.muli %scan3A_84, %mul3A_523 : i32
      %add3A_525 = arith.constant 19 : i32
      %add3A_526 = arith.addi %mul3A_524, %add3A_525 : i32
      %dma_wait3A_527 = arith.constant 1 : i32
      %dma_wait3A_528 = arith.constant 0 : i32
      %dma_wait3A_529 = tpu.memref_slice %arg5[%dma_wait3A_527, %add3A_526, %dma_wait3A_528] : memref<2x125x80xi32, #tpu.memory_space<vmem>> -> memref<1x1x80xi32, #tpu.memory_space<vmem>>
      %dma_wait3A_530 = tpu.memref_squeeze %dma_wait3A_529 : memref<1x1x80xi32, #tpu.memory_space<vmem>> -> memref<80xi32, #tpu.memory_space<vmem>>
      %dma_wait3A_531 = arith.constant 0 : i32
      %dma_wait3A_532 = tpu.memref_slice %arg4[%dma_wait3A_531] : memref<10240xf32, #tpu.memory_space<vmem_shared>> -> memref<10240xf32, #tpu.memory_space<vmem_shared>>
      tpu.wait_indirect_dma semaphore(%arg7 : memref<!tpu.dma_semaphore, #tpu.memory_space<semaphore_mem>>) src(%arg6 : memref<80xf32, #tpu.memory_space<vmem>>) dst(%dma_wait3A_532 : memref<10240xf32, #tpu.memory_space<vmem_shared>>)
      %mul3A_533 = arith.constant 25 : i32
      %mul3A_534 = arith.muli %scan3A_84, %mul3A_533 : i32
      %add3A_535 = arith.constant 20 : i32
      %add3A_536 = arith.addi %mul3A_534, %add3A_535 : i32
      %dma_wait3A_537 = arith.constant 1 : i32
      %dma_wait3A_538 = arith.constant 0 : i32
      %dma_wait3A_539 = tpu.memref_slice %arg5[%dma_wait3A_537, %add3A_536, %dma_wait3A_538] : memref<2x125x80xi32, #tpu.memory_space<vmem>> -> memref<1x1x80xi32, #tpu.memory_space<vmem>>
      %dma_wait3A_540 = tpu.memref_squeeze %dma_wait3A_539 : memref<1x1x80xi32, #tpu.memory_space<vmem>> -> memref<80xi32, #tpu.memory_space<vmem>>
      %dma_wait3A_541 = arith.constant 0 : i32
      %dma_wait3A_542 = tpu.memref_slice %arg4[%dma_wait3A_541] : memref<10240xf32, #tpu.memory_space<vmem_shared>> -> memref<10240xf32, #tpu.memory_space<vmem_shared>>
      tpu.wait_indirect_dma semaphore(%arg7 : memref<!tpu.dma_semaphore, #tpu.memory_space<semaphore_mem>>) src(%arg6 : memref<80xf32, #tpu.memory_space<vmem>>) dst(%dma_wait3A_542 : memref<10240xf32, #tpu.memory_space<vmem_shared>>)
      %mul3A_543 = arith.constant 25 : i32
      %mul3A_544 = arith.muli %scan3A_84, %mul3A_543 : i32
      %add3A_545 = arith.constant 21 : i32
      %add3A_546 = arith.addi %mul3A_544, %add3A_545 : i32
      %dma_wait3A_547 = arith.constant 1 : i32
      %dma_wait3A_548 = arith.constant 0 : i32
      %dma_wait3A_549 = tpu.memref_slice %arg5[%dma_wait3A_547, %add3A_546, %dma_wait3A_548] : memref<2x125x80xi32, #tpu.memory_space<vmem>> -> memref<1x1x80xi32, #tpu.memory_space<vmem>>
      %dma_wait3A_550 = tpu.memref_squeeze %dma_wait3A_549 : memref<1x1x80xi32, #tpu.memory_space<vmem>> -> memref<80xi32, #tpu.memory_space<vmem>>
      %dma_wait3A_551 = arith.constant 0 : i32
      %dma_wait3A_552 = tpu.memref_slice %arg4[%dma_wait3A_551] : memref<10240xf32, #tpu.memory_space<vmem_shared>> -> memref<10240xf32, #tpu.memory_space<vmem_shared>>
      tpu.wait_indirect_dma semaphore(%arg7 : memref<!tpu.dma_semaphore, #tpu.memory_space<semaphore_mem>>) src(%arg6 : memref<80xf32, #tpu.memory_space<vmem>>) dst(%dma_wait3A_552 : memref<10240xf32, #tpu.memory_space<vmem_shared>>)
      %mul3A_553 = arith.constant 25 : i32
      %mul3A_554 = arith.muli %scan3A_84, %mul3A_553 : i32
      %add3A_555 = arith.constant 22 : i32
      %add3A_556 = arith.addi %mul3A_554, %add3A_555 : i32
      %dma_wait3A_557 = arith.constant 1 : i32
      %dma_wait3A_558 = arith.constant 0 : i32
      %dma_wait3A_559 = tpu.memref_slice %arg5[%dma_wait3A_557, %add3A_556, %dma_wait3A_558] : memref<2x125x80xi32, #tpu.memory_space<vmem>> -> memref<1x1x80xi32, #tpu.memory_space<vmem>>
      %dma_wait3A_560 = tpu.memref_squeeze %dma_wait3A_559 : memref<1x1x80xi32, #tpu.memory_space<vmem>> -> memref<80xi32, #tpu.memory_space<vmem>>
      %dma_wait3A_561 = arith.constant 0 : i32
      %dma_wait3A_562 = tpu.memref_slice %arg4[%dma_wait3A_561] : memref<10240xf32, #tpu.memory_space<vmem_shared>> -> memref<10240xf32, #tpu.memory_space<vmem_shared>>
      tpu.wait_indirect_dma semaphore(%arg7 : memref<!tpu.dma_semaphore, #tpu.memory_space<semaphore_mem>>) src(%arg6 : memref<80xf32, #tpu.memory_space<vmem>>) dst(%dma_wait3A_562 : memref<10240xf32, #tpu.memory_space<vmem_shared>>)
      %mul3A_563 = arith.constant 25 : i32
      %mul3A_564 = arith.muli %scan3A_84, %mul3A_563 : i32
      %add3A_565 = arith.constant 23 : i32
      %add3A_566 = arith.addi %mul3A_564, %add3A_565 : i32
      %dma_wait3A_567 = arith.constant 1 : i32
      %dma_wait3A_568 = arith.constant 0 : i32
      %dma_wait3A_569 = tpu.memref_slice %arg5[%dma_wait3A_567, %add3A_566, %dma_wait3A_568] : memref<2x125x80xi32, #tpu.memory_space<vmem>> -> memref<1x1x80xi32, #tpu.memory_space<vmem>>
      %dma_wait3A_570 = tpu.memref_squeeze %dma_wait3A_569 : memref<1x1x80xi32, #tpu.memory_space<vmem>> -> memref<80xi32, #tpu.memory_space<vmem>>
      %dma_wait3A_571 = arith.constant 0 : i32
      %dma_wait3A_572 = tpu.memref_slice %arg4[%dma_wait3A_571] : memref<10240xf32, #tpu.memory_space<vmem_shared>> -> memref<10240xf32, #tpu.memory_space<vmem_shared>>
      tpu.wait_indirect_dma semaphore(%arg7 : memref<!tpu.dma_semaphore, #tpu.memory_space<semaphore_mem>>) src(%arg6 : memref<80xf32, #tpu.memory_space<vmem>>) dst(%dma_wait3A_572 : memref<10240xf32, #tpu.memory_space<vmem_shared>>)
      %mul3A_573 = arith.constant 25 : i32
      %mul3A_574 = arith.muli %scan3A_84, %mul3A_573 : i32
      %add3A_575 = arith.constant 24 : i32
      %add3A_576 = arith.addi %mul3A_574, %add3A_575 : i32
      %dma_wait3A_577 = arith.constant 1 : i32
      %dma_wait3A_578 = arith.constant 0 : i32
      %dma_wait3A_579 = tpu.memref_slice %arg5[%dma_wait3A_577, %add3A_576, %dma_wait3A_578] : memref<2x125x80xi32, #tpu.memory_space<vmem>> -> memref<1x1x80xi32, #tpu.memory_space<vmem>>
      %dma_wait3A_580 = tpu.memref_squeeze %dma_wait3A_579 : memref<1x1x80xi32, #tpu.memory_space<vmem>> -> memref<80xi32, #tpu.memory_space<vmem>>
      %dma_wait3A_581 = arith.constant 0 : i32
      %dma_wait3A_582 = tpu.memref_slice %arg4[%dma_wait3A_581] : memref<10240xf32, #tpu.memory_space<vmem_shared>> -> memref<10240xf32, #tpu.memory_space<vmem_shared>>
      tpu.wait_indirect_dma semaphore(%arg7 : memref<!tpu.dma_semaphore, #tpu.memory_space<semaphore_mem>>) src(%arg6 : memref<80xf32, #tpu.memory_space<vmem>>) dst(%dma_wait3A_582 : memref<10240xf32, #tpu.memory_space<vmem_shared>>)
    }
    %scan3A_77 = arith.constant 5 : i32
    %barrier3A_78 = arith.constant 0 : index
    tpu.barrier barrier_id(%barrier3A_78)
    %mul3A_79 = arith.constant 640 : i32
    %mul3A_80 = arith.muli %arg1, %mul3A_79 : i32
    %mul3A_81 = arith.constant 640 : i32
    %mul3A_82 = arith.muli %arg1, %mul3A_81 : i32
    %run_scoped3A_83 = arith.constant 0 : i32
    "tpu.region"() ({
      %run_scoped3A_84 = tpu.sem_alloc : memref<!tpu.dma_semaphore, #tpu.memory_space<semaphore_mem>>
      %dma_start3A = tpu.memref_slice %arg3[%arg0, %run_scoped3A_83, %mul3A_82] : memref<2x1x10240xf32, #tpu.memory_space<hbm>> -> memref<1x1x640xf32, #tpu.memory_space<hbm>>
      %dma_start3A_85 = tpu.memref_squeeze %dma_start3A : memref<1x1x640xf32, #tpu.memory_space<hbm>> -> memref<640xf32, #tpu.memory_space<hbm>>
      %dma_start3A_86 = tpu.memref_slice %arg4[%mul3A_80] : memref<10240xf32, #tpu.memory_space<vmem_shared>> -> memref<640xf32, #tpu.memory_space<vmem_shared>>
      tpu.enqueue_dma source(%dma_start3A_86 : memref<640xf32, #tpu.memory_space<vmem_shared>>) target(%dma_start3A_85 : memref<640xf32, #tpu.memory_space<hbm>>) target_semaphore(%run_scoped3A_84 : memref<!tpu.dma_semaphore, #tpu.memory_space<semaphore_mem>>)
      %dma_wait3A = tpu.memref_slice %arg3[%arg0, %run_scoped3A_83, %mul3A_82] : memref<2x1x10240xf32, #tpu.memory_space<hbm>> -> memref<1x1x640xf32, #tpu.memory_space<hbm>>
      %dma_wait3A_87 = tpu.memref_squeeze %dma_wait3A : memref<1x1x640xf32, #tpu.memory_space<hbm>> -> memref<640xf32, #tpu.memory_space<hbm>>
      %dma_wait3A_88 = tpu.memref_slice %arg4[%mul3A_80] : memref<10240xf32, #tpu.memory_space<vmem_shared>> -> memref<640xf32, #tpu.memory_space<vmem_shared>>
      tpu.wait_dma2 semaphore(%run_scoped3A_84 : memref<!tpu.dma_semaphore, #tpu.memory_space<semaphore_mem>>) src(%dma_wait3A_88 : memref<640xf32, #tpu.memory_space<vmem_shared>>) dst(%dma_wait3A_87 : memref<640xf32, #tpu.memory_space<hbm>>)
      tpu.yield
    }) : () -> ()
    return
  }
}

</mosaic_0001>

<sc_bundles>
// kernel: _deg_kernel.3.cloned.1.call-start
scs
__scs_entry_jumppad:
0x0: {  	(pc) =	sbr.rel $0x88, $3  }
0x1: {  	(tag) =	ssettag $0x0;
	lr =	simm.s32 $0x1  }
0x2: {  	[smem:$0x3FA0] =	sst lr;
	_ =	strace $0xD0000000  }
0x3: {  	_ = 	snop  }
0x4: {  	_ = 	snop  }
0x5: {  	_ = 	snop  }
0x6: {  	_ = 	snop  }
0x7: {  	_ = 	snop  }
__scs_overlays_trampoline_lowered:
0x8: {  	[smem:$0x3FAF] =	sst s0  }
0x9: {  	[smem:$0x3FB0] =	sst s1  }
0xa: {  	[smem:$0x3FB1] =	sst s2  }
0xb: {  	[smem:$0x3FB2] =	sst s3  }
0xc: {  	[smem:$0x3FB3] =	sst s4  }
0xd: {  	[smem:$0x3FB4] =	sst s5  }
0xe: {  	[smem:$0x3FB5] =	sst s6  }
0xf: {  	[smem:$0x3FB6] =	sst s7  }
0x10: {  	[smem:$0x3FB7] =	sst s8  }
0x11: {  	[smem:$0x3FB8] =	sst s9;
	s0 =	simm.s32 @!p0 $0x0  }
0x12: {  	s1 =	sld [smem:$0x3F9E];
	s0 =	simm.s32 @p0 $0x1  }
0x13: {  	[smem:$0x3FB9] =	sst s0;
	s0 =	simm.s32 @!p1 $0x0  }
0x14: {  	s2 =	sld [smem:$0x3F9D];
	s0 =	simm.s32 @p1 $0x1  }
0x15: {  	[smem:$0x3FBA] =	sst s0;
	s0 =	simm.s32 @!p2 $0x0  }
0x16: {  	s3 =	sld [smem:$0x3FDB];
	s0 =	simm.s32 @p2 $0x1  }
0x17: {  	s4 =	simm.s32 $0x1BF5;
	[smem:$0x3FBC] =	sst s0  }
0x18: {  	s0 =	sld [smem:$0x3F9F];
	_ =	swait.ge [sflag:s4], $0x0  }
0x19: {  	s7 =	sld [smem:$0x3FA0]  }
0x1a: {  	s8 =	sadd.s32 $0xFFFFE003, lr  }
0x1b: {  	s9 =	sadd.s32 $0xFFFFFEF7, lr;
	s5 =	simm.s32 $0xFFFFFFFF;
	p2 =	slt.u32 s8, $0xFFFFF086  }
0x1c: {  	p1 =	slt.u32 s9, $0xF7A;
	s5 =	simm.s32 @!p2 $0x0  }
0x1d: {  	s5 =	simm.s32 @p1 $0x1;
	p0 =	seq.s32 s7, s2  }
0x1e: {  	s7 =	smul.u32 @!p0 $0xF7A, s2;
	p2 =	seq.s32 @!p0 s5, $0x0  }
0x1f: {  	s9 =	smul.u32 $0xF7A, s1;
	s8 =	simm.s32 @!p0 $0x1BF5;
	p2 =	por !p2, p0  }
0x20: {  	[sflag:s8] =	ssyncset.s32 @!p0 $0xFFFFF086;
	s6 =	sadd.s32 @!p0 s3, s7;
	s7 =	simm.s32 @!p0 $0x108  }
0x21: {  	s3 =	sadd.s32 s3, s9;
	s6 =	sadd.s32 @!p0 $0x88, s6;
	s7 =	simm.s32 @p2 $0x1082  }
0x22: {  	[simem:s7], [sflag:s8] =	dma.local @!p0 [hbm:s6], $0xF7A  }
0x23: {  	s9 =	sor.u32 $0xD0000000, s2;
	s6 =	simm.s32 $0x108;
	_ =	swait.ge @!p0 [sflag:s8], $0x0  }
0x24: {  	s3 =	sadd.s32 $0x88, s3;
	s6 =	simm.s32 @!p1 $0x1082;
	[sflag:s4] =	ssyncset.s32 $0xFFFFF086  }
0x25: {  	[simem:s6], [sflag:s4] =	dma.local [hbm:s3], $0xF7A  }
0x26: {  	[smem:$0x3FA0] =	sst s1;
	(tag) =	ssettag s2;
	_ =	strace s9  }
0x27: {  	s1 =	sld [smem:$0x3FB0]  }
0x28: {  	s2 =	sld [smem:$0x3FB1]  }
0x29: {  	s4 =	sld [smem:$0x3FB3]  }
0x2a: {  	p0 =	seq.s32 s5, $0x0;
	s5 =	sld [smem:$0x3FB4]  }
0x2b: {  	s6 =	sld [smem:$0x3FB5]  }
0x2c: {  	s7 =	sld [smem:$0x3FB6]  }
0x2d: {  	s3 =	simm.s32 $0x108;
	s8 =	sld [smem:$0x3FB7]  }
0x2e: {  	s3 =	simm.s32 @!p0 $0x1082;
	s9 =	sld [smem:$0x3FB8]  }
0x2f: {  	lr =	sadd.s32 s0, s3;
	s0 =	sld [smem:$0x3FAF]  }
0x30: {  	s3 =	sld [smem:$0x3FB2]  }
0x31: {  	[smem:$0x3FBB] =	sst s10  }
0x32: {  	s10 =	sld [smem:$0x3FB9];
	_ =	sdelay $0x3  }
0x33: {  	p0 =	seq.s32 s10, $0x1;
	s10 =	sld [smem:$0x3FBB];
	_ =	sdelay $0x3  }
0x34: {  	[smem:$0x3FBB] =	sst s10  }
0x35: {  	s10 =	sld [smem:$0x3FBA];
	_ =	sdelay $0x3  }
0x36: {  	p1 =	seq.s32 s10, $0x1;
	s10 =	sld [smem:$0x3FBB];
	_ =	sdelay $0x3  }
0x37: {  	[smem:$0x3FBB] =	sst s10  }
0x38: {  	s10 =	sld [smem:$0x3FBC]  }
0x39: {  	_ = 	snop;
	(pc) =	sbr.ind lr, $3  }
0x3a: {  	_ = 	snop  }
0x3b: {  	_ = 	snop  }
0x3c: {  	p2 =	seq.s32 s10, $0x1;
	s10 =	sld [smem:$0x3FBB]  }
0x3d: {  	_ =	shalt  }
0x3e: {  	_ =	shalt  }
0x3f: {  	_ =	shalt  }
0x40: {  	_ =	shalt  }
0x41: {  	_ =	shalt  }
0x42: {  	_ =	shalt  }
0x43: {  	_ =	shalt  }
0x44: {  	_ =	shalt  }
0x45: {  	_ =	shalt  }
0x46: {  	_ =	shalt  }
0x47: {  	_ =	shalt  }
0x48: {  	_ =	shalt  }
0x49: {  	_ =	shalt  }
0x4a: {  	_ =	shalt  }
0x4b: {  	_ =	shalt  }
0x4c: {  	_ =	shalt  }
0x4d: {  	_ =	shalt  }
0x4e: {  	_ =	shalt  }
0x4f: {  	_ =	shalt  }
0x50: {  	_ =	shalt  }
0x51: {  	_ =	shalt  }
0x52: {  	_ =	shalt  }
0x53: {  	_ =	shalt  }
0x54: {  	_ =	shalt  }
0x55: {  	_ =	shalt  }
0x56: {  	_ =	shalt  }
0x57: {  	_ =	shalt  }
0x58: {  	_ =	shalt  }
0x59: {  	_ =	shalt  }
0x5a: {  	_ =	shalt  }
0x5b: {  	_ =	shalt  }
0x5c: {  	_ =	shalt  }
0x5d: {  	_ =	shalt  }
0x5e: {  	_ =	shalt  }
0x5f: {  	_ =	shalt  }
0x60: {  	_ =	shalt  }
0x61: {  	_ =	shalt  }
0x62: {  	_ =	shalt  }
0x63: {  	_ =	shalt  }
0x64: {  	_ =	shalt  }
0x65: {  	_ =	shalt  }
0x66: {  	_ =	shalt  }
0x67: {  	_ =	shalt  }
0x68: {  	_ =	shalt  }
0x69: {  	_ =	shalt  }
0x6a: {  	_ =	shalt  }
0x6b: {  	_ =	shalt  }
0x6c: {  	_ =	shalt  }
0x6d: {  	_ =	shalt  }
0x6e: {  	_ =	shalt  }
0x6f: {  	_ =	shalt  }
0x70: {  	_ =	shalt  }
0x71: {  	_ =	shalt  }
0x72: {  	_ =	shalt  }
0x73: {  	_ =	shalt  }
0x74: {  	_ =	shalt  }
0x75: {  	_ =	shalt  }
0x76: {  	_ =	shalt  }
0x77: {  	_ =	shalt  }
0x78: {  	_ =	shalt  }
0x79: {  	_ =	shalt  }
0x7a: {  	_ =	shalt  }
0x7b: {  	_ =	shalt  }
0x7c: {  	_ =	shalt  }
0x7d: {  	_ =	shalt  }
0x7e: {  	_ =	shalt  }
0x7f: {  	_ =	shalt  }
0x80: {  	_ =	shalt  }
0x81: {  	_ =	shalt  }
0x82: {  	_ =	shalt  }
0x83: {  	_ =	shalt  }
0x84: {  	_ =	shalt  }
0x85: {  	_ =	shalt  }
0x86: {  	_ =	shalt  }
0x87: {  	_ =	shalt  }
.Lfunc_end0:
.L_simem_size_0:
called_computation_lowered:
.L_overlay_start_0:
0x88: {  	s2 =	sld [smem:$0x3FD9]  }
0x89: {  	s3 =	sld [smem:$0x3FFE];
	_ =	sdelay $0x1  }
0x8a: {  	s1 =	srdreg.scid  }
0x8b: {  	s0 =	sand.u32 $0x1, s1  }
0x8c: {  	s17 =	sshll.u32 s0, $0xA;
	s2 =	sadd.s32 s3, s2  }
0x8d: {  	s2 =	sadd.s32 s2, s17  }
0x8e: {  	[smem:$0x3FC7] =	sst s2  }
0x8f: {  	_ = 	snop  }
0x90: {  	s2 =	sld [smem:$0x3FD0];
	(tm) =	ssettm $0x1  }
0x91: {  	s18 =	sld [smem:$0x3FFB];
	_ =	sdelay $0x3  }
0x92: {  	_ =	strace s18  }
0x93: {  	s3 =	sld [smem:$0x3FFC];
	_ =	sdelay $0x3  }
0x94: {  	_ =	strace s3  }
0x95: {  	s3 =	sld [smem:$0x3FFD];
	_ =	sdelay $0x3  }
0x96: {  	_ =	strace s3  }
0x97: {  	_ =	strace $0x8FFFFFFF  }
0x98: {  	s19 =	sld [smem:$0x3FDB];
	_ =	sdelay $0x1  }
0x99: {  	s4 =	simm.s32 $_scs_section_size  }
0x9a: {  	s5 =	simm.s32 $_size__tile_overlayer_lowered;
	s6 =	simm.s32 $_tile_overlayer_lowered  }
0x9b: {  	s22 =	simm.s32 $0x1BFF;
	s21 =	sshll.u32 s6, $0x1;
	s3 =	sadd.s32 s4, s19  }
0x9c: {  	s7 =	simm.s32 $0x0;
	s20 =	sshll.u32 s5, $0x1;
	s5 =	sadd.s32 s21, s3  }
0x9d: {  	[timem:s7], [sflag:s22] =	dma.local [hbm:s5], s20  }
0x9e: {  	_ =	swait.ge [sflag:s22], s20  }
0x9f: {  	s4 =	ssub.s32 $0x0, s20;
	[sflag:s22] =	ssyncset.done $0x0  }
0xa0: {  	[sflag:s22] =	ssyncadd.s32 s4;
	_ =	sdelay $0x1  }
0xa1: {  	s23 =	simm.s32 $0x1B8B  }
0xa2: {  	_ =	swait.ge [sflag:s23], $0x1  }
0xa3: {  	[sflag:s23] =	ssyncset.done $0x0  }
0xa4: {  	s25 =	simm.s32 $0x1B8E;
	s24 =	sld [smem:$0x3FFE];
	[sflag:s23] =	ssyncadd.s32 $0xFFFFFFFF  }
0xa5: {  	s26 =	simm.s32 $execute0_lowered;
	[smem:$0x3FD2] =	sst s25  }
0xa6: {  	s5 =	sshll.u32 s26, $0x1;
	_ =	strace $0x80000046;
	[dreg:$0x1] =	wrdreg $0xFFFFFFFF  }
0xa7: {  	s28 =	simm.s32 $_size_execute0_lowered;
	s3 =	sadd.s32 s3, s5;
	[dreg:$0x0] =	wrdreg $0x0  }
0xa8: {  	s5 =	sshll.u32 s28, $0x1;
	[dreg:$0x2] =	wrdreg s3  }
0xa9: {  	[dreg:$0x3] =	wrdreg s5  }
0xaa: {  	[dreg:$0x4] =	wrdreg $0xC0  }
0xab: {  	_ =	task [dreg:s7], $0x5FFFF  }
0xac: {  	[dreg:$0x1] =	wrdreg $0xFFFFFFFF  }
0xad: {  	[dreg:$0x0] =	wrdreg $0x60  }
0xae: {  	[dreg:$0x2] =	wrdreg s24  }
0xaf: {  	[dreg:$0x3] =	wrdreg s2  }
0xb0: {  	[dreg:$0x4] =	wrdreg $0x0  }
0xb1: {  	[dreg:$0x5] =	wrdreg $0x9  }
0xb2: {  	_ =	task.clear_ibuf [dreg:s7], $0x6FFFF;
	_ =	strace $0x90000046  }
0xb3: {  	s29 =	simm.s32 $0x9;
	_ =	strace $0x80000048  }
0xb4: {  	_ =	swait.ge [sflag:s29], $0x1  }
0xb5: {  	[sflag:s29] =	ssyncadd.s32 $0xFFFFFFFF  }
0xb6: {  	_ =	strace $0x90000048  }
0xb7: {  	_ =	sfence  }
0xb8: {  	s30 =	sld [smem:$0x0];
	_ =	sdelay $0x2  }
0xb9: {  	s31 =	sshll.u32 s1, $0xD;
	s1 =	sshrl.u32 s1, $0x2  }
0xba: {  	s3 =	sand.u32 $0x4000, s31;
	s1 =	sadd.s32 s1, s30  }
0xbb: {  	s0 =	sor.u32 s3, s0;
	s1 =	sshll.u32 s1, $0x11  }
0xbc: {  	s0 =	sor.u32 s1, s0  }
0xbd: {  	s0 =	sadd.s32 $0x8F2B, s0  }
0xbe: {  	[sflag:s0] =	ssyncadd.remote.s32 $0x1  }
0xbf: {  	_ =	sfence.sel $0xFFFF  }
0xc0: {  	[dreg:$0x0] =	wrdreg $0xFFFFFFFF;
	(pc) =	sbr.abs _section_cstart, $3  }
0xc1: {  	[dreg:$0x1] =	wrdreg $0xFFFFFFFF  }
0xc2: {  	_ =	task.clear_ibuf [dreg:s7], $0x2FFFF;
	_ =	strace $0x9FFFFFFF  }
0xc3: {  	(tm) =	ssettm $0x7FFFFFFF  }
tec
execute0_lowered:
.L_overlay_start_1:
0x0: {  	(tag) =	ssettag $0x1  }
0x1: {  	s4 =	rddreg [dreg:$0x0]  }
0x2: {  	s14 =	rddreg [dreg:$0x1]  }
0x3: {  	s1 =	rddreg [dreg:$0x2];
	s2 =	srdreg.scid  }
0x4: {  	s0 =	rddreg [dreg:$0x3];
	s3 =	simm.s32 $0x0;
	s17 =	simm.s32 $0x2  }
0x5: {  	s18 =	simm.s32 $0x280;
	s19 =	simm.s32 $0x4280;
	s20 =	simm.s32 $0x50  }
0x6: {  	s21 =	simm.s32 $0x1;
	s24 =	simm.s32 $0x0;
	s7 =	sand.u32 $0x1, s2  }
0x7: {  	[smem:$0x7FF] =	sst s3;
	s2 =	stileid.u32;
	s5 =	sshll.u32 s7, $0x10  }
0x8: {  	s6 =	sshll.u32 s2, $0xC;
	s8 =	ssub.s32 $0x2, s7;
	s12 =	smul.u32 $0x280, s2  }
0x9: {  	_ =	strace $0x80000047;
	s16 =	smul.u32 $0x2800, s7;
	s22 =	sshll.u32 s2, $0x6  }
0xa: {  	s5 =	sor.u32 s6, s5;
	s31 =	sshrl.u32 s8, $0x1;
	s22 =	sor.u32 $0x1C02, s22  }
0xb: {  	s13 =	sadd.s32 s5, s4;
	s15 =	ssub.s32 s8, s31;
	s4 =	sadd.s32 s12, s1  }
0xc: {  	s16 =	sadd.s32 s12, s16;
	s5 =	sadd.s32 $0x50, s4;
	s6 =	sadd.s32 $0xA0, s4  }
0xd: {  	s7 =	sadd.s32 $0xF0, s4;
	s8 =	sadd.s32 $0x140, s4;
	s9 =	sadd.s32 $0x190, s4  }
0xe: {  	s10 =	sadd.s32 $0x1E0, s4;
	s11 =	sadd.s32 $0x230, s4;
	s12 =	sadd.s32 $0x400, s13  }
0xf: {  	s13 =	sadd.s32 $0xC00, s13;
	s16 =	sshrl.u32 s16, $0x3;
	s15 =	smax.u32 s15, $0x1  }
0x10: {  	v0 =	vimm.f32 $1.000000000e+00;
	s23 =	sshrl.u32 s4, $0x3;
	s14 =	sadd.s32 s14, s16;
	s16 =	simm.s32 $0x8280  }
.LBB2_1:
0x11: {  	[tilespmem:$0x8280] =	vst v0  }
0x12: {  	[tilespmem:$0x8290] =	vst v0  }
0x13: {  	[tilespmem:$0x82A0] =	vst v0  }
0x14: {  	[tilespmem:$0x82B0] =	vst v0  }
0x15: {  	[tilespmem:$0x82C0] =	vst v0  }
0x16: {  	[spmem:s4] =	stream.linear.scatter [tilespmem:s16], [sflag:$0x2], $0x50, $0x38;
	[tilespmem:$0x8300] =	vst v63  }
0x17: {  	_ =	swait.ge [sflag:s17], $0x50  }
0x18: {  	[sflag:s17] =	ssyncset.done $0x0  }
0x19: {  	[sflag:s17] =	ssyncadd.s32 $0xFFFFFFB0  }
0x1a: {  	[spmem:s5] =	stream.linear.scatter [tilespmem:s16], [sflag:$0x2], $0x50, $0x38;
	[tilespmem:$0x8300] =	vst v63  }
0x1b: {  	_ =	swait.ge [sflag:s17], $0x50  }
0x1c: {  	[sflag:s17] =	ssyncset.done $0x0  }
0x1d: {  	[sflag:s17] =	ssyncadd.s32 $0xFFFFFFB0  }
0x1e: {  	[spmem:s6] =	stream.linear.scatter [tilespmem:s16], [sflag:$0x2], $0x50, $0x38;
	[tilespmem:$0x8300] =	vst v63  }
0x1f: {  	_ =	swait.ge [sflag:s17], $0x50  }
0x20: {  	[sflag:s17] =	ssyncset.done $0x0  }
0x21: {  	[sflag:s17] =	ssyncadd.s32 $0xFFFFFFB0  }
0x22: {  	[spmem:s7] =	stream.linear.scatter [tilespmem:s16], [sflag:$0x2], $0x50, $0x38;
	[tilespmem:$0x8300] =	vst v63  }
0x23: {  	_ =	swait.ge [sflag:s17], $0x50  }
0x24: {  	[sflag:s17] =	ssyncset.done $0x0  }
0x25: {  	[sflag:s17] =	ssyncadd.s32 $0xFFFFFFB0  }
0x26: {  	[spmem:s8] =	stream.linear.scatter [tilespmem:s16], [sflag:$0x2], $0x50, $0x38;
	[tilespmem:$0x8300] =	vst v63  }
0x27: {  	_ =	swait.ge [sflag:s17], $0x50  }
0x28: {  	[sflag:s17] =	ssyncset.done $0x0  }
0x29: {  	[sflag:s17] =	ssyncadd.s32 $0xFFFFFFB0  }
0x2a: {  	[spmem:s9] =	stream.linear.scatter [tilespmem:s16], [sflag:$0x2], $0x50, $0x38;
	[tilespmem:$0x8300] =	vst v63  }
0x2b: {  	_ =	swait.ge [sflag:s17], $0x50  }
0x2c: {  	[sflag:s17] =	ssyncset.done $0x0  }
0x2d: {  	[sflag:s17] =	ssyncadd.s32 $0xFFFFFFB0  }
0x2e: {  	[spmem:s10] =	stream.linear.scatter [tilespmem:s16], [sflag:$0x2], $0x50, $0x38;
	[tilespmem:$0x8300] =	vst v63  }
0x2f: {  	_ =	swait.ge [sflag:s17], $0x50  }
0x30: {  	[sflag:s17] =	ssyncset.done $0x0  }
0x31: {  	[sflag:s17] =	ssyncadd.s32 $0xFFFFFFB0  }
0x32: {  	[spmem:s11] =	stream.linear.scatter [tilespmem:s16], [sflag:$0x2], $0x50, $0x38;
	[tilespmem:$0x8300] =	vst v63  }
0x33: {  	_ =	swait.ge [sflag:s17], $0x50  }
0x34: {  	[sflag:s17] =	ssyncset.done $0x0  }
0x35: {  	[sflag:s17] =	ssyncadd.s32 $0xFFFFFFB0  }
0x36: {  	[tilespmem:s18], [sflag:$0x2] =	stream.linear.gather [hbm4b:s12+s3], $0x3E80, $0x38;
	[tilespmem:$0x8300] =	vst v63  }
0x37: {  	_ =	swait.ge [sflag:s17], $0x3E80  }
0x38: {  	[sflag:s17] =	ssyncset.done $0x0  }
0x39: {  	[sflag:s17] =	ssyncadd.s32 $0xFFFFC180  }
0x3a: {  	[tilespmem:s19], [sflag:$0x2] =	stream.linear.gather [hbm4b:s13+s3], $0x3E80, $0x38;
	[tilespmem:$0x8300] =	vst v63  }
0x3b: {  	_ =	swait.ge [sflag:s17], $0x3E80  }
0x3c: {  	[sflag:s17] =	ssyncset.done $0x0  }
0x3d: {  	[sflag:s17] =	ssyncadd.s32 $0xFFFFC180  }
0x3e: {  	s25 =	simm.s32 $0x280;
	[bflag:$0x0] =	sbarrier.arrive $0xFFFF  }
0x3f: {  	[spmem:s1] =	stream.indirect.scatter.add.f32 [tilespmem:s16], [sflag:$0x1], $0x1, s25, s20, $0xb8;
	[tilespmem:$0x8300] =	vst v63  }
0x40: {  	s26 =	simm.s32 $0x300  }
0x41: {  	[spmem:s1] =	stream.indirect.scatter.add.f32 [tilespmem:s16], [sflag:$0x1], $0x1, s26, s20, $0xb8;
	[tilespmem:$0x8300] =	vst v63  }
0x42: {  	s30 =	simm.s32 $0x380  }
0x43: {  	[spmem:s1] =	stream.indirect.scatter.add.f32 [tilespmem:s16], [sflag:$0x1], $0x1, s30, s20, $0xb8;
	[tilespmem:$0x8300] =	vst v63  }
0x44: {  	s31 =	simm.s32 $0x400  }
0x45: {  	[spmem:s1] =	stream.indirect.scatter.add.f32 [tilespmem:s16], [sflag:$0x1], $0x1, s31, s20, $0xb8;
	[tilespmem:$0x8300] =	vst v63  }
0x46: {  	s26 =	simm.s32 $0x480  }
0x47: {  	[spmem:s1] =	stream.indirect.scatter.add.f32 [tilespmem:s16], [sflag:$0x1], $0x1, s26, s20, $0xb8;
	[tilespmem:$0x8300] =	vst v63  }
0x48: {  	s30 =	simm.s32 $0x500  }
0x49: {  	[spmem:s1] =	stream.indirect.scatter.add.f32 [tilespmem:s16], [sflag:$0x1], $0x1, s30, s20, $0xb8;
	[tilespmem:$0x8300] =	vst v63  }
0x4a: {  	s31 =	simm.s32 $0x580  }
0x4b: {  	[spmem:s1] =	stream.indirect.scatter.add.f32 [tilespmem:s16], [sflag:$0x1], $0x1, s31, s20, $0xb8;
	[tilespmem:$0x8300] =	vst v63  }
0x4c: {  	s26 =	simm.s32 $0x600  }
0x4d: {  	[spmem:s1] =	stream.indirect.scatter.add.f32 [tilespmem:s16], [sflag:$0x1], $0x1, s26, s20, $0xb8;
	[tilespmem:$0x8300] =	vst v63  }
0x4e: {  	s30 =	simm.s32 $0x680  }
0x4f: {  	[spmem:s1] =	stream.indirect.scatter.add.f32 [tilespmem:s16], [sflag:$0x1], $0x1, s30, s20, $0xb8;
	[tilespmem:$0x8300] =	vst v63  }
0x50: {  	s31 =	simm.s32 $0x700  }
0x51: {  	[spmem:s1] =	stream.indirect.scatter.add.f32 [tilespmem:s16], [sflag:$0x1], $0x1, s31, s20, $0xb8;
	[tilespmem:$0x8300] =	vst v63  }
0x52: {  	s26 =	simm.s32 $0x780  }
0x53: {  	[spmem:s1] =	stream.indirect.scatter.add.f32 [tilespmem:s16], [sflag:$0x1], $0x1, s26, s20, $0xb8;
	[tilespmem:$0x8300] =	vst v63  }
0x54: {  	s30 =	simm.s32 $0x800  }
0x55: {  	[spmem:s1] =	stream.indirect.scatter.add.f32 [tilespmem:s16], [sflag:$0x1], $0x1, s30, s20, $0xb8;
	[tilespmem:$0x8300] =	vst v63  }
0x56: {  	s31 =	simm.s32 $0x880  }
0x57: {  	[spmem:s1] =	stream.indirect.scatter.add.f32 [tilespmem:s16], [sflag:$0x1], $0x1, s31, s20, $0xb8;
	[tilespmem:$0x8300] =	vst v63  }
0x58: {  	s26 =	simm.s32 $0x900  }
0x59: {  	[spmem:s1] =	stream.indirect.scatter.add.f32 [tilespmem:s16], [sflag:$0x1], $0x1, s26, s20, $0xb8;
	[tilespmem:$0x8300] =	vst v63  }
0x5a: {  	s30 =	simm.s32 $0x980  }
0x5b: {  	[spmem:s1] =	stream.indirect.scatter.add.f32 [tilespmem:s16], [sflag:$0x1], $0x1, s30, s20, $0xb8;
	[tilespmem:$0x8300] =	vst v63  }
0x5c: {  	s31 =	simm.s32 $0xA00  }
0x5d: {  	[spmem:s1] =	stream.indirect.scatter.add.f32 [tilespmem:s16], [sflag:$0x1], $0x1, s31, s20, $0xb8;
	[tilespmem:$0x8300] =	vst v63  }
0x5e: {  	s26 =	simm.s32 $0xA80  }
0x5f: {  	[spmem:s1] =	stream.indirect.scatter.add.f32 [tilespmem:s16], [sflag:$0x1], $0x1, s26, s20, $0xb8;
	[tilespmem:$0x8300] =	vst v63  }
0x60: {  	s30 =	simm.s32 $0xB00  }
0x61: {  	[spmem:s1] =	stream.indirect.scatter.add.f32 [tilespmem:s16], [sflag:$0x1], $0x1, s30, s20, $0xb8;
	[tilespmem:$0x8300] =	vst v63  }
0x62: {  	s31 =	simm.s32 $0xB80  }
0x63: {  	[spmem:s1] =	stream.indirect.scatter.add.f32 [tilespmem:s16], [sflag:$0x1], $0x1, s31, s20, $0xb8;
	[tilespmem:$0x8300] =	vst v63  }
0x64: {  	s26 =	simm.s32 $0xC00  }
0x65: {  	[spmem:s1] =	stream.indirect.scatter.add.f32 [tilespmem:s16], [sflag:$0x1], $0x1, s26, s20, $0xb8;
	[tilespmem:$0x8300] =	vst v63  }
0x66: {  	s30 =	simm.s32 $0xC80  }
0x67: {  	[spmem:s1] =	stream.indirect.scatter.add.f32 [tilespmem:s16], [sflag:$0x1], $0x1, s30, s20, $0xb8;
	[tilespmem:$0x8300] =	vst v63  }
0x68: {  	s31 =	simm.s32 $0xD00  }
0x69: {  	[spmem:s1] =	stream.indirect.scatter.add.f32 [tilespmem:s16], [sflag:$0x1], $0x1, s31, s20, $0xb8;
	[tilespmem:$0x8300] =	vst v63  }
0x6a: {  	s26 =	simm.s32 $0xD80  }
0x6b: {  	[spmem:s1] =	stream.indirect.scatter.add.f32 [tilespmem:s16], [sflag:$0x1], $0x1, s26, s20, $0xb8;
	[tilespmem:$0x8300] =	vst v63  }
0x6c: {  	s30 =	simm.s32 $0xE00  }
0x6d: {  	[spmem:s1] =	stream.indirect.scatter.add.f32 [tilespmem:s16], [sflag:$0x1], $0x1, s30, s20, $0xb8;
	[tilespmem:$0x8300] =	vst v63  }
0x6e: {  	s31 =	simm.s32 $0xE80  }
0x6f: {  	[spmem:s1] =	stream.indirect.scatter.add.f32 [tilespmem:s16], [sflag:$0x1], $0x1, s31, s20, $0xb8;
	[tilespmem:$0x8300] =	vst v63  }
0x70: {  	_ =	swait.ge [sflag:s21], $0x50  }
0x71: {  	[sflag:s21] =	ssyncset.done $0x0  }
0x72: {  	[sflag:s21] =	ssyncadd.s32 $0xFFFFFFB0  }
0x73: {  	_ =	swait.ge [sflag:s21], $0x50  }
0x74: {  	[sflag:s21] =	ssyncset.done $0x0  }
0x75: {  	[sflag:s21] =	ssyncadd.s32 $0xFFFFFFB0  }
0x76: {  	_ =	swait.ge [sflag:s21], $0x50  }
0x77: {  	[sflag:s21] =	ssyncset.done $0x0  }
0x78: {  	[sflag:s21] =	ssyncadd.s32 $0xFFFFFFB0  }
0x79: {  	_ =	swait.ge [sflag:s21], $0x50  }
0x7a: {  	[sflag:s21] =	ssyncset.done $0x0  }
0x7b: {  	[sflag:s21] =	ssyncadd.s32 $0xFFFFFFB0  }
0x7c: {  	_ =	swait.ge [sflag:s21], $0x50  }
0x7d: {  	[sflag:s21] =	ssyncset.done $0x0  }
0x7e: {  	[sflag:s21] =	ssyncadd.s32 $0xFFFFFFB0  }
0x7f: {  	_ =	swait.ge [sflag:s21], $0x50  }
0x80: {  	[sflag:s21] =	ssyncset.done $0x0  }
0x81: {  	[sflag:s21] =	ssyncadd.s32 $0xFFFFFFB0  }
0x82: {  	_ =	swait.ge [sflag:s21], $0x50  }
0x83: {  	[sflag:s21] =	ssyncset.done $0x0  }
0x84: {  	[sflag:s21] =	ssyncadd.s32 $0xFFFFFFB0  }
0x85: {  	_ =	swait.ge [sflag:s21], $0x50  }
0x86: {  	[sflag:s21] =	ssyncset.done $0x0  }
0x87: {  	[sflag:s21] =	ssyncadd.s32 $0xFFFFFFB0  }
0x88: {  	_ =	swait.ge [sflag:s21], $0x50  }
0x89: {  	[sflag:s21] =	ssyncset.done $0x0  }
0x8a: {  	[sflag:s21] =	ssyncadd.s32 $0xFFFFFFB0  }
0x8b: {  	_ =	swait.ge [sflag:s21], $0x50  }
0x8c: {  	[sflag:s21] =	ssyncset.done $0x0  }
0x8d: {  	[sflag:s21] =	ssyncadd.s32 $0xFFFFFFB0  }
0x8e: {  	_ =	swait.ge [sflag:s21], $0x50  }
0x8f: {  	[sflag:s21] =	ssyncset.done $0x0  }
0x90: {  	[sflag:s21] =	ssyncadd.s32 $0xFFFFFFB0  }
0x91: {  	_ =	swait.ge [sflag:s21], $0x50  }
0x92: {  	[sflag:s21] =	ssyncset.done $0x0  }
0x93: {  	[sflag:s21] =	ssyncadd.s32 $0xFFFFFFB0  }
0x94: {  	_ =	swait.ge [sflag:s21], $0x50  }
0x95: {  	[sflag:s21] =	ssyncset.done $0x0  }
0x96: {  	[sflag:s21] =	ssyncadd.s32 $0xFFFFFFB0  }
0x97: {  	_ =	swait.ge [sflag:s21], $0x50  }
0x98: {  	[sflag:s21] =	ssyncset.done $0x0  }
0x99: {  	[sflag:s21] =	ssyncadd.s32 $0xFFFFFFB0  }
0x9a: {  	_ =	swait.ge [sflag:s21], $0x50  }
0x9b: {  	[sflag:s21] =	ssyncset.done $0x0  }
0x9c: {  	[sflag:s21] =	ssyncadd.s32 $0xFFFFFFB0  }
0x9d: {  	_ =	swait.ge [sflag:s21], $0x50  }
0x9e: {  	[sflag:s21] =	ssyncset.done $0x0  }
0x9f: {  	[sflag:s21] =	ssyncadd.s32 $0xFFFFFFB0  }
0xa0: {  	_ =	swait.ge [sflag:s21], $0x50  }
0xa1: {  	[sflag:s21] =	ssyncset.done $0x0  }
0xa2: {  	[sflag:s21] =	ssyncadd.s32 $0xFFFFFFB0  }
0xa3: {  	_ =	swait.ge [sflag:s21], $0x50  }
0xa4: {  	[sflag:s21] =	ssyncset.done $0x0  }
0xa5: {  	[sflag:s21] =	ssyncadd.s32 $0xFFFFFFB0  }
0xa6: {  	_ =	swait.ge [sflag:s21], $0x50  }
0xa7: {  	[sflag:s21] =	ssyncset.done $0x0  }
0xa8: {  	[sflag:s21] =	ssyncadd.s32 $0xFFFFFFB0  }
0xa9: {  	_ =	swait.ge [sflag:s21], $0x50  }
0xaa: {  	[sflag:s21] =	ssyncset.done $0x0  }
0xab: {  	[sflag:s21] =	ssyncadd.s32 $0xFFFFFFB0  }
0xac: {  	_ =	swait.ge [sflag:s21], $0x50  }
0xad: {  	[sflag:s21] =	ssyncset.done $0x0  }
0xae: {  	[sflag:s21] =	ssyncadd.s32 $0xFFFFFFB0  }
0xaf: {  	_ =	swait.ge [sflag:s21], $0x50  }
0xb0: {  	[sflag:s21] =	ssyncset.done $0x0  }
0xb1: {  	[sflag:s21] =	ssyncadd.s32 $0xFFFFFFB0  }
0xb2: {  	_ =	swait.ge [sflag:s21], $0x50  }
0xb3: {  	[sflag:s21] =	ssyncset.done $0x0  }
0xb4: {  	[sflag:s21] =	ssyncadd.s32 $0xFFFFFFB0  }
0xb5: {  	_ =	swait.ge [sflag:s21], $0x50  }
0xb6: {  	[sflag:s21] =	ssyncset.done $0x0  }
0xb7: {  	[sflag:s21] =	ssyncadd.s32 $0xFFFFFFB0  }
0xb8: {  	_ =	swait.ge [sflag:s21], $0x50  }
0xb9: {  	s29 =	simm.s32 $0x6400;
	s28 =	simm.s32 $0xC80;
	[sflag:s21] =	ssyncset.done $0x0  }
.LBB2_2:
0xba: {  	s30 =	sadd.s32 $0x280, s28  }
0xbb: {  	[sflag:s21] =	ssyncadd.s32 $0xFFFFFFB0;
	s26 =	smov.u32 s29;
	s25 =	sadd.s32 $0x3200, s29  }
0xbc: {  	[spmem:s1] =	stream.indirect.scatter.add.f32 [tilespmem:s16], [sflag:$0x1], $0x1, s30, s20, $0xb8;
	[tilespmem:$0x8300] =	vst v63  }
0xbd: {  	p0 =	sne.s32 s29, $0xC800;
	s29 =	sadd.s32 $0x300, s28  }
0xbe: {  	[spmem:s1] =	stream.indirect.scatter.add.f32 [tilespmem:s16], [sflag:$0x1], $0x1, s29, s20, $0xb8;
	[tilespmem:$0x8300] =	vst v63  }
0xbf: {  	s29 =	sadd.s32 $0x380, s28  }
0xc0: {  	[spmem:s1] =	stream.indirect.scatter.add.f32 [tilespmem:s16], [sflag:$0x1], $0x1, s29, s20, $0xb8;
	[tilespmem:$0x8300] =	vst v63  }
0xc1: {  	s29 =	sadd.s32 $0x400, s28  }
0xc2: {  	[spmem:s1] =	stream.indirect.scatter.add.f32 [tilespmem:s16], [sflag:$0x1], $0x1, s29, s20, $0xb8;
	[tilespmem:$0x8300] =	vst v63  }
0xc3: {  	s29 =	sadd.s32 $0x480, s28  }
0xc4: {  	[spmem:s1] =	stream.indirect.scatter.add.f32 [tilespmem:s16], [sflag:$0x1], $0x1, s29, s20, $0xb8;
	[tilespmem:$0x8300] =	vst v63  }
0xc5: {  	s29 =	sadd.s32 $0x500, s28  }
0xc6: {  	[spmem:s1] =	stream.indirect.scatter.add.f32 [tilespmem:s16], [sflag:$0x1], $0x1, s29, s20, $0xb8;
	[tilespmem:$0x8300] =	vst v63  }
0xc7: {  	s29 =	sadd.s32 $0x580, s28  }
0xc8: {  	[spmem:s1] =	stream.indirect.scatter.add.f32 [tilespmem:s16], [sflag:$0x1], $0x1, s29, s20, $0xb8;
	[tilespmem:$0x8300] =	vst v63  }
0xc9: {  	s29 =	sadd.s32 $0x600, s28  }
0xca: {  	[spmem:s1] =	stream.indirect.scatter.add.f32 [tilespmem:s16], [sflag:$0x1], $0x1, s29, s20, $0xb8;
	[tilespmem:$0x8300] =	vst v63  }
0xcb: {  	s29 =	sadd.s32 $0x680, s28  }
0xcc: {  	[spmem:s1] =	stream.indirect.scatter.add.f32 [tilespmem:s16], [sflag:$0x1], $0x1, s29, s20, $0xb8;
	[tilespmem:$0x8300] =	vst v63  }
0xcd: {  	s29 =	sadd.s32 $0x700, s28  }
0xce: {  	[spmem:s1] =	stream.indirect.scatter.add.f32 [tilespmem:s16], [sflag:$0x1], $0x1, s29, s20, $0xb8;
	[tilespmem:$0x8300] =	vst v63  }
0xcf: {  	s29 =	sadd.s32 $0x780, s28  }
0xd0: {  	[spmem:s1] =	stream.indirect.scatter.add.f32 [tilespmem:s16], [sflag:$0x1], $0x1, s29, s20, $0xb8;
	[tilespmem:$0x8300] =	vst v63  }
0xd1: {  	s29 =	sadd.s32 $0x800, s28  }
0xd2: {  	[spmem:s1] =	stream.indirect.scatter.add.f32 [tilespmem:s16], [sflag:$0x1], $0x1, s29, s20, $0xb8;
	[tilespmem:$0x8300] =	vst v63  }
0xd3: {  	s29 =	sadd.s32 $0x880, s28  }
0xd4: {  	[spmem:s1] =	stream.indirect.scatter.add.f32 [tilespmem:s16], [sflag:$0x1], $0x1, s29, s20, $0xb8;
	[tilespmem:$0x8300] =	vst v63  }
0xd5: {  	s29 =	sadd.s32 $0x900, s28  }
0xd6: {  	[spmem:s1] =	stream.indirect.scatter.add.f32 [tilespmem:s16], [sflag:$0x1], $0x1, s29, s20, $0xb8;
	[tilespmem:$0x8300] =	vst v63  }
0xd7: {  	s29 =	sadd.s32 $0x980, s28  }
0xd8: {  	[spmem:s1] =	stream.indirect.scatter.add.f32 [tilespmem:s16], [sflag:$0x1], $0x1, s29, s20, $0xb8;
	[tilespmem:$0x8300] =	vst v63  }
0xd9: {  	s29 =	sadd.s32 $0xA00, s28  }
0xda: {  	[spmem:s1] =	stream.indirect.scatter.add.f32 [tilespmem:s16], [sflag:$0x1], $0x1, s29, s20, $0xb8;
	[tilespmem:$0x8300] =	vst v63  }
0xdb: {  	s29 =	sadd.s32 $0xA80, s28  }
0xdc: {  	[spmem:s1] =	stream.indirect.scatter.add.f32 [tilespmem:s16], [sflag:$0x1], $0x1, s29, s20, $0xb8;
	[tilespmem:$0x8300] =	vst v63  }
0xdd: {  	s29 =	sadd.s32 $0xB00, s28  }
0xde: {  	[spmem:s1] =	stream.indirect.scatter.add.f32 [tilespmem:s16], [sflag:$0x1], $0x1, s29, s20, $0xb8;
	[tilespmem:$0x8300] =	vst v63  }
0xdf: {  	s29 =	sadd.s32 $0xB80, s28  }
0xe0: {  	[spmem:s1] =	stream.indirect.scatter.add.f32 [tilespmem:s16], [sflag:$0x1], $0x1, s29, s20, $0xb8;
	[tilespmem:$0x8300] =	vst v63  }
0xe1: {  	s29 =	sadd.s32 $0xC00, s28  }
0xe2: {  	[spmem:s1] =	stream.indirect.scatter.add.f32 [tilespmem:s16], [sflag:$0x1], $0x1, s29, s20, $0xb8;
	[tilespmem:$0x8300] =	vst v63  }
0xe3: {  	s29 =	sadd.s32 $0xC80, s28  }
0xe4: {  	[spmem:s1] =	stream.indirect.scatter.add.f32 [tilespmem:s16], [sflag:$0x1], $0x1, s29, s20, $0xb8;
	[tilespmem:$0x8300] =	vst v63  }
0xe5: {  	s29 =	sadd.s32 $0xD00, s28  }
0xe6: {  	[spmem:s1] =	stream.indirect.scatter.add.f32 [tilespmem:s16], [sflag:$0x1], $0x1, s29, s20, $0xb8;
	[tilespmem:$0x8300] =	vst v63  }
0xe7: {  	s29 =	sadd.s32 $0xD80, s28  }
0xe8: {  	[spmem:s1] =	stream.indirect.scatter.add.f32 [tilespmem:s16], [sflag:$0x1], $0x1, s29, s20, $0xb8;
	[tilespmem:$0x8300] =	vst v63  }
0xe9: {  	s29 =	sadd.s32 $0xE00, s28  }
0xea: {  	[spmem:s1] =	stream.indirect.scatter.add.f32 [tilespmem:s16], [sflag:$0x1], $0x1, s29, s20, $0xb8;
	[tilespmem:$0x8300] =	vst v63  }
0xeb: {  	s28 =	sadd.s32 $0xE80, s28  }
0xec: {  	[spmem:s1] =	stream.indirect.scatter.add.f32 [tilespmem:s16], [sflag:$0x1], $0x1, s28, s20, $0xb8;
	[tilespmem:$0x8300] =	vst v63  }
0xed: {  	_ =	swait.ge [sflag:s21], $0x50  }
0xee: {  	[sflag:s21] =	ssyncset.done $0x0  }
0xef: {  	[sflag:s21] =	ssyncadd.s32 $0xFFFFFFB0  }
0xf0: {  	_ =	swait.ge [sflag:s21], $0x50  }
0xf1: {  	[sflag:s21] =	ssyncset.done $0x0  }
0xf2: {  	[sflag:s21] =	ssyncadd.s32 $0xFFFFFFB0  }
0xf3: {  	_ =	swait.ge [sflag:s21], $0x50  }
0xf4: {  	[sflag:s21] =	ssyncset.done $0x0  }
0xf5: {  	[sflag:s21] =	ssyncadd.s32 $0xFFFFFFB0  }
0xf6: {  	_ =	swait.ge [sflag:s21], $0x50  }
0xf7: {  	[sflag:s21] =	ssyncset.done $0x0  }
0xf8: {  	[sflag:s21] =	ssyncadd.s32 $0xFFFFFFB0  }
0xf9: {  	_ =	swait.ge [sflag:s21], $0x50  }
0xfa: {  	[sflag:s21] =	ssyncset.done $0x0  }
0xfb: {  	[sflag:s21] =	ssyncadd.s32 $0xFFFFFFB0  }
0xfc: {  	_ =	swait.ge [sflag:s21], $0x50  }
0xfd: {  	[sflag:s21] =	ssyncset.done $0x0  }
0xfe: {  	[sflag:s21] =	ssyncadd.s32 $0xFFFFFFB0  }
0xff: {  	_ =	swait.ge [sflag:s21], $0x50  }
0x100: {  	[sflag:s21] =	ssyncset.done $0x0  }
0x101: {  	[sflag:s21] =	ssyncadd.s32 $0xFFFFFFB0  }
0x102: {  	_ =	swait.ge [sflag:s21], $0x50  }
0x103: {  	[sflag:s21] =	ssyncset.done $0x0  }
0x104: {  	[sflag:s21] =	ssyncadd.s32 $0xFFFFFFB0  }
0x105: {  	_ =	swait.ge [sflag:s21], $0x50  }
0x106: {  	[sflag:s21] =	ssyncset.done $0x0  }
0x107: {  	[sflag:s21] =	ssyncadd.s32 $0xFFFFFFB0  }
0x108: {  	_ =	swait.ge [sflag:s21], $0x50  }
0x109: {  	[sflag:s21] =	ssyncset.done $0x0  }
0x10a: {  	[sflag:s21] =	ssyncadd.s32 $0xFFFFFFB0  }
0x10b: {  	_ =	swait.ge [sflag:s21], $0x50  }
0x10c: {  	[sflag:s21] =	ssyncset.done $0x0  }
0x10d: {  	[sflag:s21] =	ssyncadd.s32 $0xFFFFFFB0  }
0x10e: {  	_ =	swait.ge [sflag:s21], $0x50  }
0x10f: {  	[sflag:s21] =	ssyncset.done $0x0  }
0x110: {  	[sflag:s21] =	ssyncadd.s32 $0xFFFFFFB0  }
0x111: {  	_ =	swait.ge [sflag:s21], $0x50  }
0x112: {  	[sflag:s21] =	ssyncset.done $0x0  }
0x113: {  	[sflag:s21] =	ssyncadd.s32 $0xFFFFFFB0  }
0x114: {  	_ =	swait.ge [sflag:s21], $0x50  }
0x115: {  	[sflag:s21] =	ssyncset.done $0x0  }
0x116: {  	[sflag:s21] =	ssyncadd.s32 $0xFFFFFFB0  }
0x117: {  	_ =	swait.ge [sflag:s21], $0x50  }
0x118: {  	[sflag:s21] =	ssyncset.done $0x0  }
0x119: {  	[sflag:s21] =	ssyncadd.s32 $0xFFFFFFB0  }
0x11a: {  	_ =	swait.ge [sflag:s21], $0x50  }
0x11b: {  	[sflag:s21] =	ssyncset.done $0x0  }
0x11c: {  	[sflag:s21] =	ssyncadd.s32 $0xFFFFFFB0  }
0x11d: {  	_ =	swait.ge [sflag:s21], $0x50  }
0x11e: {  	[sflag:s21] =	ssyncset.done $0x0  }
0x11f: {  	[sflag:s21] =	ssyncadd.s32 $0xFFFFFFB0  }
0x120: {  	_ =	swait.ge [sflag:s21], $0x50  }
0x121: {  	[sflag:s21] =	ssyncset.done $0x0  }
0x122: {  	[sflag:s21] =	ssyncadd.s32 $0xFFFFFFB0  }
0x123: {  	_ =	swait.ge [sflag:s21], $0x50  }
0x124: {  	[sflag:s21] =	ssyncset.done $0x0  }
0x125: {  	[sflag:s21] =	ssyncadd.s32 $0xFFFFFFB0  }
0x126: {  	_ =	swait.ge [sflag:s21], $0x50  }
0x127: {  	[sflag:s21] =	ssyncset.done $0x0  }
0x128: {  	[sflag:s21] =	ssyncadd.s32 $0xFFFFFFB0  }
0x129: {  	_ =	swait.ge [sflag:s21], $0x50  }
0x12a: {  	[sflag:s21] =	ssyncset.done $0x0  }
0x12b: {  	[sflag:s21] =	ssyncadd.s32 $0xFFFFFFB0  }
0x12c: {  	_ =	swait.ge [sflag:s21], $0x50  }
0x12d: {  	[sflag:s21] =	ssyncset.done $0x0  }
0x12e: {  	[sflag:s21] =	ssyncadd.s32 $0xFFFFFFB0  }
0x12f: {  	_ =	swait.ge [sflag:s21], $0x50  }
0x130: {  	[sflag:s21] =	ssyncset.done $0x0  }
0x131: {  	[sflag:s21] =	ssyncadd.s32 $0xFFFFFFB0  }
.Ltmp0:
0x132: {  	_ =	swait.ge [sflag:s21], $0x50;
	(pc) =	sbr.rel @p0 .LBB2_2-.Ltmp0, $4  }
0x133: {  	[sflag:s21] =	ssyncset.done $0x0  }
0x134: {  	[sflag:s21] =	ssyncadd.s32 $0xFFFFFFB0  }
0x135: {  	_ =	swait.ge [sflag:s21], $0x50  }
0x136: {  	s29 =	smov.u32 s25;
	s28 =	sshra.s32 s26, $0x2;
	[sflag:s21] =	ssyncset.done $0x0  }
0x137: {  	s25 =	sadd.s32 $0x280, s28;
	[sflag:s21] =	ssyncadd.s32 $0xFFFFFFB0  }
0x138: {  	[spmem:s1] =	stream.indirect.scatter.add.f32 [tilespmem:s16], [sflag:$0x1], $0x1, s25, s20, $0xb8;
	[tilespmem:$0x8300] =	vst v63  }
0x139: {  	s31 =	sadd.s32 $0x300, s28  }
0x13a: {  	[spmem:s1] =	stream.indirect.scatter.add.f32 [tilespmem:s16], [sflag:$0x1], $0x1, s31, s20, $0xb8;
	[tilespmem:$0x8300] =	vst v63  }
0x13b: {  	s26 =	sadd.s32 $0x380, s28  }
0x13c: {  	[spmem:s1] =	stream.indirect.scatter.add.f32 [tilespmem:s16], [sflag:$0x1], $0x1, s26, s20, $0xb8;
	[tilespmem:$0x8300] =	vst v63  }
0x13d: {  	s30 =	sadd.s32 $0x400, s28  }
0x13e: {  	[spmem:s1] =	stream.indirect.scatter.add.f32 [tilespmem:s16], [sflag:$0x1], $0x1, s30, s20, $0xb8;
	[tilespmem:$0x8300] =	vst v63  }
0x13f: {  	s31 =	sadd.s32 $0x480, s28  }
0x140: {  	[spmem:s1] =	stream.indirect.scatter.add.f32 [tilespmem:s16], [sflag:$0x1], $0x1, s31, s20, $0xb8;
	[tilespmem:$0x8300] =	vst v63  }
0x141: {  	s26 =	sadd.s32 $0x500, s28  }
0x142: {  	[spmem:s1] =	stream.indirect.scatter.add.f32 [tilespmem:s16], [sflag:$0x1], $0x1, s26, s20, $0xb8;
	[tilespmem:$0x8300] =	vst v63  }
0x143: {  	s30 =	sadd.s32 $0x580, s28  }
0x144: {  	[spmem:s1] =	stream.indirect.scatter.add.f32 [tilespmem:s16], [sflag:$0x1], $0x1, s30, s20, $0xb8;
	[tilespmem:$0x8300] =	vst v63  }
0x145: {  	s31 =	sadd.s32 $0x600, s28  }
0x146: {  	[spmem:s1] =	stream.indirect.scatter.add.f32 [tilespmem:s16], [sflag:$0x1], $0x1, s31, s20, $0xb8;
	[tilespmem:$0x8300] =	vst v63  }
0x147: {  	s26 =	sadd.s32 $0x680, s28  }
0x148: {  	[spmem:s1] =	stream.indirect.scatter.add.f32 [tilespmem:s16], [sflag:$0x1], $0x1, s26, s20, $0xb8;
	[tilespmem:$0x8300] =	vst v63  }
0x149: {  	s30 =	sadd.s32 $0x700, s28  }
0x14a: {  	[spmem:s1] =	stream.indirect.scatter.add.f32 [tilespmem:s16], [sflag:$0x1], $0x1, s30, s20, $0xb8;
	[tilespmem:$0x8300] =	vst v63  }
0x14b: {  	s31 =	sadd.s32 $0x780, s28  }
0x14c: {  	[spmem:s1] =	stream.indirect.scatter.add.f32 [tilespmem:s16], [sflag:$0x1], $0x1, s31, s20, $0xb8;
	[tilespmem:$0x8300] =	vst v63  }
0x14d: {  	s26 =	sadd.s32 $0x800, s28  }
0x14e: {  	[spmem:s1] =	stream.indirect.scatter.add.f32 [tilespmem:s16], [sflag:$0x1], $0x1, s26, s20, $0xb8;
	[tilespmem:$0x8300] =	vst v63  }
0x14f: {  	s30 =	sadd.s32 $0x880, s28  }
0x150: {  	[spmem:s1] =	stream.indirect.scatter.add.f32 [tilespmem:s16], [sflag:$0x1], $0x1, s30, s20, $0xb8;
	[tilespmem:$0x8300] =	vst v63  }
0x151: {  	s31 =	sadd.s32 $0x900, s28  }
0x152: {  	[spmem:s1] =	stream.indirect.scatter.add.f32 [tilespmem:s16], [sflag:$0x1], $0x1, s31, s20, $0xb8;
	[tilespmem:$0x8300] =	vst v63  }
0x153: {  	s26 =	sadd.s32 $0x980, s28  }
0x154: {  	[spmem:s1] =	stream.indirect.scatter.add.f32 [tilespmem:s16], [sflag:$0x1], $0x1, s26, s20, $0xb8;
	[tilespmem:$0x8300] =	vst v63  }
0x155: {  	s30 =	sadd.s32 $0xA00, s28  }
0x156: {  	[spmem:s1] =	stream.indirect.scatter.add.f32 [tilespmem:s16], [sflag:$0x1], $0x1, s30, s20, $0xb8;
	[tilespmem:$0x8300] =	vst v63  }
0x157: {  	s31 =	sadd.s32 $0xA80, s28  }
0x158: {  	[spmem:s1] =	stream.indirect.scatter.add.f32 [tilespmem:s16], [sflag:$0x1], $0x1, s31, s20, $0xb8;
	[tilespmem:$0x8300] =	vst v63  }
0x159: {  	s26 =	sadd.s32 $0xB00, s28  }
0x15a: {  	[spmem:s1] =	stream.indirect.scatter.add.f32 [tilespmem:s16], [sflag:$0x1], $0x1, s26, s20, $0xb8;
	[tilespmem:$0x8300] =	vst v63  }
0x15b: {  	s30 =	sadd.s32 $0xB80, s28  }
0x15c: {  	[spmem:s1] =	stream.indirect.scatter.add.f32 [tilespmem:s16], [sflag:$0x1], $0x1, s30, s20, $0xb8;
	[tilespmem:$0x8300] =	vst v63  }
0x15d: {  	s31 =	sadd.s32 $0xC00, s28  }
0x15e: {  	[spmem:s1] =	stream.indirect.scatter.add.f32 [tilespmem:s16], [sflag:$0x1], $0x1, s31, s20, $0xb8;
	[tilespmem:$0x8300] =	vst v63  }
0x15f: {  	s26 =	sadd.s32 $0xC80, s28  }
0x160: {  	[spmem:s1] =	stream.indirect.scatter.add.f32 [tilespmem:s16], [sflag:$0x1], $0x1, s26, s20, $0xb8;
	[tilespmem:$0x8300] =	vst v63  }
0x161: {  	s30 =	sadd.s32 $0xD00, s28  }
0x162: {  	[spmem:s1] =	stream.indirect.scatter.add.f32 [tilespmem:s16], [sflag:$0x1], $0x1, s30, s20, $0xb8;
	[tilespmem:$0x8300] =	vst v63  }
0x163: {  	s31 =	sadd.s32 $0xD80, s28  }
0x164: {  	[spmem:s1] =	stream.indirect.scatter.add.f32 [tilespmem:s16], [sflag:$0x1], $0x1, s31, s20, $0xb8;
	[tilespmem:$0x8300] =	vst v63  }
0x165: {  	s26 =	sadd.s32 $0xE00, s28  }
0x166: {  	[spmem:s1] =	stream.indirect.scatter.add.f32 [tilespmem:s16], [sflag:$0x1], $0x1, s26, s20, $0xb8;
	[tilespmem:$0x8300] =	vst v63  }
0x167: {  	s30 =	sadd.s32 $0xE80, s28  }
0x168: {  	[spmem:s1] =	stream.indirect.scatter.add.f32 [tilespmem:s16], [sflag:$0x1], $0x1, s30, s20, $0xb8;
	[tilespmem:$0x8300] =	vst v63  }
0x169: {  	_ =	swait.ge [sflag:s21], $0x50  }
0x16a: {  	[sflag:s21] =	ssyncset.done $0x0  }
0x16b: {  	[sflag:s21] =	ssyncadd.s32 $0xFFFFFFB0  }
0x16c: {  	_ =	swait.ge [sflag:s21], $0x50  }
0x16d: {  	[sflag:s21] =	ssyncset.done $0x0  }
0x16e: {  	[sflag:s21] =	ssyncadd.s32 $0xFFFFFFB0  }
0x16f: {  	_ =	swait.ge [sflag:s21], $0x50  }
0x170: {  	[sflag:s21] =	ssyncset.done $0x0  }
0x171: {  	[sflag:s21] =	ssyncadd.s32 $0xFFFFFFB0  }
0x172: {  	_ =	swait.ge [sflag:s21], $0x50  }
0x173: {  	[sflag:s21] =	ssyncset.done $0x0  }
0x174: {  	[sflag:s21] =	ssyncadd.s32 $0xFFFFFFB0  }
0x175: {  	_ =	swait.ge [sflag:s21], $0x50  }
0x176: {  	[sflag:s21] =	ssyncset.done $0x0  }
0x177: {  	[sflag:s21] =	ssyncadd.s32 $0xFFFFFFB0  }
0x178: {  	_ =	swait.ge [sflag:s21], $0x50  }
0x179: {  	[sflag:s21] =	ssyncset.done $0x0  }
0x17a: {  	[sflag:s21] =	ssyncadd.s32 $0xFFFFFFB0  }
0x17b: {  	_ =	swait.ge [sflag:s21], $0x50  }
0x17c: {  	[sflag:s21] =	ssyncset.done $0x0  }
0x17d: {  	[sflag:s21] =	ssyncadd.s32 $0xFFFFFFB0  }
0x17e: {  	_ =	swait.ge [sflag:s21], $0x50  }
0x17f: {  	[sflag:s21] =	ssyncset.done $0x0  }
0x180: {  	[sflag:s21] =	ssyncadd.s32 $0xFFFFFFB0  }
0x181: {  	_ =	swait.ge [sflag:s21], $0x50  }
0x182: {  	[sflag:s21] =	ssyncset.done $0x0  }
0x183: {  	[sflag:s21] =	ssyncadd.s32 $0xFFFFFFB0  }
0x184: {  	_ =	swait.ge [sflag:s21], $0x50  }
0x185: {  	[sflag:s21] =	ssyncset.done $0x0  }
0x186: {  	[sflag:s21] =	ssyncadd.s32 $0xFFFFFFB0  }
0x187: {  	_ =	swait.ge [sflag:s21], $0x50  }
0x188: {  	[sflag:s21] =	ssyncset.done $0x0  }
0x189: {  	[sflag:s21] =	ssyncadd.s32 $0xFFFFFFB0  }
0x18a: {  	_ =	swait.ge [sflag:s21], $0x50  }
0x18b: {  	[sflag:s21] =	ssyncset.done $0x0  }
0x18c: {  	[sflag:s21] =	ssyncadd.s32 $0xFFFFFFB0  }
0x18d: {  	_ =	swait.ge [sflag:s21], $0x50  }
0x18e: {  	[sflag:s21] =	ssyncset.done $0x0  }
0x18f: {  	[sflag:s21] =	ssyncadd.s32 $0xFFFFFFB0  }
0x190: {  	_ =	swait.ge [sflag:s21], $0x50  }
0x191: {  	[sflag:s21] =	ssyncset.done $0x0  }
0x192: {  	[sflag:s21] =	ssyncadd.s32 $0xFFFFFFB0  }
0x193: {  	_ =	swait.ge [sflag:s21], $0x50  }
0x194: {  	[sflag:s21] =	ssyncset.done $0x0  }
0x195: {  	[sflag:s21] =	ssyncadd.s32 $0xFFFFFFB0  }
0x196: {  	_ =	swait.ge [sflag:s21], $0x50  }
0x197: {  	[sflag:s21] =	ssyncset.done $0x0  }
0x198: {  	[sflag:s21] =	ssyncadd.s32 $0xFFFFFFB0  }
0x199: {  	_ =	swait.ge [sflag:s21], $0x50  }
0x19a: {  	[sflag:s21] =	ssyncset.done $0x0  }
0x19b: {  	[sflag:s21] =	ssyncadd.s32 $0xFFFFFFB0  }
0x19c: {  	_ =	swait.ge [sflag:s21], $0x50  }
0x19d: {  	[sflag:s21] =	ssyncset.done $0x0  }
0x19e: {  	[sflag:s21] =	ssyncadd.s32 $0xFFFFFFB0  }
0x19f: {  	_ =	swait.ge [sflag:s21], $0x50  }
0x1a0: {  	[sflag:s21] =	ssyncset.done $0x0  }
0x1a1: {  	[sflag:s21] =	ssyncadd.s32 $0xFFFFFFB0  }
0x1a2: {  	_ =	swait.ge [sflag:s21], $0x50  }
0x1a3: {  	[sflag:s21] =	ssyncset.done $0x0  }
0x1a4: {  	[sflag:s21] =	ssyncadd.s32 $0xFFFFFFB0  }
0x1a5: {  	_ =	swait.ge [sflag:s21], $0x50  }
0x1a6: {  	[sflag:s21] =	ssyncset.done $0x0  }
0x1a7: {  	[sflag:s21] =	ssyncadd.s32 $0xFFFFFFB0  }
0x1a8: {  	_ =	swait.ge [sflag:s21], $0x50  }
0x1a9: {  	[sflag:s21] =	ssyncset.done $0x0  }
0x1aa: {  	[sflag:s21] =	ssyncadd.s32 $0xFFFFFFB0  }
0x1ab: {  	_ =	swait.ge [sflag:s21], $0x50  }
0x1ac: {  	[sflag:s21] =	ssyncset.done $0x0  }
0x1ad: {  	[sflag:s21] =	ssyncadd.s32 $0xFFFFFFB0  }
0x1ae: {  	_ =	swait.ge [sflag:s21], $0x50  }
0x1af: {  	[sflag:s21] =	ssyncset.done $0x0  }
0x1b0: {  	[sflag:s21] =	ssyncadd.s32 $0xFFFFFFB0  }
0x1b1: {  	_ =	swait.ge [sflag:s21], $0x50  }
0x1b2: {  	[sflag:s21] =	ssyncset.done $0x0  }
0x1b3: {  	s31 =	simm.s32 $0x4280;
	[sflag:s21] =	ssyncadd.s32 $0xFFFFFFB0  }
0x1b4: {  	[spmem:s1] =	stream.indirect.scatter.add.f32 [tilespmem:s16], [sflag:$0x1], $0x1, s31, s20, $0xb8;
	[tilespmem:$0x8300] =	vst v63  }
0x1b5: {  	s26 =	simm.s32 $0x4300  }
0x1b6: {  	[spmem:s1] =	stream.indirect.scatter.add.f32 [tilespmem:s16], [sflag:$0x1], $0x1, s26, s20, $0xb8;
	[tilespmem:$0x8300] =	vst v63  }
0x1b7: {  	s30 =	simm.s32 $0x4380  }
0x1b8: {  	[spmem:s1] =	stream.indirect.scatter.add.f32 [tilespmem:s16], [sflag:$0x1], $0x1, s30, s20, $0xb8;
	[tilespmem:$0x8300] =	vst v63  }
0x1b9: {  	s31 =	simm.s32 $0x4400  }
0x1ba: {  	[spmem:s1] =	stream.indirect.scatter.add.f32 [tilespmem:s16], [sflag:$0x1], $0x1, s31, s20, $0xb8;
	[tilespmem:$0x8300] =	vst v63  }
0x1bb: {  	s26 =	simm.s32 $0x4480  }
0x1bc: {  	[spmem:s1] =	stream.indirect.scatter.add.f32 [tilespmem:s16], [sflag:$0x1], $0x1, s26, s20, $0xb8;
	[tilespmem:$0x8300] =	vst v63  }
0x1bd: {  	s30 =	simm.s32 $0x4500  }
0x1be: {  	[spmem:s1] =	stream.indirect.scatter.add.f32 [tilespmem:s16], [sflag:$0x1], $0x1, s30, s20, $0xb8;
	[tilespmem:$0x8300] =	vst v63  }
0x1bf: {  	s31 =	simm.s32 $0x4580  }
0x1c0: {  	[spmem:s1] =	stream.indirect.scatter.add.f32 [tilespmem:s16], [sflag:$0x1], $0x1, s31, s20, $0xb8;
	[tilespmem:$0x8300] =	vst v63  }
0x1c1: {  	s26 =	simm.s32 $0x4600  }
0x1c2: {  	[spmem:s1] =	stream.indirect.scatter.add.f32 [tilespmem:s16], [sflag:$0x1], $0x1, s26, s20, $0xb8;
	[tilespmem:$0x8300] =	vst v63  }
0x1c3: {  	s30 =	simm.s32 $0x4680  }
0x1c4: {  	[spmem:s1] =	stream.indirect.scatter.add.f32 [tilespmem:s16], [sflag:$0x1], $0x1, s30, s20, $0xb8;
	[tilespmem:$0x8300] =	vst v63  }
0x1c5: {  	s31 =	simm.s32 $0x4700  }
0x1c6: {  	[spmem:s1] =	stream.indirect.scatter.add.f32 [tilespmem:s16], [sflag:$0x1], $0x1, s31, s20, $0xb8;
	[tilespmem:$0x8300] =	vst v63  }
0x1c7: {  	s26 =	simm.s32 $0x4780  }
0x1c8: {  	[spmem:s1] =	stream.indirect.scatter.add.f32 [tilespmem:s16], [sflag:$0x1], $0x1, s26, s20, $0xb8;
	[tilespmem:$0x8300] =	vst v63  }
0x1c9: {  	s30 =	simm.s32 $0x4800  }
0x1ca: {  	[spmem:s1] =	stream.indirect.scatter.add.f32 [tilespmem:s16], [sflag:$0x1], $0x1, s30, s20, $0xb8;
	[tilespmem:$0x8300] =	vst v63  }
0x1cb: {  	s31 =	simm.s32 $0x4880  }
0x1cc: {  	[spmem:s1] =	stream.indirect.scatter.add.f32 [tilespmem:s16], [sflag:$0x1], $0x1, s31, s20, $0xb8;
	[tilespmem:$0x8300] =	vst v63  }
0x1cd: {  	s26 =	simm.s32 $0x4900  }
0x1ce: {  	[spmem:s1] =	stream.indirect.scatter.add.f32 [tilespmem:s16], [sflag:$0x1], $0x1, s26, s20, $0xb8;
	[tilespmem:$0x8300] =	vst v63  }
0x1cf: {  	s30 =	simm.s32 $0x4980  }
0x1d0: {  	[spmem:s1] =	stream.indirect.scatter.add.f32 [tilespmem:s16], [sflag:$0x1], $0x1, s30, s20, $0xb8;
	[tilespmem:$0x8300] =	vst v63  }
0x1d1: {  	s31 =	simm.s32 $0x4A00  }
0x1d2: {  	[spmem:s1] =	stream.indirect.scatter.add.f32 [tilespmem:s16], [sflag:$0x1], $0x1, s31, s20, $0xb8;
	[tilespmem:$0x8300] =	vst v63  }
0x1d3: {  	s26 =	simm.s32 $0x4A80  }
0x1d4: {  	[spmem:s1] =	stream.indirect.scatter.add.f32 [tilespmem:s16], [sflag:$0x1], $0x1, s26, s20, $0xb8;
	[tilespmem:$0x8300] =	vst v63  }
0x1d5: {  	s30 =	simm.s32 $0x4B00  }
0x1d6: {  	[spmem:s1] =	stream.indirect.scatter.add.f32 [tilespmem:s16], [sflag:$0x1], $0x1, s30, s20, $0xb8;
	[tilespmem:$0x8300] =	vst v63  }
0x1d7: {  	s31 =	simm.s32 $0x4B80  }
0x1d8: {  	[spmem:s1] =	stream.indirect.scatter.add.f32 [tilespmem:s16], [sflag:$0x1], $0x1, s31, s20, $0xb8;
	[tilespmem:$0x8300] =	vst v63  }
0x1d9: {  	s26 =	simm.s32 $0x4C00  }
0x1da: {  	[spmem:s1] =	stream.indirect.scatter.add.f32 [tilespmem:s16], [sflag:$0x1], $0x1, s26, s20, $0xb8;
	[tilespmem:$0x8300] =	vst v63  }
0x1db: {  	s30 =	simm.s32 $0x4C80  }
0x1dc: {  	[spmem:s1] =	stream.indirect.scatter.add.f32 [tilespmem:s16], [sflag:$0x1], $0x1, s30, s20, $0xb8;
	[tilespmem:$0x8300] =	vst v63  }
0x1dd: {  	s31 =	simm.s32 $0x4D00  }
0x1de: {  	[spmem:s1] =	stream.indirect.scatter.add.f32 [tilespmem:s16], [sflag:$0x1], $0x1, s31, s20, $0xb8;
	[tilespmem:$0x8300] =	vst v63  }
0x1df: {  	s26 =	simm.s32 $0x4D80  }
0x1e0: {  	[spmem:s1] =	stream.indirect.scatter.add.f32 [tilespmem:s16], [sflag:$0x1], $0x1, s26, s20, $0xb8;
	[tilespmem:$0x8300] =	vst v63  }
0x1e1: {  	s30 =	simm.s32 $0x4E00  }
0x1e2: {  	[spmem:s1] =	stream.indirect.scatter.add.f32 [tilespmem:s16], [sflag:$0x1], $0x1, s30, s20, $0xb8;
	[tilespmem:$0x8300] =	vst v63  }
0x1e3: {  	s31 =	simm.s32 $0x4E80  }
0x1e4: {  	[spmem:s1] =	stream.indirect.scatter.add.f32 [tilespmem:s16], [sflag:$0x1], $0x1, s31, s20, $0xb8;
	[tilespmem:$0x8300] =	vst v63  }
0x1e5: {  	_ =	swait.ge [sflag:s21], $0x50  }
0x1e6: {  	[sflag:s21] =	ssyncset.done $0x0  }
0x1e7: {  	[sflag:s21] =	ssyncadd.s32 $0xFFFFFFB0  }
0x1e8: {  	_ =	swait.ge [sflag:s21], $0x50  }
0x1e9: {  	[sflag:s21] =	ssyncset.done $0x0  }
0x1ea: {  	[sflag:s21] =	ssyncadd.s32 $0xFFFFFFB0  }
0x1eb: {  	_ =	swait.ge [sflag:s21], $0x50  }
0x1ec: {  	[sflag:s21] =	ssyncset.done $0x0  }
0x1ed: {  	[sflag:s21] =	ssyncadd.s32 $0xFFFFFFB0  }
0x1ee: {  	_ =	swait.ge [sflag:s21], $0x50  }
0x1ef: {  	[sflag:s21] =	ssyncset.done $0x0  }
0x1f0: {  	[sflag:s21] =	ssyncadd.s32 $0xFFFFFFB0  }
0x1f1: {  	_ =	swait.ge [sflag:s21], $0x50  }
0x1f2: {  	[sflag:s21] =	ssyncset.done $0x0  }
0x1f3: {  	[sflag:s21] =	ssyncadd.s32 $0xFFFFFFB0  }
0x1f4: {  	_ =	swait.ge [sflag:s21], $0x50  }
0x1f5: {  	[sflag:s21] =	ssyncset.done $0x0  }
0x1f6: {  	[sflag:s21] =	ssyncadd.s32 $0xFFFFFFB0  }
0x1f7: {  	_ =	swait.ge [sflag:s21], $0x50  }
0x1f8: {  	[sflag:s21] =	ssyncset.done $0x0  }
0x1f9: {  	[sflag:s21] =	ssyncadd.s32 $0xFFFFFFB0  }
0x1fa: {  	_ =	swait.ge [sflag:s21], $0x50  }
0x1fb: {  	[sflag:s21] =	ssyncset.done $0x0  }
0x1fc: {  	[sflag:s21] =	ssyncadd.s32 $0xFFFFFFB0  }
0x1fd: {  	_ =	swait.ge [sflag:s21], $0x50  }
0x1fe: {  	[sflag:s21] =	ssyncset.done $0x0  }
0x1ff: {  	[sflag:s21] =	ssyncadd.s32 $0xFFFFFFB0  }
0x200: {  	_ =	swait.ge [sflag:s21], $0x50  }
0x201: {  	[sflag:s21] =	ssyncset.done $0x0  }
0x202: {  	[sflag:s21] =	ssyncadd.s32 $0xFFFFFFB0  }
0x203: {  	_ =	swait.ge [sflag:s21], $0x50  }
0x204: {  	[sflag:s21] =	ssyncset.done $0x0  }
0x205: {  	[sflag:s21] =	ssyncadd.s32 $0xFFFFFFB0  }
0x206: {  	_ =	swait.ge [sflag:s21], $0x50  }
0x207: {  	[sflag:s21] =	ssyncset.done $0x0  }
0x208: {  	[sflag:s21] =	ssyncadd.s32 $0xFFFFFFB0  }
0x209: {  	_ =	swait.ge [sflag:s21], $0x50  }
0x20a: {  	[sflag:s21] =	ssyncset.done $0x0  }
0x20b: {  	[sflag:s21] =	ssyncadd.s32 $0xFFFFFFB0  }
0x20c: {  	_ =	swait.ge [sflag:s21], $0x50  }
0x20d: {  	[sflag:s21] =	ssyncset.done $0x0  }
0x20e: {  	[sflag:s21] =	ssyncadd.s32 $0xFFFFFFB0  }
0x20f: {  	_ =	swait.ge [sflag:s21], $0x50  }
0x210: {  	[sflag:s21] =	ssyncset.done $0x0  }
0x211: {  	[sflag:s21] =	ssyncadd.s32 $0xFFFFFFB0  }
0x212: {  	_ =	swait.ge [sflag:s21], $0x50  }
0x213: {  	[sflag:s21] =	ssyncset.done $0x0  }
0x214: {  	[sflag:s21] =	ssyncadd.s32 $0xFFFFFFB0  }
0x215: {  	_ =	swait.ge [sflag:s21], $0x50  }
0x216: {  	[sflag:s21] =	ssyncset.done $0x0  }
0x217: {  	[sflag:s21] =	ssyncadd.s32 $0xFFFFFFB0  }
0x218: {  	_ =	swait.ge [sflag:s21], $0x50  }
0x219: {  	[sflag:s21] =	ssyncset.done $0x0  }
0x21a: {  	[sflag:s21] =	ssyncadd.s32 $0xFFFFFFB0  }
0x21b: {  	_ =	swait.ge [sflag:s21], $0x50  }
0x21c: {  	[sflag:s21] =	ssyncset.done $0x0  }
0x21d: {  	[sflag:s21] =	ssyncadd.s32 $0xFFFFFFB0  }
0x21e: {  	_ =	swait.ge [sflag:s21], $0x50  }
0x21f: {  	[sflag:s21] =	ssyncset.done $0x0  }
0x220: {  	[sflag:s21] =	ssyncadd.s32 $0xFFFFFFB0  }
0x221: {  	_ =	swait.ge [sflag:s21], $0x50  }
0x222: {  	[sflag:s21] =	ssyncset.done $0x0  }
0x223: {  	[sflag:s21] =	ssyncadd.s32 $0xFFFFFFB0  }
0x224: {  	_ =	swait.ge [sflag:s21], $0x50  }
0x225: {  	[sflag:s21] =	ssyncset.done $0x0  }
0x226: {  	[sflag:s21] =	ssyncadd.s32 $0xFFFFFFB0  }
0x227: {  	_ =	swait.ge [sflag:s21], $0x50  }
0x228: {  	[sflag:s21] =	ssyncset.done $0x0  }
0x229: {  	[sflag:s21] =	ssyncadd.s32 $0xFFFFFFB0  }
0x22a: {  	_ =	swait.ge [sflag:s21], $0x50  }
0x22b: {  	[sflag:s21] =	ssyncset.done $0x0  }
0x22c: {  	[sflag:s21] =	ssyncadd.s32 $0xFFFFFFB0  }
0x22d: {  	_ =	swait.ge [sflag:s21], $0x50  }
0x22e: {  	s29 =	simm.s32 $0x6400;
	s28 =	simm.s32 $0xC80;
	[sflag:s21] =	ssyncset.done $0x0  }
.LBB2_4:
0x22f: {  	s30 =	sadd.s32 $0x4280, s28  }
0x230: {  	[sflag:s21] =	ssyncadd.s32 $0xFFFFFFB0;
	s26 =	smov.u32 s29;
	s25 =	sadd.s32 $0x3200, s29  }
0x231: {  	[spmem:s1] =	stream.indirect.scatter.add.f32 [tilespmem:s16], [sflag:$0x1], $0x1, s30, s20, $0xb8;
	[tilespmem:$0x8300] =	vst v63  }
0x232: {  	p0 =	sne.s32 s29, $0xC800;
	s29 =	sadd.s32 $0x4300, s28  }
0x233: {  	[spmem:s1] =	stream.indirect.scatter.add.f32 [tilespmem:s16], [sflag:$0x1], $0x1, s29, s20, $0xb8;
	[tilespmem:$0x8300] =	vst v63  }
0x234: {  	s29 =	sadd.s32 $0x4380, s28  }
0x235: {  	[spmem:s1] =	stream.indirect.scatter.add.f32 [tilespmem:s16], [sflag:$0x1], $0x1, s29, s20, $0xb8;
	[tilespmem:$0x8300] =	vst v63  }
0x236: {  	s29 =	sadd.s32 $0x4400, s28  }
0x237: {  	[spmem:s1] =	stream.indirect.scatter.add.f32 [tilespmem:s16], [sflag:$0x1], $0x1, s29, s20, $0xb8;
	[tilespmem:$0x8300] =	vst v63  }
0x238: {  	s29 =	sadd.s32 $0x4480, s28  }
0x239: {  	[spmem:s1] =	stream.indirect.scatter.add.f32 [tilespmem:s16], [sflag:$0x1], $0x1, s29, s20, $0xb8;
	[tilespmem:$0x8300] =	vst v63  }
0x23a: {  	s29 =	sadd.s32 $0x4500, s28  }
0x23b: {  	[spmem:s1] =	stream.indirect.scatter.add.f32 [tilespmem:s16], [sflag:$0x1], $0x1, s29, s20, $0xb8;
	[tilespmem:$0x8300] =	vst v63  }
0x23c: {  	s29 =	sadd.s32 $0x4580, s28  }
0x23d: {  	[spmem:s1] =	stream.indirect.scatter.add.f32 [tilespmem:s16], [sflag:$0x1], $0x1, s29, s20, $0xb8;
	[tilespmem:$0x8300] =	vst v63  }
0x23e: {  	s29 =	sadd.s32 $0x4600, s28  }
0x23f: {  	[spmem:s1] =	stream.indirect.scatter.add.f32 [tilespmem:s16], [sflag:$0x1], $0x1, s29, s20, $0xb8;
	[tilespmem:$0x8300] =	vst v63  }
0x240: {  	s29 =	sadd.s32 $0x4680, s28  }
0x241: {  	[spmem:s1] =	stream.indirect.scatter.add.f32 [tilespmem:s16], [sflag:$0x1], $0x1, s29, s20, $0xb8;
	[tilespmem:$0x8300] =	vst v63  }
0x242: {  	s29 =	sadd.s32 $0x4700, s28  }
0x243: {  	[spmem:s1] =	stream.indirect.scatter.add.f32 [tilespmem:s16], [sflag:$0x1], $0x1, s29, s20, $0xb8;
	[tilespmem:$0x8300] =	vst v63  }
0x244: {  	s29 =	sadd.s32 $0x4780, s28  }
0x245: {  	[spmem:s1] =	stream.indirect.scatter.add.f32 [tilespmem:s16], [sflag:$0x1], $0x1, s29, s20, $0xb8;
	[tilespmem:$0x8300] =	vst v63  }
0x246: {  	s29 =	sadd.s32 $0x4800, s28  }
0x247: {  	[spmem:s1] =	stream.indirect.scatter.add.f32 [tilespmem:s16], [sflag:$0x1], $0x1, s29, s20, $0xb8;
	[tilespmem:$0x8300] =	vst v63  }
0x248: {  	s29 =	sadd.s32 $0x4880, s28  }
0x249: {  	[spmem:s1] =	stream.indirect.scatter.add.f32 [tilespmem:s16], [sflag:$0x1], $0x1, s29, s20, $0xb8;
	[tilespmem:$0x8300] =	vst v63  }
0x24a: {  	s29 =	sadd.s32 $0x4900, s28  }
0x24b: {  	[spmem:s1] =	stream.indirect.scatter.add.f32 [tilespmem:s16], [sflag:$0x1], $0x1, s29, s20, $0xb8;
	[tilespmem:$0x8300] =	vst v63  }
0x24c: {  	s29 =	sadd.s32 $0x4980, s28  }
0x24d: {  	[spmem:s1] =	stream.indirect.scatter.add.f32 [tilespmem:s16], [sflag:$0x1], $0x1, s29, s20, $0xb8;
	[tilespmem:$0x8300] =	vst v63  }
0x24e: {  	s29 =	sadd.s32 $0x4A00, s28  }
0x24f: {  	[spmem:s1] =	stream.indirect.scatter.add.f32 [tilespmem:s16], [sflag:$0x1], $0x1, s29, s20, $0xb8;
	[tilespmem:$0x8300] =	vst v63  }
0x250: {  	s29 =	sadd.s32 $0x4A80, s28  }
0x251: {  	[spmem:s1] =	stream.indirect.scatter.add.f32 [tilespmem:s16], [sflag:$0x1], $0x1, s29, s20, $0xb8;
	[tilespmem:$0x8300] =	vst v63  }
0x252: {  	s29 =	sadd.s32 $0x4B00, s28  }
0x253: {  	[spmem:s1] =	stream.indirect.scatter.add.f32 [tilespmem:s16], [sflag:$0x1], $0x1, s29, s20, $0xb8;
	[tilespmem:$0x8300] =	vst v63  }
0x254: {  	s29 =	sadd.s32 $0x4B80, s28  }
0x255: {  	[spmem:s1] =	stream.indirect.scatter.add.f32 [tilespmem:s16], [sflag:$0x1], $0x1, s29, s20, $0xb8;
	[tilespmem:$0x8300] =	vst v63  }
0x256: {  	s29 =	sadd.s32 $0x4C00, s28  }
0x257: {  	[spmem:s1] =	stream.indirect.scatter.add.f32 [tilespmem:s16], [sflag:$0x1], $0x1, s29, s20, $0xb8;
	[tilespmem:$0x8300] =	vst v63  }
0x258: {  	s29 =	sadd.s32 $0x4C80, s28  }
0x259: {  	[spmem:s1] =	stream.indirect.scatter.add.f32 [tilespmem:s16], [sflag:$0x1], $0x1, s29, s20, $0xb8;
	[tilespmem:$0x8300] =	vst v63  }
0x25a: {  	s29 =	sadd.s32 $0x4D00, s28  }
0x25b: {  	[spmem:s1] =	stream.indirect.scatter.add.f32 [tilespmem:s16], [sflag:$0x1], $0x1, s29, s20, $0xb8;
	[tilespmem:$0x8300] =	vst v63  }
0x25c: {  	s29 =	sadd.s32 $0x4D80, s28  }
0x25d: {  	[spmem:s1] =	stream.indirect.scatter.add.f32 [tilespmem:s16], [sflag:$0x1], $0x1, s29, s20, $0xb8;
	[tilespmem:$0x8300] =	vst v63  }
0x25e: {  	s29 =	sadd.s32 $0x4E00, s28  }
0x25f: {  	[spmem:s1] =	stream.indirect.scatter.add.f32 [tilespmem:s16], [sflag:$0x1], $0x1, s29, s20, $0xb8;
	[tilespmem:$0x8300] =	vst v63  }
0x260: {  	s28 =	sadd.s32 $0x4E80, s28  }
0x261: {  	[spmem:s1] =	stream.indirect.scatter.add.f32 [tilespmem:s16], [sflag:$0x1], $0x1, s28, s20, $0xb8;
	[tilespmem:$0x8300] =	vst v63  }
0x262: {  	_ =	swait.ge [sflag:s21], $0x50  }
0x263: {  	[sflag:s21] =	ssyncset.done $0x0  }
0x264: {  	[sflag:s21] =	ssyncadd.s32 $0xFFFFFFB0  }
0x265: {  	_ =	swait.ge [sflag:s21], $0x50  }
0x266: {  	[sflag:s21] =	ssyncset.done $0x0  }
0x267: {  	[sflag:s21] =	ssyncadd.s32 $0xFFFFFFB0  }
0x268: {  	_ =	swait.ge [sflag:s21], $0x50  }
0x269: {  	[sflag:s21] =	ssyncset.done $0x0  }
0x26a: {  	[sflag:s21] =	ssyncadd.s32 $0xFFFFFFB0  }
0x26b: {  	_ =	swait.ge [sflag:s21], $0x50  }
0x26c: {  	[sflag:s21] =	ssyncset.done $0x0  }
0x26d: {  	[sflag:s21] =	ssyncadd.s32 $0xFFFFFFB0  }
0x26e: {  	_ =	swait.ge [sflag:s21], $0x50  }
0x26f: {  	[sflag:s21] =	ssyncset.done $0x0  }
0x270: {  	[sflag:s21] =	ssyncadd.s32 $0xFFFFFFB0  }
0x271: {  	_ =	swait.ge [sflag:s21], $0x50  }
0x272: {  	[sflag:s21] =	ssyncset.done $0x0  }
0x273: {  	[sflag:s21] =	ssyncadd.s32 $0xFFFFFFB0  }
0x274: {  	_ =	swait.ge [sflag:s21], $0x50  }
0x275: {  	[sflag:s21] =	ssyncset.done $0x0  }
0x276: {  	[sflag:s21] =	ssyncadd.s32 $0xFFFFFFB0  }
0x277: {  	_ =	swait.ge [sflag:s21], $0x50  }
0x278: {  	[sflag:s21] =	ssyncset.done $0x0  }
0x279: {  	[sflag:s21] =	ssyncadd.s32 $0xFFFFFFB0  }
0x27a: {  	_ =	swait.ge [sflag:s21], $0x50  }
0x27b: {  	[sflag:s21] =	ssyncset.done $0x0  }
0x27c: {  	[sflag:s21] =	ssyncadd.s32 $0xFFFFFFB0  }
0x27d: {  	_ =	swait.ge [sflag:s21], $0x50  }
0x27e: {  	[sflag:s21] =	ssyncset.done $0x0  }
0x27f: {  	[sflag:s21] =	ssyncadd.s32 $0xFFFFFFB0  }
0x280: {  	_ =	swait.ge [sflag:s21], $0x50  }
0x281: {  	[sflag:s21] =	ssyncset.done $0x0  }
0x282: {  	[sflag:s21] =	ssyncadd.s32 $0xFFFFFFB0  }
0x283: {  	_ =	swait.ge [sflag:s21], $0x50  }
0x284: {  	[sflag:s21] =	ssyncset.done $0x0  }
0x285: {  	[sflag:s21] =	ssyncadd.s32 $0xFFFFFFB0  }
0x286: {  	_ =	swait.ge [sflag:s21], $0x50  }
0x287: {  	[sflag:s21] =	ssyncset.done $0x0  }
0x288: {  	[sflag:s21] =	ssyncadd.s32 $0xFFFFFFB0  }
0x289: {  	_ =	swait.ge [sflag:s21], $0x50  }
0x28a: {  	[sflag:s21] =	ssyncset.done $0x0  }
0x28b: {  	[sflag:s21] =	ssyncadd.s32 $0xFFFFFFB0  }
0x28c: {  	_ =	swait.ge [sflag:s21], $0x50  }
0x28d: {  	[sflag:s21] =	ssyncset.done $0x0  }
0x28e: {  	[sflag:s21] =	ssyncadd.s32 $0xFFFFFFB0  }
0x28f: {  	_ =	swait.ge [sflag:s21], $0x50  }
0x290: {  	[sflag:s21] =	ssyncset.done $0x0  }
0x291: {  	[sflag:s21] =	ssyncadd.s32 $0xFFFFFFB0  }
0x292: {  	_ =	swait.ge [sflag:s21], $0x50  }
0x293: {  	[sflag:s21] =	ssyncset.done $0x0  }
0x294: {  	[sflag:s21] =	ssyncadd.s32 $0xFFFFFFB0  }
0x295: {  	_ =	swait.ge [sflag:s21], $0x50  }
0x296: {  	[sflag:s21] =	ssyncset.done $0x0  }
0x297: {  	[sflag:s21] =	ssyncadd.s32 $0xFFFFFFB0  }
0x298: {  	_ =	swait.ge [sflag:s21], $0x50  }
0x299: {  	[sflag:s21] =	ssyncset.done $0x0  }
0x29a: {  	[sflag:s21] =	ssyncadd.s32 $0xFFFFFFB0  }
0x29b: {  	_ =	swait.ge [sflag:s21], $0x50  }
0x29c: {  	[sflag:s21] =	ssyncset.done $0x0  }
0x29d: {  	[sflag:s21] =	ssyncadd.s32 $0xFFFFFFB0  }
0x29e: {  	_ =	swait.ge [sflag:s21], $0x50  }
0x29f: {  	[sflag:s21] =	ssyncset.done $0x0  }
0x2a0: {  	[sflag:s21] =	ssyncadd.s32 $0xFFFFFFB0  }
0x2a1: {  	_ =	swait.ge [sflag:s21], $0x50  }
0x2a2: {  	[sflag:s21] =	ssyncset.done $0x0  }
0x2a3: {  	[sflag:s21] =	ssyncadd.s32 $0xFFFFFFB0  }
0x2a4: {  	_ =	swait.ge [sflag:s21], $0x50  }
0x2a5: {  	[sflag:s21] =	ssyncset.done $0x0  }
0x2a6: {  	[sflag:s21] =	ssyncadd.s32 $0xFFFFFFB0  }
.Ltmp1:
0x2a7: {  	_ =	swait.ge [sflag:s21], $0x50;
	(pc) =	sbr.rel @p0 .LBB2_4-.Ltmp1, $4  }
0x2a8: {  	[sflag:s21] =	ssyncset.done $0x0  }
0x2a9: {  	[sflag:s21] =	ssyncadd.s32 $0xFFFFFFB0  }
0x2aa: {  	_ =	swait.ge [sflag:s21], $0x50  }
0x2ab: {  	s29 =	smov.u32 s25;
	s28 =	sshra.s32 s26, $0x2;
	[sflag:s21] =	ssyncset.done $0x0  }
0x2ac: {  	s25 =	sadd.s32 $0x4280, s28;
	[sflag:s21] =	ssyncadd.s32 $0xFFFFFFB0  }
0x2ad: {  	[spmem:s1] =	stream.indirect.scatter.add.f32 [tilespmem:s16], [sflag:$0x1], $0x1, s25, s20, $0xb8;
	[tilespmem:$0x8300] =	vst v63  }
0x2ae: {  	s26 =	sadd.s32 $0x4300, s28  }
0x2af: {  	[spmem:s1] =	stream.indirect.scatter.add.f32 [tilespmem:s16], [sflag:$0x1], $0x1, s26, s20, $0xb8;
	[tilespmem:$0x8300] =	vst v63  }
0x2b0: {  	s29 =	sadd.s32 $0x4380, s28  }
0x2b1: {  	[spmem:s1] =	stream.indirect.scatter.add.f32 [tilespmem:s16], [sflag:$0x1], $0x1, s29, s20, $0xb8;
	[tilespmem:$0x8300] =	vst v63  }
0x2b2: {  	s30 =	sadd.s32 $0x4400, s28  }
0x2b3: {  	[spmem:s1] =	stream.indirect.scatter.add.f32 [tilespmem:s16], [sflag:$0x1], $0x1, s30, s20, $0xb8;
	[tilespmem:$0x8300] =	vst v63  }
0x2b4: {  	s31 =	sadd.s32 $0x4480, s28  }
0x2b5: {  	[spmem:s1] =	stream.indirect.scatter.add.f32 [tilespmem:s16], [sflag:$0x1], $0x1, s31, s20, $0xb8;
	[tilespmem:$0x8300] =	vst v63  }
0x2b6: {  	s26 =	sadd.s32 $0x4500, s28  }
0x2b7: {  	[spmem:s1] =	stream.indirect.scatter.add.f32 [tilespmem:s16], [sflag:$0x1], $0x1, s26, s20, $0xb8;
	[tilespmem:$0x8300] =	vst v63  }
0x2b8: {  	s29 =	sadd.s32 $0x4580, s28  }
0x2b9: {  	[spmem:s1] =	stream.indirect.scatter.add.f32 [tilespmem:s16], [sflag:$0x1], $0x1, s29, s20, $0xb8;
	[tilespmem:$0x8300] =	vst v63  }
0x2ba: {  	s30 =	sadd.s32 $0x4600, s28  }
0x2bb: {  	[spmem:s1] =	stream.indirect.scatter.add.f32 [tilespmem:s16], [sflag:$0x1], $0x1, s30, s20, $0xb8;
	[tilespmem:$0x8300] =	vst v63  }
0x2bc: {  	s31 =	sadd.s32 $0x4680, s28  }
0x2bd: {  	[spmem:s1] =	stream.indirect.scatter.add.f32 [tilespmem:s16], [sflag:$0x1], $0x1, s31, s20, $0xb8;
	[tilespmem:$0x8300] =	vst v63  }
0x2be: {  	s26 =	sadd.s32 $0x4700, s28  }
0x2bf: {  	[spmem:s1] =	stream.indirect.scatter.add.f32 [tilespmem:s16], [sflag:$0x1], $0x1, s26, s20, $0xb8;
	[tilespmem:$0x8300] =	vst v63  }
0x2c0: {  	s29 =	sadd.s32 $0x4780, s28  }
0x2c1: {  	[spmem:s1] =	stream.indirect.scatter.add.f32 [tilespmem:s16], [sflag:$0x1], $0x1, s29, s20, $0xb8;
	[tilespmem:$0x8300] =	vst v63  }
0x2c2: {  	s30 =	sadd.s32 $0x4800, s28  }
0x2c3: {  	[spmem:s1] =	stream.indirect.scatter.add.f32 [tilespmem:s16], [sflag:$0x1], $0x1, s30, s20, $0xb8;
	[tilespmem:$0x8300] =	vst v63  }
0x2c4: {  	s31 =	sadd.s32 $0x4880, s28  }
0x2c5: {  	[spmem:s1] =	stream.indirect.scatter.add.f32 [tilespmem:s16], [sflag:$0x1], $0x1, s31, s20, $0xb8;
	[tilespmem:$0x8300] =	vst v63  }
0x2c6: {  	s26 =	sadd.s32 $0x4900, s28  }
0x2c7: {  	[spmem:s1] =	stream.indirect.scatter.add.f32 [tilespmem:s16], [sflag:$0x1], $0x1, s26, s20, $0xb8;
	[tilespmem:$0x8300] =	vst v63  }
0x2c8: {  	s29 =	sadd.s32 $0x4980, s28  }
0x2c9: {  	[spmem:s1] =	stream.indirect.scatter.add.f32 [tilespmem:s16], [sflag:$0x1], $0x1, s29, s20, $0xb8;
	[tilespmem:$0x8300] =	vst v63  }
0x2ca: {  	s30 =	sadd.s32 $0x4A00, s28  }
0x2cb: {  	[spmem:s1] =	stream.indirect.scatter.add.f32 [tilespmem:s16], [sflag:$0x1], $0x1, s30, s20, $0xb8;
	[tilespmem:$0x8300] =	vst v63  }
0x2cc: {  	s31 =	sadd.s32 $0x4A80, s28  }
0x2cd: {  	[spmem:s1] =	stream.indirect.scatter.add.f32 [tilespmem:s16], [sflag:$0x1], $0x1, s31, s20, $0xb8;
	[tilespmem:$0x8300] =	vst v63  }
0x2ce: {  	s26 =	sadd.s32 $0x4B00, s28  }
0x2cf: {  	[spmem:s1] =	stream.indirect.scatter.add.f32 [tilespmem:s16], [sflag:$0x1], $0x1, s26, s20, $0xb8;
	[tilespmem:$0x8300] =	vst v63  }
0x2d0: {  	s29 =	sadd.s32 $0x4B80, s28  }
0x2d1: {  	[spmem:s1] =	stream.indirect.scatter.add.f32 [tilespmem:s16], [sflag:$0x1], $0x1, s29, s20, $0xb8;
	[tilespmem:$0x8300] =	vst v63  }
0x2d2: {  	s30 =	sadd.s32 $0x4C00, s28  }
0x2d3: {  	[spmem:s1] =	stream.indirect.scatter.add.f32 [tilespmem:s16], [sflag:$0x1], $0x1, s30, s20, $0xb8;
	[tilespmem:$0x8300] =	vst v63  }
0x2d4: {  	s31 =	sadd.s32 $0x4C80, s28  }
0x2d5: {  	[spmem:s1] =	stream.indirect.scatter.add.f32 [tilespmem:s16], [sflag:$0x1], $0x1, s31, s20, $0xb8;
	[tilespmem:$0x8300] =	vst v63  }
0x2d6: {  	s26 =	sadd.s32 $0x4D00, s28  }
0x2d7: {  	[spmem:s1] =	stream.indirect.scatter.add.f32 [tilespmem:s16], [sflag:$0x1], $0x1, s26, s20, $0xb8;
	[tilespmem:$0x8300] =	vst v63  }
0x2d8: {  	s29 =	sadd.s32 $0x4D80, s28  }
0x2d9: {  	[spmem:s1] =	stream.indirect.scatter.add.f32 [tilespmem:s16], [sflag:$0x1], $0x1, s29, s20, $0xb8;
	[tilespmem:$0x8300] =	vst v63  }
0x2da: {  	s30 =	sadd.s32 $0x4E00, s28  }
0x2db: {  	[spmem:s1] =	stream.indirect.scatter.add.f32 [tilespmem:s16], [sflag:$0x1], $0x1, s30, s20, $0xb8;
	[tilespmem:$0x8300] =	vst v63  }
0x2dc: {  	s31 =	sadd.s32 $0x4E80, s28  }
0x2dd: {  	[spmem:s1] =	stream.indirect.scatter.add.f32 [tilespmem:s16], [sflag:$0x1], $0x1, s31, s20, $0xb8;
	[tilespmem:$0x8300] =	vst v63  }
0x2de: {  	_ =	swait.ge [sflag:s21], $0x50  }
0x2df: {  	[sflag:s21] =	ssyncset.done $0x0  }
0x2e0: {  	[sflag:s21] =	ssyncadd.s32 $0xFFFFFFB0  }
0x2e1: {  	_ =	swait.ge [sflag:s21], $0x50  }
0x2e2: {  	[sflag:s21] =	ssyncset.done $0x0  }
0x2e3: {  	[sflag:s21] =	ssyncadd.s32 $0xFFFFFFB0  }
0x2e4: {  	_ =	swait.ge [sflag:s21], $0x50  }
0x2e5: {  	[sflag:s21] =	ssyncset.done $0x0  }
0x2e6: {  	[sflag:s21] =	ssyncadd.s32 $0xFFFFFFB0  }
0x2e7: {  	_ =	swait.ge [sflag:s21], $0x50  }
0x2e8: {  	[sflag:s21] =	ssyncset.done $0x0  }
0x2e9: {  	[sflag:s21] =	ssyncadd.s32 $0xFFFFFFB0  }
0x2ea: {  	_ =	swait.ge [sflag:s21], $0x50  }
0x2eb: {  	[sflag:s21] =	ssyncset.done $0x0  }
0x2ec: {  	[sflag:s21] =	ssyncadd.s32 $0xFFFFFFB0  }
0x2ed: {  	_ =	swait.ge [sflag:s21], $0x50  }
0x2ee: {  	[sflag:s21] =	ssyncset.done $0x0  }
0x2ef: {  	[sflag:s21] =	ssyncadd.s32 $0xFFFFFFB0  }
0x2f0: {  	_ =	swait.ge [sflag:s21], $0x50  }
0x2f1: {  	[sflag:s21] =	ssyncset.done $0x0  }
0x2f2: {  	[sflag:s21] =	ssyncadd.s32 $0xFFFFFFB0  }
0x2f3: {  	_ =	swait.ge [sflag:s21], $0x50  }
0x2f4: {  	[sflag:s21] =	ssyncset.done $0x0  }
0x2f5: {  	[sflag:s21] =	ssyncadd.s32 $0xFFFFFFB0  }
0x2f6: {  	_ =	swait.ge [sflag:s21], $0x50  }
0x2f7: {  	[sflag:s21] =	ssyncset.done $0x0  }
0x2f8: {  	[sflag:s21] =	ssyncadd.s32 $0xFFFFFFB0  }
0x2f9: {  	_ =	swait.ge [sflag:s21], $0x50  }
0x2fa: {  	[sflag:s21] =	ssyncset.done $0x0  }
0x2fb: {  	[sflag:s21] =	ssyncadd.s32 $0xFFFFFFB0  }
0x2fc: {  	_ =	swait.ge [sflag:s21], $0x50  }
0x2fd: {  	[sflag:s21] =	ssyncset.done $0x0  }
0x2fe: {  	[sflag:s21] =	ssyncadd.s32 $0xFFFFFFB0  }
0x2ff: {  	_ =	swait.ge [sflag:s21], $0x50  }
0x300: {  	[sflag:s21] =	ssyncset.done $0x0  }
0x301: {  	[sflag:s21] =	ssyncadd.s32 $0xFFFFFFB0  }
0x302: {  	_ =	swait.ge [sflag:s21], $0x50  }
0x303: {  	[sflag:s21] =	ssyncset.done $0x0  }
0x304: {  	[sflag:s21] =	ssyncadd.s32 $0xFFFFFFB0  }
0x305: {  	_ =	swait.ge [sflag:s21], $0x50  }
0x306: {  	[sflag:s21] =	ssyncset.done $0x0  }
0x307: {  	[sflag:s21] =	ssyncadd.s32 $0xFFFFFFB0  }
0x308: {  	_ =	swait.ge [sflag:s21], $0x50  }
0x309: {  	[sflag:s21] =	ssyncset.done $0x0  }
0x30a: {  	[sflag:s21] =	ssyncadd.s32 $0xFFFFFFB0  }
0x30b: {  	_ =	swait.ge [sflag:s21], $0x50  }
0x30c: {  	[sflag:s21] =	ssyncset.done $0x0  }
0x30d: {  	[sflag:s21] =	ssyncadd.s32 $0xFFFFFFB0  }
0x30e: {  	_ =	swait.ge [sflag:s21], $0x50  }
0x30f: {  	[sflag:s21] =	ssyncset.done $0x0  }
0x310: {  	[sflag:s21] =	ssyncadd.s32 $0xFFFFFFB0  }
0x311: {  	_ =	swait.ge [sflag:s21], $0x50  }
0x312: {  	[sflag:s21] =	ssyncset.done $0x0  }
0x313: {  	[sflag:s21] =	ssyncadd.s32 $0xFFFFFFB0  }
0x314: {  	_ =	swait.ge [sflag:s21], $0x50  }
0x315: {  	[sflag:s21] =	ssyncset.done $0x0  }
0x316: {  	[sflag:s21] =	ssyncadd.s32 $0xFFFFFFB0  }
0x317: {  	_ =	swait.ge [sflag:s21], $0x50  }
0x318: {  	[sflag:s21] =	ssyncset.done $0x0  }
0x319: {  	[sflag:s21] =	ssyncadd.s32 $0xFFFFFFB0  }
0x31a: {  	_ =	swait.ge [sflag:s21], $0x50  }
0x31b: {  	[sflag:s21] =	ssyncset.done $0x0  }
0x31c: {  	[sflag:s21] =	ssyncadd.s32 $0xFFFFFFB0  }
0x31d: {  	_ =	swait.ge [sflag:s21], $0x50  }
0x31e: {  	[sflag:s21] =	ssyncset.done $0x0  }
0x31f: {  	[sflag:s21] =	ssyncadd.s32 $0xFFFFFFB0  }
0x320: {  	_ =	swait.ge [sflag:s21], $0x50  }
0x321: {  	[sflag:s21] =	ssyncset.done $0x0  }
0x322: {  	[sflag:s21] =	ssyncadd.s32 $0xFFFFFFB0  }
0x323: {  	_ =	swait.ge [sflag:s21], $0x50  }
0x324: {  	[sflag:s21] =	ssyncset.done $0x0  }
0x325: {  	[sflag:s21] =	ssyncadd.s32 $0xFFFFFFB0  }
0x326: {  	_ =	swait.ge [sflag:s21], $0x50  }
0x327: {  	s24 =	sadd.s32 $0x1, s24;
	[sflag:s21] =	ssyncset.done $0x0  }
0x328: {  	p0 =	sne.s32 s24, s15;
	[sflag:s21] =	ssyncadd.s32 $0xFFFFFFB0  }
.Ltmp2:
0x329: {  	[bflag:$0x0] =	sbarrier.arrive $0xFFFF;
	(pc) =	sbr.rel @p0 .LBB2_1-.Ltmp2, $4  }
0x32a: {  	[hbm:s14], [sflag:s22] =	dma.local [spmem:s23], $0x50  }
0x32b: {  	_ =	swait.ge [sflag:s17], $0x50  }
0x32c: {  	[sflag:s17] =	ssyncset.done $0x0  }
0x32d: {  	[sflag:s17] =	ssyncadd.s32 $0xFFFFFFB0  }
0x32e: {  	_ =	sfence.sel $0x180000  }
0x32f: {  	[bflag:$0x0] =	sbarrier.arrive $0xFFFF  }
0x330: {  	p0 =	sne.s32 s2, $0x0;
	_ =	strace $0x90000047  }
0x331: {  	s0 =	sadd.s32 @!p0 $0x100000, s0;
	[bflag:$0x2] =	sbarrier.arrive $0xFFFF  }
0x332: {  	[sflag:s0] =	ssyncadd.tile.s32 @!p0 $0x1;
	_ =	shalt  }
.Lfunc_end2:
_tile_overlayer_lowered:
.L_overlay_start_2:
0x333: {  	(tag) =	ssettag $0x2  }
0x334: {  	s0 =	rddreg [dreg:$0x0];
	s2 =	stileid.u32  }
0x335: {  	s1 =	rddreg [dreg:$0x1];
	p0 =	sne.s32 s2, $0x0  }
0x336: {  	s3 =	rddreg [dreg:$0x2];
	[bflag:$0x3] =	sbarrier.arrive $0xFFFF;
	s2 =	simm.s32 @!p0 $0x1C02  }
0x337: {  	[timem:s3], [sflag:s2] =	dma.local @!p0 [hbm:s0], s1  }
0x338: {  	s0 =	simm.s32 @!p0 $0x2  }
0x339: {  	_ =	swait.ge @!p0 [sflag:s0], s1  }
0x33a: {  	s1 =	ssub.s32 @!p0 $0x0, s1;
	[sflag:s0] =	ssyncset.done @!p0 $0x0  }
0x33b: {  	[sflag:s0] =	ssyncadd.s32 @!p0 s1  }
0x33c: {  	[bflag:$0x3] =	sbarrier.arrive $0xFFFF  }
0x33d: {  	_ =	shalt  }

</sc_bundles>
